<compile_context>
chip_gen: v7x
topology: tpu7x:2x2x1
jax: 0.10.2.dev20260603
libtpu: 0.0.44.dev20260713+nightly
codegen_flags: <defaults>
</compile_context>

<pallas_src>
import functools

import jax
import jax.numpy as jnp
from jax import lax
from jax.experimental import pallas as pl
from jax.experimental.pallas import tpu as pltpu
from jax.experimental.pallas import tpu_sc as plsc

N_NODES = 10000
N_EDGES = 320000
D = 128

NC = 2
NS = 16
NW = NC * NS

CHUNK = 128
N_CHUNKS = N_EDGES // CHUNK
SLICES = [(0, 1250), (1250, 1250)]
NSLICE = len(SLICES)
NPAD = 10240
STRIPE = NPAD // NS

KB = 3
BROWS = KB * CHUNK


def _cfg(sz):
    base = sz // NW
    extra = sz % NW
    nfull = base // KB
    idxw = ((base + 8 + 7) // 8) * 8
    return base, extra, nfull, idxw

_mesh = lambda: plsc.VectorSubcoreMesh(core_axis_name="c", subcore_axis_name="s")


def _worker_range(wid, base, extra):
    nch = base + jnp.where(wid < extra, 1, 0)
    start = wid * base + jnp.minimum(wid, extra)
    return start, nch



def _gelu(x):
    return 0.5 * x * (1.0 + lax.erf(x * 0.7071067811865476))


def _xw_body(x_ref, w_ref, o_ref):
    o_ref[...] = jnp.dot(x_ref[...], w_ref[...], preferred_element_type=jnp.float32)


def _project_nodes(x_feat, w1t):
    return pl.pallas_call(
        _xw_body,
        out_shape=jax.ShapeDtypeStruct((N_NODES, D), jnp.float32),
    )(x_feat, w1t)


EB = 8000


def _combine_body(e_ref, g_ref, bs_ref, w_ref, b1_ref, o_ref):
    pre = jnp.dot(e_ref[...], w_ref[...], preferred_element_type=jnp.float32)
    pre = pre + g_ref[...] + b1_ref[...]
    o_ref[...] = _gelu(pre) * bs_ref[...]


def _combine(s, edge_attr, g_s, bases, w1t, b1_row):
    off, sz = SLICES[s]
    se = sz * CHUNK
    blk0 = (off * CHUNK) // EB
    loc = lambda i: (i, 0)
    glo = lambda i: (blk0 + i, 0)
    fix = lambda i: (0, 0)
    return pl.pallas_call(
        _combine_body,
        grid=(se // EB,),
        in_specs=[
            pl.BlockSpec((EB, D), glo),
            pl.BlockSpec((EB, D), loc),
            pl.BlockSpec((EB, D), glo),
            pl.BlockSpec((D, D), fix),
            pl.BlockSpec((1, D), fix),
        ],
        out_specs=pl.BlockSpec((EB, D), loc),
        out_shape=jax.ShapeDtypeStruct((se, D), jnp.float32),
    )(edge_attr, g_s, bases, w1t, b1_row)


def _ffn_body(x_ref, a0_ref, a1_ref, w2_ref, b2_ref, g1_ref, be1_ref,
              w3_ref, b3_ref, g2_ref, be2_ref, o_ref):
    aggr = (a0_ref[0, :N_NODES] + a0_ref[1, :N_NODES]) + \
           (a1_ref[0, :N_NODES] + a1_ref[1, :N_NODES])
    x = x_ref[...] + aggr
    h = jnp.dot(x, w2_ref[...], preferred_element_type=jnp.float32) + b2_ref[...]
    mean = jnp.mean(h, axis=0, keepdims=True)
    var = jnp.mean((h - mean) ** 2, axis=0, keepdims=True)
    h = (h - mean) / jnp.sqrt(var + 1e-5) * g1_ref[...] + be1_ref[...]
    h = _gelu(h)
    h = jnp.dot(h, w3_ref[...], preferred_element_type=jnp.float32) + b3_ref[...]
    mean = jnp.mean(h, axis=0, keepdims=True)
    var = jnp.mean((h - mean) ** 2, axis=0, keepdims=True)
    h = (h - mean) / jnp.sqrt(var + 1e-5) * g2_ref[...] + be2_ref[...]
    h = _gelu(h)
    o_ref[...] = x + h


def _ffn(x_feat, accs, w2t, b2r, g1r, be1r, w3t, b3r, g2r, be2r):
    return pl.pallas_call(
        _ffn_body,
        out_shape=jax.ShapeDtypeStruct((N_NODES, D), jnp.float32),
    )(x_feat, *accs, w2t, b2r, g1r, be1r, w3t, b3r, g2r, be2r)



def _make_gather(chunk_base, base, extra, nfull, idxw):
    def body(table_hbm, idx_hbm, out_hbm, idx_v, rows_a, rows_b, gsa, gsb):
        cid = lax.axis_index("c")
        sid = lax.axis_index("s")
        wid = sid * NC + cid
        start, nch = _worker_range(wid, base, extra)
        gstart = chunk_base + start
        aligned = pl.multiple_of(
            jnp.minimum((gstart // 8) * 8, 2 * N_CHUNKS - idxw), 8)
        delta = gstart - aligned
        pltpu.sync_copy(idx_hbm.at[pl.ds(aligned, idxw)], idx_v)

        def issue(b, rows, sem):
            for k in range(KB):
                pltpu.async_copy(table_hbm.at[idx_v.at[delta + b * KB + k]],
                                 rows.at[pl.ds(k * CHUNK, CHUNK)], sem)

        def wait(rows, sem):
            pltpu.make_async_copy(out_hbm.at[pl.ds(0, BROWS)], rows, sem).wait()

        def store(b, rows):
            ofs = pl.multiple_of((start + b * KB) * CHUNK, CHUNK)
            pltpu.sync_copy(rows, out_hbm.at[pl.ds(ofs, BROWS)])

        issue(0, rows_a, gsa)

        def loop(b, carry):
            even = b % 2 == 0

            @pl.when(even)
            def _():
                wait(rows_a, gsa)

                @pl.when(b + 1 < nfull)
                def _():
                    issue(b + 1, rows_b, gsb)
                store(b, rows_a)

            @pl.when(jnp.logical_not(even))
            def _():
                wait(rows_b, gsb)

                @pl.when(b + 1 < nfull)
                def _():
                    issue(b + 1, rows_a, gsa)
                store(b, rows_b)

            return carry

        lax.fori_loop(0, nfull, loop, 0)

        def tail(j, carry):
            ofs = pl.multiple_of((start + j) * CHUNK, CHUNK)
            pltpu.async_copy(table_hbm.at[idx_v.at[delta + j]],
                             rows_a.at[pl.ds(0, CHUNK)], gsa).wait()
            pltpu.sync_copy(rows_a.at[pl.ds(0, CHUNK)], out_hbm.at[pl.ds(ofs, CHUNK)])
            return carry

        lax.fori_loop(nfull * KB, nch, tail, 0)

    return body


def _gather(s, table, idx_pad):
    off, sz = SLICES[s]
    base, extra, nfull, idxw = _cfg(sz)
    k = functools.partial(
        pl.kernel,
        out_type=jax.ShapeDtypeStruct((sz * CHUNK, D), jnp.float32),
        mesh=_mesh(),
        scratch_types=[
            pltpu.VMEM((idxw, CHUNK), jnp.int32),
            pltpu.VMEM((BROWS, D), jnp.float32),
            pltpu.VMEM((BROWS, D), jnp.float32),
            pltpu.SemaphoreType.DMA,
            pltpu.SemaphoreType.DMA,
        ],
        name=f"edge_gather_s{s}",
    )(_make_gather(off, base, extra, nfull, idxw))
    return k(table, idx_pad)


def _make_scatter(chunk_base, base, extra, idxw):
    def body(v_hbm, dst_hbm, out_hbm, idx_v, rows_a, rows_b, acc_sh, lsa, lsb):
        cid = lax.axis_index("c")
        sid = lax.axis_index("s")
        wid = sid * NC + cid

        zero16 = jnp.zeros((16,), jnp.float32)

        def zrow(r, carry):
            for k in range(D // 16):
                rows_a[r, pl.ds(k * 16, 16)] = zero16
            return carry

        lax.fori_loop(0, CHUNK, zrow, 0)
        for t in range(STRIPE // CHUNK):
            ofs = pl.multiple_of(sid * STRIPE + t * CHUNK, CHUNK)
            pltpu.sync_copy(rows_a, acc_sh.at[pl.ds(ofs, CHUNK)])
        plsc.subcore_barrier()

        start, nch = _worker_range(wid, base, extra)
        gstart = chunk_base + start
        aligned = pl.multiple_of(
            jnp.minimum((gstart // 8) * 8, 2 * N_CHUNKS - idxw), 8)
        delta = gstart - aligned
        pltpu.sync_copy(dst_hbm.at[pl.ds(aligned, idxw)], idx_v)

        def issue(j, rows, sem):
            ofs = pl.multiple_of((start + j) * CHUNK, CHUNK)
            pltpu.async_copy(v_hbm.at[pl.ds(ofs, CHUNK)], rows, sem)

        def wait(rows, sem):
            pltpu.make_async_copy(v_hbm.at[pl.ds(0, CHUNK)], rows, sem).wait()

        def scat(j, rows):
            pltpu.sync_copy(rows, acc_sh.at[idx_v.at[delta + j]], add=True)

        issue(0, rows_a, lsa)

        def loop(j, carry):
            even = j % 2 == 0

            @pl.when(even)
            def _():
                wait(rows_a, lsa)

                @pl.when(j + 1 < nch)
                def _():
                    issue(j + 1, rows_b, lsb)
                scat(j, rows_a)

            @pl.when(jnp.logical_not(even))
            def _():
                wait(rows_b, lsb)

                @pl.when(j + 1 < nch)
                def _():
                    issue(j + 1, rows_a, lsa)
                scat(j, rows_b)

            return carry

        lax.fori_loop(0, nch, loop, 0)
        plsc.subcore_barrier()
        pltpu.sync_copy(acc_sh.at[pl.ds(sid * STRIPE, STRIPE)],
                        out_hbm.at[cid, pl.ds(sid * STRIPE, STRIPE)])

    return body


def _scatter(s, v_s, dst_pad):
    off, sz = SLICES[s]
    base, extra, _, idxw = _cfg(sz)
    k = functools.partial(
        pl.kernel,
        out_type=jax.ShapeDtypeStruct((NC, NPAD, D), jnp.float32),
        mesh=_mesh(),
        scratch_types=[
            pltpu.VMEM((idxw, CHUNK), jnp.int32),
            pltpu.VMEM((CHUNK, D), jnp.float32),
            pltpu.VMEM((CHUNK, D), jnp.float32),
            pltpu.VMEM_SHARED((NPAD, D), jnp.float32),
            pltpu.SemaphoreType.DMA,
            pltpu.SemaphoreType.DMA,
        ],
        name=f"edge_scatter_s{s}",
    )(_make_scatter(N_CHUNKS + off, base, extra, idxw))
    return k(v_s, dst_pad)



def kernel(x_feat, edge_attr, bases, edge_index, W1, b1, W2, b2, g1, be1, W3, b3, g2, be2):
    idx2 = edge_index.reshape(2 * N_CHUNKS, CHUNK)
    w1t = W1.T

    xw = _project_nodes(x_feat, w1t)
    accs = []
    for s in range(NSLICE):
        g_s = _gather(s, xw, idx2)
        v_s = _combine(s, edge_attr, g_s, bases, w1t, b1.reshape(1, D))
        accs.append(_scatter(s, v_s, idx2))
    out = _ffn(x_feat, accs, W2.T, b2.reshape(1, D), g1.reshape(1, D),
               be1.reshape(1, D), W3.T, b3.reshape(1, D), g2.reshape(1, D),
               be2.reshape(1, D))
    return out

# --- scband reference (transcript-rebuilt; emitter-appended) ---
"""Pipeline reference for scband-conv-82506321756838 (READ-ONLY COPY).

The authoritative reference and input builder live on the scoring server;
editing this copy changes nothing except your own understanding.
"""

import jax, jax.numpy as jnp
import numpy as np

N_NODES = 10000
N_EDGES = 320000
D = 128


def _bn(h, gamma, beta):
    # BatchNorm1d in training mode: batch statistics, eps=1e-5 (biased variance)
    mean = jnp.mean(h, axis=0, keepdims=True)
    var = jnp.var(h, axis=0, keepdims=True)
    return (h - mean) / jnp.sqrt(var + 1e-5) * gamma + beta


def setup_inputs(seed: int = 0) -> dict:
    key = jax.random.key(seed)
    ks = jax.random.split(key, 16)
    s = 0.05
    inp = {}
    inp["x_feat"] = jax.random.normal(ks[0], (N_NODES, D), dtype=jnp.float32)
    inp["edge_attr"] = jax.random.normal(ks[1], (N_EDGES, D), dtype=jnp.float32)
    inp["bases"] = jax.random.normal(ks[2], (N_EDGES, D), dtype=jnp.float32)
    inp["edge_index"] = jax.random.randint(ks[3], (2, N_EDGES), 0, N_NODES, dtype=jnp.int32)
    # pre_ffn: Linear(D, D)
    inp["W1"] = jax.random.normal(ks[4], (D, D), dtype=jnp.float32) * s
    inp["b1"] = jnp.zeros((D,), dtype=jnp.float32)
    # ffn: Linear, BN, GELU, Linear, BN, GELU
    inp["W2"] = jax.random.normal(ks[5], (D, D), dtype=jnp.float32) * s
    inp["b2"] = jnp.zeros((D,), dtype=jnp.float32)
    inp["g1"] = jnp.ones((D,), dtype=jnp.float32)
    inp["be1"] = jnp.zeros((D,), dtype=jnp.float32)
    inp["W3"] = jax.random.normal(ks[6], (D, D), dtype=jnp.float32) * s
    inp["b3"] = jnp.zeros((D,), dtype=jnp.float32)
    inp["g2"] = jnp.ones((D,), dtype=jnp.float32)
    inp["be2"] = jnp.zeros((D,), dtype=jnp.float32)
    return inp


def reference(x_feat, edge_attr, bases, edge_index, W1, b1, W2, b2, g1, be1, W3, b3, g2, be2):
    src = edge_index[0]
    dst = edge_index[1]
    # apply_edges(u_add_e): pos_e = x[src] + edge_attr  (gather)
    pos_e = jnp.take(x_feat, src, axis=0) + edge_attr
    # pre_ffn (Linear + GELU) on edges, modulated by bases
    v = jax.nn.gelu(pos_e @ W1.T + b1, approximate=False) * bases
    # update_all(copy_e, sum): scatter-add messages to dst nodes
    aggr = jax.ops.segment_sum(v, dst, num_segments=N_NODES)
    x = x_feat + aggr
    # ffn: Linear -> BN -> GELU -> Linear -> BN -> GELU
    h = x @ W2.T + b2
    h = _bn(h, g1, be1)
    h = jax.nn.gelu(h, approximate=False)
    h = h @ W3.T + b3
    h = _bn(h, g2, be2)
    h = jax.nn.gelu(h, approximate=False)
    return x + h

if __name__ == "__main__":
    import jax
    _d = setup_inputs()
    print(jax.jit(kernel)(*tuple(_d.values())))

</pallas_src>

<mosaic_0001>
#map = affine_map<(d0, d1) -> (0, 0)>
#map1 = affine_map<(d0, d1) -> (0, 0, 0)>
module attributes {stable_mosaic.version = 14 : i64} {
  func.func @edge_scatter_s0(%arg0: i32, %arg1: i32, %arg2: memref<160000x128xf32, #tpu.memory_space<hbm>>, %arg3: memref<5000x128xi32, #tpu.memory_space<hbm>>, %arg4: memref<2x10240x128xf32, #tpu.memory_space<hbm>>, %arg5: memref<48x128xi32, #tpu.memory_space<vmem>>, %arg6: memref<128x128xf32, #tpu.memory_space<vmem>>, %arg7: memref<128x128xf32, #tpu.memory_space<vmem>>, %arg8: memref<10240x128xf32, #tpu.memory_space<vmem_shared>>, %arg9: memref<!tpu.dma_semaphore, #tpu.memory_space<semaphore_mem>>, %arg10: memref<!tpu.dma_semaphore, #tpu.memory_space<semaphore_mem>>) attributes {dimension_semantics = [#tpu.dimension_semantics<core_parallel>, #tpu.dimension_semantics<subcore_parallel>], iteration_bounds = array<i64: 2, 16>, scalar_prefetch = 0 : i64, scratch_operands = 6 : i64, tpu.core_type = #tpu.core_type<sc_vector_subcore>, window_params = [{transform_indices = #map}, {transform_indices = #map}, {transform_indices = #map1}]} {
    %mul3A = arith.constant 2 : i32
    %mul3A_0 = arith.muli %arg1, %mul3A : i32
    %add3A = arith.addi %mul3A_0, %arg0 : i32
    %broadcast_in_dim3A = arith.constant 0.000000e+00 : f32
    %broadcast_in_dim3A_1 = vector.broadcast %broadcast_in_dim3A : f32 to vector<16xf32>
    %scan3A = arith.constant 0 : i32
    %scan3A_2 = arith.constant 0 : i32
    %scan3A_3 = arith.constant 128 : i32
    %scan3A_4 = arith.addi %scan3A_2, %scan3A_3 : i32
    %scan3A_5 = arith.constant 1 : i32
    scf.for %scan3A_87 = %scan3A_2 to %scan3A_4 step %scan3A_5  : i32 {
      %swap3A = arith.index_cast %scan3A_87 : i32 to index
      %swap3A_88 = arith.constant 0 : index
      %swap3A_89 = tpu.vector_load %arg6[%swap3A, %swap3A_88] {strides = array<i32>} : memref<128x128xf32, #tpu.memory_space<vmem>>, vector<1x16xf32>,
      %swap3A_90 = vector.shape_cast %swap3A_89 : vector<1x16xf32> to vector<16xf32>
      %swap3A_91 = vector.shape_cast %broadcast_in_dim3A_1 : vector<16xf32> to vector<1x16xf32>
      tpu.vector_store %arg6[%swap3A, %swap3A_88], %swap3A_91 {strides = array<i32>} : memref<128x128xf32, #tpu.memory_space<vmem>>, vector<1x16xf32>,
      %swap3A_92 = arith.index_cast %scan3A_87 : i32 to index
      %swap3A_93 = arith.constant 16 : index
      %swap3A_94 = tpu.vector_load %arg6[%swap3A_92, %swap3A_93] {strides = array<i32>} : memref<128x128xf32, #tpu.memory_space<vmem>>, vector<1x16xf32>,
      %swap3A_95 = vector.shape_cast %swap3A_94 : vector<1x16xf32> to vector<16xf32>
      %swap3A_96 = vector.shape_cast %broadcast_in_dim3A_1 : vector<16xf32> to vector<1x16xf32>
      tpu.vector_store %arg6[%swap3A_92, %swap3A_93], %swap3A_96 {strides = array<i32>} : memref<128x128xf32, #tpu.memory_space<vmem>>, vector<1x16xf32>,
      %swap3A_97 = arith.index_cast %scan3A_87 : i32 to index
      %swap3A_98 = arith.constant 32 : index
      %swap3A_99 = tpu.vector_load %arg6[%swap3A_97, %swap3A_98] {strides = array<i32>} : memref<128x128xf32, #tpu.memory_space<vmem>>, vector<1x16xf32>,
      %swap3A_100 = vector.shape_cast %swap3A_99 : vector<1x16xf32> to vector<16xf32>
      %swap3A_101 = vector.shape_cast %broadcast_in_dim3A_1 : vector<16xf32> to vector<1x16xf32>
      tpu.vector_store %arg6[%swap3A_97, %swap3A_98], %swap3A_101 {strides = array<i32>} : memref<128x128xf32, #tpu.memory_space<vmem>>, vector<1x16xf32>,
      %swap3A_102 = arith.index_cast %scan3A_87 : i32 to index
      %swap3A_103 = arith.constant 48 : index
      %swap3A_104 = tpu.vector_load %arg6[%swap3A_102, %swap3A_103] {strides = array<i32>} : memref<128x128xf32, #tpu.memory_space<vmem>>, vector<1x16xf32>,
      %swap3A_105 = vector.shape_cast %swap3A_104 : vector<1x16xf32> to vector<16xf32>
      %swap3A_106 = vector.shape_cast %broadcast_in_dim3A_1 : vector<16xf32> to vector<1x16xf32>
      tpu.vector_store %arg6[%swap3A_102, %swap3A_103], %swap3A_106 {strides = array<i32>} : memref<128x128xf32, #tpu.memory_space<vmem>>, vector<1x16xf32>,
      %swap3A_107 = arith.index_cast %scan3A_87 : i32 to index
      %swap3A_108 = arith.constant 64 : index
      %swap3A_109 = tpu.vector_load %arg6[%swap3A_107, %swap3A_108] {strides = array<i32>} : memref<128x128xf32, #tpu.memory_space<vmem>>, vector<1x16xf32>,
      %swap3A_110 = vector.shape_cast %swap3A_109 : vector<1x16xf32> to vector<16xf32>
      %swap3A_111 = vector.shape_cast %broadcast_in_dim3A_1 : vector<16xf32> to vector<1x16xf32>
      tpu.vector_store %arg6[%swap3A_107, %swap3A_108], %swap3A_111 {strides = array<i32>} : memref<128x128xf32, #tpu.memory_space<vmem>>, vector<1x16xf32>,
      %swap3A_112 = arith.index_cast %scan3A_87 : i32 to index
      %swap3A_113 = arith.constant 80 : index
      %swap3A_114 = tpu.vector_load %arg6[%swap3A_112, %swap3A_113] {strides = array<i32>} : memref<128x128xf32, #tpu.memory_space<vmem>>, vector<1x16xf32>,
      %swap3A_115 = vector.shape_cast %swap3A_114 : vector<1x16xf32> to vector<16xf32>
      %swap3A_116 = vector.shape_cast %broadcast_in_dim3A_1 : vector<16xf32> to vector<1x16xf32>
      tpu.vector_store %arg6[%swap3A_112, %swap3A_113], %swap3A_116 {strides = array<i32>} : memref<128x128xf32, #tpu.memory_space<vmem>>, vector<1x16xf32>,
      %swap3A_117 = arith.index_cast %scan3A_87 : i32 to index
      %swap3A_118 = arith.constant 96 : index
      %swap3A_119 = tpu.vector_load %arg6[%swap3A_117, %swap3A_118] {strides = array<i32>} : memref<128x128xf32, #tpu.memory_space<vmem>>, vector<1x16xf32>,
      %swap3A_120 = vector.shape_cast %swap3A_119 : vector<1x16xf32> to vector<16xf32>
      %swap3A_121 = vector.shape_cast %broadcast_in_dim3A_1 : vector<16xf32> to vector<1x16xf32>
      tpu.vector_store %arg6[%swap3A_117, %swap3A_118], %swap3A_121 {strides = array<i32>} : memref<128x128xf32, #tpu.memory_space<vmem>>, vector<1x16xf32>,
      %swap3A_122 = arith.index_cast %scan3A_87 : i32 to index
      %swap3A_123 = arith.constant 112 : index
      %swap3A_124 = tpu.vector_load %arg6[%swap3A_122, %swap3A_123] {strides = array<i32>} : memref<128x128xf32, #tpu.memory_space<vmem>>, vector<1x16xf32>,
      %swap3A_125 = vector.shape_cast %swap3A_124 : vector<1x16xf32> to vector<16xf32>
      %swap3A_126 = vector.shape_cast %broadcast_in_dim3A_1 : vector<16xf32> to vector<1x16xf32>
      tpu.vector_store %arg6[%swap3A_122, %swap3A_123], %swap3A_126 {strides = array<i32>} : memref<128x128xf32, #tpu.memory_space<vmem>>, vector<1x16xf32>,
    }
    %scan3A_6 = arith.constant 128 : i32
    %mul3A_7 = arith.constant 640 : i32
    %mul3A_8 = arith.muli %arg1, %mul3A_7 : i32
    %add3A_9 = arith.constant 0 : i32
    %add3A_10 = arith.addi %mul3A_8, %add3A_9 : i32
    %multiple_of3A = tpu.assume_multiple %add3A_10, 128 : i32
    "tpu.region"() ({
      %run_scoped3A = tpu.sem_alloc : memref<!tpu.dma_semaphore, #tpu.memory_space<semaphore_mem>>
      %dma_start3A_87 = arith.constant 0 : i32
      %dma_start3A_88 = tpu.memref_slice %arg8[%multiple_of3A, %dma_start3A_87] : memref<10240x128xf32, #tpu.memory_space<vmem_shared>> -> memref<128x128xf32, #tpu.memory_space<vmem_shared>>
      %dma_start3A_89 = arith.constant 0 : i32
      %dma_start3A_90 = tpu.memref_slice %arg8[%multiple_of3A, %dma_start3A_89] : memref<10240x128xf32, #tpu.memory_space<vmem_shared>> -> memref<128x128xf32, #tpu.memory_space<vmem_shared>>
      tpu.enqueue_dma source(%arg6 : memref<128x128xf32, #tpu.memory_space<vmem>>) target(%dma_start3A_90 : memref<128x128xf32, #tpu.memory_space<vmem_shared>>) target_semaphore(%run_scoped3A : memref<!tpu.dma_semaphore, #tpu.memory_space<semaphore_mem>>)
      %dma_wait3A = arith.constant 0 : i32
      %dma_wait3A_91 = tpu.memref_slice %arg8[%multiple_of3A, %dma_wait3A] : memref<10240x128xf32, #tpu.memory_space<vmem_shared>> -> memref<128x128xf32, #tpu.memory_space<vmem_shared>>
      %dma_wait3A_92 = arith.constant 0 : i32
      %dma_wait3A_93 = tpu.memref_slice %arg8[%multiple_of3A, %dma_wait3A_92] : memref<10240x128xf32, #tpu.memory_space<vmem_shared>> -> memref<128x128xf32, #tpu.memory_space<vmem_shared>>
      tpu.wait_dma2 semaphore(%run_scoped3A : memref<!tpu.dma_semaphore, #tpu.memory_space<semaphore_mem>>) src(%arg6 : memref<128x128xf32, #tpu.memory_space<vmem>>) dst(%dma_wait3A_93 : memref<128x128xf32, #tpu.memory_space<vmem_shared>>)
      tpu.yield
    }) : () -> ()
    %mul3A_11 = arith.constant 640 : i32
    %mul3A_12 = arith.muli %arg1, %mul3A_11 : i32
    %add3A_13 = arith.constant 128 : i32
    %add3A_14 = arith.addi %mul3A_12, %add3A_13 : i32
    %multiple_of3A_15 = tpu.assume_multiple %add3A_14, 128 : i32
    "tpu.region"() ({
      %run_scoped3A = tpu.sem_alloc : memref<!tpu.dma_semaphore, #tpu.memory_space<semaphore_mem>>
      %dma_start3A_87 = arith.constant 0 : i32
      %dma_start3A_88 = tpu.memref_slice %arg8[%multiple_of3A_15, %dma_start3A_87] : memref<10240x128xf32, #tpu.memory_space<vmem_shared>> -> memref<128x128xf32, #tpu.memory_space<vmem_shared>>
      %dma_start3A_89 = arith.constant 0 : i32
      %dma_start3A_90 = tpu.memref_slice %arg8[%multiple_of3A_15, %dma_start3A_89] : memref<10240x128xf32, #tpu.memory_space<vmem_shared>> -> memref<128x128xf32, #tpu.memory_space<vmem_shared>>
      tpu.enqueue_dma source(%arg6 : memref<128x128xf32, #tpu.memory_space<vmem>>) target(%dma_start3A_90 : memref<128x128xf32, #tpu.memory_space<vmem_shared>>) target_semaphore(%run_scoped3A : memref<!tpu.dma_semaphore, #tpu.memory_space<semaphore_mem>>)
      %dma_wait3A = arith.constant 0 : i32
      %dma_wait3A_91 = tpu.memref_slice %arg8[%multiple_of3A_15, %dma_wait3A] : memref<10240x128xf32, #tpu.memory_space<vmem_shared>> -> memref<128x128xf32, #tpu.memory_space<vmem_shared>>
      %dma_wait3A_92 = arith.constant 0 : i32
      %dma_wait3A_93 = tpu.memref_slice %arg8[%multiple_of3A_15, %dma_wait3A_92] : memref<10240x128xf32, #tpu.memory_space<vmem_shared>> -> memref<128x128xf32, #tpu.memory_space<vmem_shared>>
      tpu.wait_dma2 semaphore(%run_scoped3A : memref<!tpu.dma_semaphore, #tpu.memory_space<semaphore_mem>>) src(%arg6 : memref<128x128xf32, #tpu.memory_space<vmem>>) dst(%dma_wait3A_93 : memref<128x128xf32, #tpu.memory_space<vmem_shared>>)
      tpu.yield
    }) : () -> ()
    %mul3A_16 = arith.constant 640 : i32
    %mul3A_17 = arith.muli %arg1, %mul3A_16 : i32
    %add3A_18 = arith.constant 256 : i32
    %add3A_19 = arith.addi %mul3A_17, %add3A_18 : i32
    %multiple_of3A_20 = tpu.assume_multiple %add3A_19, 128 : i32
    "tpu.region"() ({
      %run_scoped3A = tpu.sem_alloc : memref<!tpu.dma_semaphore, #tpu.memory_space<semaphore_mem>>
      %dma_start3A_87 = arith.constant 0 : i32
      %dma_start3A_88 = tpu.memref_slice %arg8[%multiple_of3A_20, %dma_start3A_87] : memref<10240x128xf32, #tpu.memory_space<vmem_shared>> -> memref<128x128xf32, #tpu.memory_space<vmem_shared>>
      %dma_start3A_89 = arith.constant 0 : i32
      %dma_start3A_90 = tpu.memref_slice %arg8[%multiple_of3A_20, %dma_start3A_89] : memref<10240x128xf32, #tpu.memory_space<vmem_shared>> -> memref<128x128xf32, #tpu.memory_space<vmem_shared>>
      tpu.enqueue_dma source(%arg6 : memref<128x128xf32, #tpu.memory_space<vmem>>) target(%dma_start3A_90 : memref<128x128xf32, #tpu.memory_space<vmem_shared>>) target_semaphore(%run_scoped3A : memref<!tpu.dma_semaphore, #tpu.memory_space<semaphore_mem>>)
      %dma_wait3A = arith.constant 0 : i32
      %dma_wait3A_91 = tpu.memref_slice %arg8[%multiple_of3A_20, %dma_wait3A] : memref<10240x128xf32, #tpu.memory_space<vmem_shared>> -> memref<128x128xf32, #tpu.memory_space<vmem_shared>>
      %dma_wait3A_92 = arith.constant 0 : i32
      %dma_wait3A_93 = tpu.memref_slice %arg8[%multiple_of3A_20, %dma_wait3A_92] : memref<10240x128xf32, #tpu.memory_space<vmem_shared>> -> memref<128x128xf32, #tpu.memory_space<vmem_shared>>
      tpu.wait_dma2 semaphore(%run_scoped3A : memref<!tpu.dma_semaphore, #tpu.memory_space<semaphore_mem>>) src(%arg6 : memref<128x128xf32, #tpu.memory_space<vmem>>) dst(%dma_wait3A_93 : memref<128x128xf32, #tpu.memory_space<vmem_shared>>)
      tpu.yield
    }) : () -> ()
    %mul3A_21 = arith.constant 640 : i32
    %mul3A_22 = arith.muli %arg1, %mul3A_21 : i32
    %add3A_23 = arith.constant 384 : i32
    %add3A_24 = arith.addi %mul3A_22, %add3A_23 : i32
    %multiple_of3A_25 = tpu.assume_multiple %add3A_24, 128 : i32
    "tpu.region"() ({
      %run_scoped3A = tpu.sem_alloc : memref<!tpu.dma_semaphore, #tpu.memory_space<semaphore_mem>>
      %dma_start3A_87 = arith.constant 0 : i32
      %dma_start3A_88 = tpu.memref_slice %arg8[%multiple_of3A_25, %dma_start3A_87] : memref<10240x128xf32, #tpu.memory_space<vmem_shared>> -> memref<128x128xf32, #tpu.memory_space<vmem_shared>>
      %dma_start3A_89 = arith.constant 0 : i32
      %dma_start3A_90 = tpu.memref_slice %arg8[%multiple_of3A_25, %dma_start3A_89] : memref<10240x128xf32, #tpu.memory_space<vmem_shared>> -> memref<128x128xf32, #tpu.memory_space<vmem_shared>>
      tpu.enqueue_dma source(%arg6 : memref<128x128xf32, #tpu.memory_space<vmem>>) target(%dma_start3A_90 : memref<128x128xf32, #tpu.memory_space<vmem_shared>>) target_semaphore(%run_scoped3A : memref<!tpu.dma_semaphore, #tpu.memory_space<semaphore_mem>>)
      %dma_wait3A = arith.constant 0 : i32
      %dma_wait3A_91 = tpu.memref_slice %arg8[%multiple_of3A_25, %dma_wait3A] : memref<10240x128xf32, #tpu.memory_space<vmem_shared>> -> memref<128x128xf32, #tpu.memory_space<vmem_shared>>
      %dma_wait3A_92 = arith.constant 0 : i32
      %dma_wait3A_93 = tpu.memref_slice %arg8[%multiple_of3A_25, %dma_wait3A_92] : memref<10240x128xf32, #tpu.memory_space<vmem_shared>> -> memref<128x128xf32, #tpu.memory_space<vmem_shared>>
      tpu.wait_dma2 semaphore(%run_scoped3A : memref<!tpu.dma_semaphore, #tpu.memory_space<semaphore_mem>>) src(%arg6 : memref<128x128xf32, #tpu.memory_space<vmem>>) dst(%dma_wait3A_93 : memref<128x128xf32, #tpu.memory_space<vmem_shared>>)
      tpu.yield
    }) : () -> ()
    %mul3A_26 = arith.constant 640 : i32
    %mul3A_27 = arith.muli %arg1, %mul3A_26 : i32
    %add3A_28 = arith.constant 512 : i32
    %add3A_29 = arith.addi %mul3A_27, %add3A_28 : i32
    %multiple_of3A_30 = tpu.assume_multiple %add3A_29, 128 : i32
    "tpu.region"() ({
      %run_scoped3A = tpu.sem_alloc : memref<!tpu.dma_semaphore, #tpu.memory_space<semaphore_mem>>
      %dma_start3A_87 = arith.constant 0 : i32
      %dma_start3A_88 = tpu.memref_slice %arg8[%multiple_of3A_30, %dma_start3A_87] : memref<10240x128xf32, #tpu.memory_space<vmem_shared>> -> memref<128x128xf32, #tpu.memory_space<vmem_shared>>
      %dma_start3A_89 = arith.constant 0 : i32
      %dma_start3A_90 = tpu.memref_slice %arg8[%multiple_of3A_30, %dma_start3A_89] : memref<10240x128xf32, #tpu.memory_space<vmem_shared>> -> memref<128x128xf32, #tpu.memory_space<vmem_shared>>
      tpu.enqueue_dma source(%arg6 : memref<128x128xf32, #tpu.memory_space<vmem>>) target(%dma_start3A_90 : memref<128x128xf32, #tpu.memory_space<vmem_shared>>) target_semaphore(%run_scoped3A : memref<!tpu.dma_semaphore, #tpu.memory_space<semaphore_mem>>)
      %dma_wait3A = arith.constant 0 : i32
      %dma_wait3A_91 = tpu.memref_slice %arg8[%multiple_of3A_30, %dma_wait3A] : memref<10240x128xf32, #tpu.memory_space<vmem_shared>> -> memref<128x128xf32, #tpu.memory_space<vmem_shared>>
      %dma_wait3A_92 = arith.constant 0 : i32
      %dma_wait3A_93 = tpu.memref_slice %arg8[%multiple_of3A_30, %dma_wait3A_92] : memref<10240x128xf32, #tpu.memory_space<vmem_shared>> -> memref<128x128xf32, #tpu.memory_space<vmem_shared>>
      tpu.wait_dma2 semaphore(%run_scoped3A : memref<!tpu.dma_semaphore, #tpu.memory_space<semaphore_mem>>) src(%arg6 : memref<128x128xf32, #tpu.memory_space<vmem>>) dst(%dma_wait3A_93 : memref<128x128xf32, #tpu.memory_space<vmem_shared>>)
      tpu.yield
    }) : () -> ()
    %barrier3A = arith.constant 0 : index
    tpu.barrier barrier_id(%barrier3A)
    %lt3A = arith.constant 2 : i32
    %lt3A_31 = arith.cmpi slt, %add3A, %lt3A : i32
    %jit3A = arith.constant 1 : i32
    %jit3A_32 = arith.constant 0 : i32
    %select_n3A = arith.select %lt3A_31, %jit3A, %jit3A_32 : i32
    %add3A_33 = arith.constant 39 : i32
    %add3A_34 = arith.addi %add3A_33, %select_n3A : i32
    %mul3A_35 = arith.constant 39 : i32
    %mul3A_36 = arith.muli %add3A, %mul3A_35 : i32
    %min3A = arith.constant 2 : i32
    %min3A_37 = arith.minsi %add3A, %min3A : i32
    %add3A_38 = arith.addi %mul3A_36, %min3A_37 : i32
    %add3A_39 = arith.constant 2500 : i32
    %add3A_40 = arith.addi %add3A_39, %add3A_38 : i32
    %jit3A_41 = arith.constant 8 : i32
    %div3A = arith.divsi %add3A_40, %jit3A_41 : i32
    %sign3A = arith.constant 0 : i32
    %sign3A_42 = arith.cmpi sgt, %add3A_40, %sign3A : i32
    %sign3A_43 = arith.extui %sign3A_42 : i1 to i32
    %sign3A_44 = arith.constant 0 : i32
    %sign3A_45 = arith.cmpi slt, %add3A_40, %sign3A_44 : i32
    %sign3A_46 = arith.extui %sign3A_45 : i1 to i32
    %sign3A_47 = arith.subi %sign3A_43, %sign3A_46 : i32
    %sign3A_48 = arith.constant 0 : i32
    %sign3A_49 = arith.cmpi sgt, %jit3A_41, %sign3A_48 : i32
    %sign3A_50 = arith.extui %sign3A_49 : i1 to i32
    %sign3A_51 = arith.constant 0 : i32
    %sign3A_52 = arith.cmpi slt, %jit3A_41, %sign3A_51 : i32
    %sign3A_53 = arith.extui %sign3A_52 : i1 to i32
    %sign3A_54 = arith.subi %sign3A_50, %sign3A_53 : i32
    %ne3A = arith.cmpi ne, %sign3A_47, %sign3A_54 : i32
    %rem3A = arith.remsi %add3A_40, %jit3A_41 : i32
    %ne3A_55 = arith.constant 0 : i32
    %ne3A_56 = arith.cmpi ne, %rem3A, %ne3A_55 : i32
    %and3A = arith.andi %ne3A, %ne3A_56 : i1
    %sub3A = arith.constant 1 : i32
    %sub3A_57 = arith.subi %div3A, %sub3A : i32
    %select_n3A_58 = arith.select %and3A, %sub3A_57, %div3A : i32
    %mul3A_59 = arith.constant 8 : i32
    %mul3A_60 = arith.muli %select_n3A_58, %mul3A_59 : i32
    %min3A_61 = arith.constant 4952 : i32
    %min3A_62 = arith.minsi %mul3A_60, %min3A_61 : i32
    %multiple_of3A_63 = tpu.assume_multiple %min3A_62, 8 : i32
    %sub3A_64 = arith.subi %add3A_40, %multiple_of3A_63 : i32
    "tpu.region"() ({
      %run_scoped3A = tpu.sem_alloc : memref<!tpu.dma_semaphore, #tpu.memory_space<semaphore_mem>>
      %dma_start3A_87 = arith.constant 0 : i32
      %dma_start3A_88 = tpu.memref_slice %arg3[%multiple_of3A_63, %dma_start3A_87] : memref<5000x128xi32, #tpu.memory_space<hbm>> -> memref<48x128xi32, #tpu.memory_space<hbm>>
      %dma_start3A_89 = arith.constant 0 : i32
      %dma_start3A_90 = tpu.memref_slice %arg3[%multiple_of3A_63, %dma_start3A_89] : memref<5000x128xi32, #tpu.memory_space<hbm>> -> memref<48x128xi32, #tpu.memory_space<hbm>>
      tpu.enqueue_dma source(%dma_start3A_90 : memref<48x128xi32, #tpu.memory_space<hbm>>) target(%arg5 : memref<48x128xi32, #tpu.memory_space<vmem>>) target_semaphore(%run_scoped3A : memref<!tpu.dma_semaphore, #tpu.memory_space<semaphore_mem>>)
      %dma_wait3A = arith.constant 0 : i32
      %dma_wait3A_91 = tpu.memref_slice %arg3[%multiple_of3A_63, %dma_wait3A] : memref<5000x128xi32, #tpu.memory_space<hbm>> -> memref<48x128xi32, #tpu.memory_space<hbm>>
      %dma_wait3A_92 = arith.constant 0 : i32
      %dma_wait3A_93 = tpu.memref_slice %arg3[%multiple_of3A_63, %dma_wait3A_92] : memref<5000x128xi32, #tpu.memory_space<hbm>> -> memref<48x128xi32, #tpu.memory_space<hbm>>
      tpu.wait_dma2 semaphore(%run_scoped3A : memref<!tpu.dma_semaphore, #tpu.memory_space<semaphore_mem>>) src(%dma_wait3A_93 : memref<48x128xi32, #tpu.memory_space<hbm>>) dst(%arg5 : memref<48x128xi32, #tpu.memory_space<vmem>>)
      tpu.yield
    }) : () -> ()
    %add3A_65 = arith.constant 0 : i32
    %add3A_66 = arith.addi %add3A_38, %add3A_65 : i32
    %mul3A_67 = arith.constant 128 : i32
    %mul3A_68 = arith.muli %add3A_66, %mul3A_67 : i32
    %multiple_of3A_69 = tpu.assume_multiple %mul3A_68, 128 : i32
    %dma_start3A = arith.constant 0 : i32
    %dma_start3A_70 = tpu.memref_slice %arg2[%multiple_of3A_69, %dma_start3A] : memref<160000x128xf32, #tpu.memory_space<hbm>> -> memref<128x128xf32, #tpu.memory_space<hbm>>
    %dma_start3A_71 = arith.constant 0 : i32
    %dma_start3A_72 = tpu.memref_slice %arg2[%multiple_of3A_69, %dma_start3A_71] : memref<160000x128xf32, #tpu.memory_space<hbm>> -> memref<128x128xf32, #tpu.memory_space<hbm>>
    tpu.enqueue_dma source(%dma_start3A_72 : memref<128x128xf32, #tpu.memory_space<hbm>>) target(%arg6 : memref<128x128xf32, #tpu.memory_space<vmem>>) target_semaphore(%arg9 : memref<!tpu.dma_semaphore, #tpu.memory_space<semaphore_mem>>)
    %while3A = arith.constant 0 : i32
    %while3A_73 = arith.constant 0 : i32
    %while3A_74 = arith.subi %add3A_34, %while3A_73 : i32
    %while3A_75 = arith.addi %while3A_73, %while3A_74 : i32
    %while3A_76 = arith.constant 1 : i32
    %while3A_77 = arith.divsi %while3A_74, %while3A_76 : i32
    %while3A_78 = arith.muli %while3A_77, %while3A_76 : i32
    %while3A_79 = arith.addi %while3A_73, %while3A_78 : i32
    %while3A_80 = arith.constant 1 : i32
    scf.for %while3A_87 = %while3A_73 to %while3A_79 step %while3A_80  : i32 {
      %jit3A_88 = arith.constant 2 : i32
      %eq3A = arith.constant 0 : i32
      %eq3A_89 = arith.cmpi eq, %jit3A_88, %eq3A : i32
      %jit3A_90 = arith.constant 1 : i32
      %select_n3A_91 = arith.select %eq3A_89, %jit3A_90, %jit3A_88 : i32
      %rem3A_92 = arith.remsi %while3A_87, %select_n3A_91 : i32
      %ne3A_93 = arith.constant 0 : i32
      %ne3A_94 = arith.cmpi ne, %rem3A_92, %ne3A_93 : i32
      %lt3A_95 = arith.constant 0 : i32
      %lt3A_96 = arith.cmpi slt, %rem3A_92, %lt3A_95 : i32
      %lt3A_97 = arith.constant 0 : i32
      %lt3A_98 = arith.cmpi slt, %select_n3A_91, %lt3A_97 : i32
      %ne3A_99 = arith.xori %lt3A_96, %lt3A_98 : i1
      %and3A_100 = arith.andi %ne3A_99, %ne3A_94 : i1
      %add3A_101 = arith.addi %rem3A_92, %select_n3A_91 : i32
      %select_n3A_102 = arith.select %and3A_100, %add3A_101, %rem3A_92 : i32
      %eq3A_103 = arith.constant 0 : i32
      %eq3A_104 = arith.cmpi eq, %select_n3A_102, %eq3A_103 : i32
      %convert_element_type3A = arith.extui %eq3A_104 : i1 to i32
      %cond3A = arith.constant 0 : i32
      %cond3A_105 = arith.cmpi ne, %convert_element_type3A, %cond3A : i32
      scf.if %cond3A_105 {
        %dma_wait3A = arith.constant 0 : i32
        %dma_wait3A_110 = arith.constant 0 : i32
        %dma_wait3A_111 = tpu.memref_slice %arg2[%dma_wait3A, %dma_wait3A_110] : memref<160000x128xf32, #tpu.memory_space<hbm>> -> memref<128x128xf32, #tpu.memory_space<hbm>>
        %dma_wait3A_112 = arith.constant 0 : i32
        %dma_wait3A_113 = arith.constant 0 : i32
        %dma_wait3A_114 = tpu.memref_slice %arg2[%dma_wait3A_112, %dma_wait3A_113] : memref<160000x128xf32, #tpu.memory_space<hbm>> -> memref<128x128xf32, #tpu.memory_space<hbm>>
        tpu.wait_dma2 semaphore(%arg9 : memref<!tpu.dma_semaphore, #tpu.memory_space<semaphore_mem>>) src(%dma_wait3A_114 : memref<128x128xf32, #tpu.memory_space<hbm>>) dst(%arg6 : memref<128x128xf32, #tpu.memory_space<vmem>>)
        %add3A_115 = arith.constant 1 : i32
        %add3A_116 = arith.addi %while3A_87, %add3A_115 : i32
        %lt3A_117 = arith.cmpi slt, %add3A_116, %add3A_34 : i32
        %convert_element_type3A_118 = arith.extui %lt3A_117 : i1 to i32
        %cond3A_119 = arith.constant 0 : i32
        %cond3A_120 = arith.cmpi ne, %convert_element_type3A_118, %cond3A_119 : i32
        scf.if %cond3A_120 {
          %add3A_122 = arith.constant 1 : i32
          %add3A_123 = arith.addi %while3A_87, %add3A_122 : i32
          %add3A_124 = arith.addi %add3A_38, %add3A_123 : i32
          %mul3A_125 = arith.constant 128 : i32
          %mul3A_126 = arith.muli %add3A_124, %mul3A_125 : i32
          %multiple_of3A_127 = tpu.assume_multiple %mul3A_126, 128 : i32
          %dma_start3A_128 = arith.constant 0 : i32
          %dma_start3A_129 = tpu.memref_slice %arg2[%multiple_of3A_127, %dma_start3A_128] : memref<160000x128xf32, #tpu.memory_space<hbm>> -> memref<128x128xf32, #tpu.memory_space<hbm>>
          %dma_start3A_130 = arith.constant 0 : i32
          %dma_start3A_131 = tpu.memref_slice %arg2[%multiple_of3A_127, %dma_start3A_130] : memref<160000x128xf32, #tpu.memory_space<hbm>> -> memref<128x128xf32, #tpu.memory_space<hbm>>
          tpu.enqueue_dma source(%dma_start3A_131 : memref<128x128xf32, #tpu.memory_space<hbm>>) target(%arg7 : memref<128x128xf32, #tpu.memory_space<vmem>>) target_semaphore(%arg10 : memref<!tpu.dma_semaphore, #tpu.memory_space<semaphore_mem>>)
        } else {
        }
        %add3A_121 = arith.addi %sub3A_64, %while3A_87 : i32
        "tpu.region"() ({
          %run_scoped3A = tpu.sem_alloc : memref<!tpu.dma_semaphore, #tpu.memory_space<semaphore_mem>>
          %dma_start3A_122 = arith.constant 0 : i32
          %dma_start3A_123 = tpu.memref_slice %arg5[%add3A_121, %dma_start3A_122] : memref<48x128xi32, #tpu.memory_space<vmem>> -> memref<1x128xi32, #tpu.memory_space<vmem>>
          %dma_start3A_124 = tpu.memref_squeeze %dma_start3A_123 : memref<1x128xi32, #tpu.memory_space<vmem>> -> memref<128xi32, #tpu.memory_space<vmem>>
          %dma_start3A_125 = arith.constant 0 : i32
          %dma_start3A_126 = arith.constant 0 : i32
          %dma_start3A_127 = tpu.memref_slice %arg8[%dma_start3A_125, %dma_start3A_126] : memref<10240x128xf32, #tpu.memory_space<vmem_shared>> -> memref<10240x128xf32, #tpu.memory_space<vmem_shared>>
          tpu.enqueue_indirect_dma source(%arg6 : memref<128x128xf32, #tpu.memory_space<vmem>>) target(%dma_start3A_127 : memref<10240x128xf32, #tpu.memory_space<vmem_shared>>) offsets(%dma_start3A_124 : memref<128xi32, #tpu.memory_space<vmem>>) semaphore(%run_scoped3A : memref<!tpu.dma_semaphore, #tpu.memory_space<semaphore_mem>>) {add = true}
          %dma_wait3A_128 = arith.constant 0 : i32
          %dma_wait3A_129 = tpu.memref_slice %arg5[%add3A_121, %dma_wait3A_128] : memref<48x128xi32, #tpu.memory_space<vmem>> -> memref<1x128xi32, #tpu.memory_space<vmem>>
          %dma_wait3A_130 = tpu.memref_squeeze %dma_wait3A_129 : memref<1x128xi32, #tpu.memory_space<vmem>> -> memref<128xi32, #tpu.memory_space<vmem>>
          %dma_wait3A_131 = arith.constant 0 : i32
          %dma_wait3A_132 = arith.constant 0 : i32
          %dma_wait3A_133 = tpu.memref_slice %arg8[%dma_wait3A_131, %dma_wait3A_132] : memref<10240x128xf32, #tpu.memory_space<vmem_shared>> -> memref<10240x128xf32, #tpu.memory_space<vmem_shared>>
          tpu.wait_indirect_dma semaphore(%run_scoped3A : memref<!tpu.dma_semaphore, #tpu.memory_space<semaphore_mem>>) src(%arg6 : memref<128x128xf32, #tpu.memory_space<vmem>>) dst(%dma_wait3A_133 : memref<10240x128xf32, #tpu.memory_space<vmem_shared>>)
          tpu.yield
        }) : () -> ()
      } else {
      }
      %not3A = arith.constant true
      %not3A_106 = arith.xori %eq3A_104, %not3A : i1
      %convert_element_type3A_107 = arith.extui %not3A_106 : i1 to i32
      %cond3A_108 = arith.constant 0 : i32
      %cond3A_109 = arith.cmpi ne, %convert_element_type3A_107, %cond3A_108 : i32
      scf.if %cond3A_109 {
        %dma_wait3A = arith.constant 0 : i32
        %dma_wait3A_110 = arith.constant 0 : i32
        %dma_wait3A_111 = tpu.memref_slice %arg2[%dma_wait3A, %dma_wait3A_110] : memref<160000x128xf32, #tpu.memory_space<hbm>> -> memref<128x128xf32, #tpu.memory_space<hbm>>
        %dma_wait3A_112 = arith.constant 0 : i32
        %dma_wait3A_113 = arith.constant 0 : i32
        %dma_wait3A_114 = tpu.memref_slice %arg2[%dma_wait3A_112, %dma_wait3A_113] : memref<160000x128xf32, #tpu.memory_space<hbm>> -> memref<128x128xf32, #tpu.memory_space<hbm>>
        tpu.wait_dma2 semaphore(%arg10 : memref<!tpu.dma_semaphore, #tpu.memory_space<semaphore_mem>>) src(%dma_wait3A_114 : memref<128x128xf32, #tpu.memory_space<hbm>>) dst(%arg7 : memref<128x128xf32, #tpu.memory_space<vmem>>)
        %add3A_115 = arith.constant 1 : i32
        %add3A_116 = arith.addi %while3A_87, %add3A_115 : i32
        %lt3A_117 = arith.cmpi slt, %add3A_116, %add3A_34 : i32
        %convert_element_type3A_118 = arith.extui %lt3A_117 : i1 to i32
        %cond3A_119 = arith.constant 0 : i32
        %cond3A_120 = arith.cmpi ne, %convert_element_type3A_118, %cond3A_119 : i32
        scf.if %cond3A_120 {
          %add3A_122 = arith.constant 1 : i32
          %add3A_123 = arith.addi %while3A_87, %add3A_122 : i32
          %add3A_124 = arith.addi %add3A_38, %add3A_123 : i32
          %mul3A_125 = arith.constant 128 : i32
          %mul3A_126 = arith.muli %add3A_124, %mul3A_125 : i32
          %multiple_of3A_127 = tpu.assume_multiple %mul3A_126, 128 : i32
          %dma_start3A_128 = arith.constant 0 : i32
          %dma_start3A_129 = tpu.memref_slice %arg2[%multiple_of3A_127, %dma_start3A_128] : memref<160000x128xf32, #tpu.memory_space<hbm>> -> memref<128x128xf32, #tpu.memory_space<hbm>>
          %dma_start3A_130 = arith.constant 0 : i32
          %dma_start3A_131 = tpu.memref_slice %arg2[%multiple_of3A_127, %dma_start3A_130] : memref<160000x128xf32, #tpu.memory_space<hbm>> -> memref<128x128xf32, #tpu.memory_space<hbm>>
          tpu.enqueue_dma source(%dma_start3A_131 : memref<128x128xf32, #tpu.memory_space<hbm>>) target(%arg6 : memref<128x128xf32, #tpu.memory_space<vmem>>) target_semaphore(%arg9 : memref<!tpu.dma_semaphore, #tpu.memory_space<semaphore_mem>>)
        } else {
        }
        %add3A_121 = arith.addi %sub3A_64, %while3A_87 : i32
        "tpu.region"() ({
          %run_scoped3A = tpu.sem_alloc : memref<!tpu.dma_semaphore, #tpu.memory_space<semaphore_mem>>
          %dma_start3A_122 = arith.constant 0 : i32
          %dma_start3A_123 = tpu.memref_slice %arg5[%add3A_121, %dma_start3A_122] : memref<48x128xi32, #tpu.memory_space<vmem>> -> memref<1x128xi32, #tpu.memory_space<vmem>>
          %dma_start3A_124 = tpu.memref_squeeze %dma_start3A_123 : memref<1x128xi32, #tpu.memory_space<vmem>> -> memref<128xi32, #tpu.memory_space<vmem>>
          %dma_start3A_125 = arith.constant 0 : i32
          %dma_start3A_126 = arith.constant 0 : i32
          %dma_start3A_127 = tpu.memref_slice %arg8[%dma_start3A_125, %dma_start3A_126] : memref<10240x128xf32, #tpu.memory_space<vmem_shared>> -> memref<10240x128xf32, #tpu.memory_space<vmem_shared>>
          tpu.enqueue_indirect_dma source(%arg7 : memref<128x128xf32, #tpu.memory_space<vmem>>) target(%dma_start3A_127 : memref<10240x128xf32, #tpu.memory_space<vmem_shared>>) offsets(%dma_start3A_124 : memref<128xi32, #tpu.memory_space<vmem>>) semaphore(%run_scoped3A : memref<!tpu.dma_semaphore, #tpu.memory_space<semaphore_mem>>) {add = true}
          %dma_wait3A_128 = arith.constant 0 : i32
          %dma_wait3A_129 = tpu.memref_slice %arg5[%add3A_121, %dma_wait3A_128] : memref<48x128xi32, #tpu.memory_space<vmem>> -> memref<1x128xi32, #tpu.memory_space<vmem>>
          %dma_wait3A_130 = tpu.memref_squeeze %dma_wait3A_129 : memref<1x128xi32, #tpu.memory_space<vmem>> -> memref<128xi32, #tpu.memory_space<vmem>>
          %dma_wait3A_131 = arith.constant 0 : i32
          %dma_wait3A_132 = arith.constant 0 : i32
          %dma_wait3A_133 = tpu.memref_slice %arg8[%dma_wait3A_131, %dma_wait3A_132] : memref<10240x128xf32, #tpu.memory_space<vmem_shared>> -> memref<10240x128xf32, #tpu.memory_space<vmem_shared>>
          tpu.wait_indirect_dma semaphore(%run_scoped3A : memref<!tpu.dma_semaphore, #tpu.memory_space<semaphore_mem>>) src(%arg7 : memref<128x128xf32, #tpu.memory_space<vmem>>) dst(%dma_wait3A_133 : memref<10240x128xf32, #tpu.memory_space<vmem_shared>>)
          tpu.yield
        }) : () -> ()
      } else {
      }
    }
    %while3A_81 = arith.constant 1 : i32
    scf.for %while3A_87 = %while3A_79 to %while3A_75 step %while3A_81  : i32 {
      %jit3A_88 = arith.constant 2 : i32
      %eq3A = arith.constant 0 : i32
      %eq3A_89 = arith.cmpi eq, %jit3A_88, %eq3A : i32
      %jit3A_90 = arith.constant 1 : i32
      %select_n3A_91 = arith.select %eq3A_89, %jit3A_90, %jit3A_88 : i32
      %rem3A_92 = arith.remsi %while3A_87, %select_n3A_91 : i32
      %ne3A_93 = arith.constant 0 : i32
      %ne3A_94 = arith.cmpi ne, %rem3A_92, %ne3A_93 : i32
      %lt3A_95 = arith.constant 0 : i32
      %lt3A_96 = arith.cmpi slt, %rem3A_92, %lt3A_95 : i32
      %lt3A_97 = arith.constant 0 : i32
      %lt3A_98 = arith.cmpi slt, %select_n3A_91, %lt3A_97 : i32
      %ne3A_99 = arith.xori %lt3A_96, %lt3A_98 : i1
      %and3A_100 = arith.andi %ne3A_99, %ne3A_94 : i1
      %add3A_101 = arith.addi %rem3A_92, %select_n3A_91 : i32
      %select_n3A_102 = arith.select %and3A_100, %add3A_101, %rem3A_92 : i32
      %eq3A_103 = arith.constant 0 : i32
      %eq3A_104 = arith.cmpi eq, %select_n3A_102, %eq3A_103 : i32
      %convert_element_type3A = arith.extui %eq3A_104 : i1 to i32
      %cond3A = arith.constant 0 : i32
      %cond3A_105 = arith.cmpi ne, %convert_element_type3A, %cond3A : i32
      scf.if %cond3A_105 {
        %dma_wait3A = arith.constant 0 : i32
        %dma_wait3A_110 = arith.constant 0 : i32
        %dma_wait3A_111 = tpu.memref_slice %arg2[%dma_wait3A, %dma_wait3A_110] : memref<160000x128xf32, #tpu.memory_space<hbm>> -> memref<128x128xf32, #tpu.memory_space<hbm>>
        %dma_wait3A_112 = arith.constant 0 : i32
        %dma_wait3A_113 = arith.constant 0 : i32
        %dma_wait3A_114 = tpu.memref_slice %arg2[%dma_wait3A_112, %dma_wait3A_113] : memref<160000x128xf32, #tpu.memory_space<hbm>> -> memref<128x128xf32, #tpu.memory_space<hbm>>
        tpu.wait_dma2 semaphore(%arg9 : memref<!tpu.dma_semaphore, #tpu.memory_space<semaphore_mem>>) src(%dma_wait3A_114 : memref<128x128xf32, #tpu.memory_space<hbm>>) dst(%arg6 : memref<128x128xf32, #tpu.memory_space<vmem>>)
        %add3A_115 = arith.constant 1 : i32
        %add3A_116 = arith.addi %while3A_87, %add3A_115 : i32
        %lt3A_117 = arith.cmpi slt, %add3A_116, %add3A_34 : i32
        %convert_element_type3A_118 = arith.extui %lt3A_117 : i1 to i32
        %cond3A_119 = arith.constant 0 : i32
        %cond3A_120 = arith.cmpi ne, %convert_element_type3A_118, %cond3A_119 : i32
        scf.if %cond3A_120 {
          %add3A_122 = arith.constant 1 : i32
          %add3A_123 = arith.addi %while3A_87, %add3A_122 : i32
          %add3A_124 = arith.addi %add3A_38, %add3A_123 : i32
          %mul3A_125 = arith.constant 128 : i32
          %mul3A_126 = arith.muli %add3A_124, %mul3A_125 : i32
          %multiple_of3A_127 = tpu.assume_multiple %mul3A_126, 128 : i32
          %dma_start3A_128 = arith.constant 0 : i32
          %dma_start3A_129 = tpu.memref_slice %arg2[%multiple_of3A_127, %dma_start3A_128] : memref<160000x128xf32, #tpu.memory_space<hbm>> -> memref<128x128xf32, #tpu.memory_space<hbm>>
          %dma_start3A_130 = arith.constant 0 : i32
          %dma_start3A_131 = tpu.memref_slice %arg2[%multiple_of3A_127, %dma_start3A_130] : memref<160000x128xf32, #tpu.memory_space<hbm>> -> memref<128x128xf32, #tpu.memory_space<hbm>>
          tpu.enqueue_dma source(%dma_start3A_131 : memref<128x128xf32, #tpu.memory_space<hbm>>) target(%arg7 : memref<128x128xf32, #tpu.memory_space<vmem>>) target_semaphore(%arg10 : memref<!tpu.dma_semaphore, #tpu.memory_space<semaphore_mem>>)
        } else {
        }
        %add3A_121 = arith.addi %sub3A_64, %while3A_87 : i32
        "tpu.region"() ({
          %run_scoped3A = tpu.sem_alloc : memref<!tpu.dma_semaphore, #tpu.memory_space<semaphore_mem>>
          %dma_start3A_122 = arith.constant 0 : i32
          %dma_start3A_123 = tpu.memref_slice %arg5[%add3A_121, %dma_start3A_122] : memref<48x128xi32, #tpu.memory_space<vmem>> -> memref<1x128xi32, #tpu.memory_space<vmem>>
          %dma_start3A_124 = tpu.memref_squeeze %dma_start3A_123 : memref<1x128xi32, #tpu.memory_space<vmem>> -> memref<128xi32, #tpu.memory_space<vmem>>
          %dma_start3A_125 = arith.constant 0 : i32
          %dma_start3A_126 = arith.constant 0 : i32
          %dma_start3A_127 = tpu.memref_slice %arg8[%dma_start3A_125, %dma_start3A_126] : memref<10240x128xf32, #tpu.memory_space<vmem_shared>> -> memref<10240x128xf32, #tpu.memory_space<vmem_shared>>
          tpu.enqueue_indirect_dma source(%arg6 : memref<128x128xf32, #tpu.memory_space<vmem>>) target(%dma_start3A_127 : memref<10240x128xf32, #tpu.memory_space<vmem_shared>>) offsets(%dma_start3A_124 : memref<128xi32, #tpu.memory_space<vmem>>) semaphore(%run_scoped3A : memref<!tpu.dma_semaphore, #tpu.memory_space<semaphore_mem>>) {add = true}
          %dma_wait3A_128 = arith.constant 0 : i32
          %dma_wait3A_129 = tpu.memref_slice %arg5[%add3A_121, %dma_wait3A_128] : memref<48x128xi32, #tpu.memory_space<vmem>> -> memref<1x128xi32, #tpu.memory_space<vmem>>
          %dma_wait3A_130 = tpu.memref_squeeze %dma_wait3A_129 : memref<1x128xi32, #tpu.memory_space<vmem>> -> memref<128xi32, #tpu.memory_space<vmem>>
          %dma_wait3A_131 = arith.constant 0 : i32
          %dma_wait3A_132 = arith.constant 0 : i32
          %dma_wait3A_133 = tpu.memref_slice %arg8[%dma_wait3A_131, %dma_wait3A_132] : memref<10240x128xf32, #tpu.memory_space<vmem_shared>> -> memref<10240x128xf32, #tpu.memory_space<vmem_shared>>
          tpu.wait_indirect_dma semaphore(%run_scoped3A : memref<!tpu.dma_semaphore, #tpu.memory_space<semaphore_mem>>) src(%arg6 : memref<128x128xf32, #tpu.memory_space<vmem>>) dst(%dma_wait3A_133 : memref<10240x128xf32, #tpu.memory_space<vmem_shared>>)
          tpu.yield
        }) : () -> ()
      } else {
      }
      %not3A = arith.constant true
      %not3A_106 = arith.xori %eq3A_104, %not3A : i1
      %convert_element_type3A_107 = arith.extui %not3A_106 : i1 to i32
      %cond3A_108 = arith.constant 0 : i32
      %cond3A_109 = arith.cmpi ne, %convert_element_type3A_107, %cond3A_108 : i32
      scf.if %cond3A_109 {
        %dma_wait3A = arith.constant 0 : i32
        %dma_wait3A_110 = arith.constant 0 : i32
        %dma_wait3A_111 = tpu.memref_slice %arg2[%dma_wait3A, %dma_wait3A_110] : memref<160000x128xf32, #tpu.memory_space<hbm>> -> memref<128x128xf32, #tpu.memory_space<hbm>>
        %dma_wait3A_112 = arith.constant 0 : i32
        %dma_wait3A_113 = arith.constant 0 : i32
        %dma_wait3A_114 = tpu.memref_slice %arg2[%dma_wait3A_112, %dma_wait3A_113] : memref<160000x128xf32, #tpu.memory_space<hbm>> -> memref<128x128xf32, #tpu.memory_space<hbm>>
        tpu.wait_dma2 semaphore(%arg10 : memref<!tpu.dma_semaphore, #tpu.memory_space<semaphore_mem>>) src(%dma_wait3A_114 : memref<128x128xf32, #tpu.memory_space<hbm>>) dst(%arg7 : memref<128x128xf32, #tpu.memory_space<vmem>>)
        %add3A_115 = arith.constant 1 : i32
        %add3A_116 = arith.addi %while3A_87, %add3A_115 : i32
        %lt3A_117 = arith.cmpi slt, %add3A_116, %add3A_34 : i32
        %convert_element_type3A_118 = arith.extui %lt3A_117 : i1 to i32
        %cond3A_119 = arith.constant 0 : i32
        %cond3A_120 = arith.cmpi ne, %convert_element_type3A_118, %cond3A_119 : i32
        scf.if %cond3A_120 {
          %add3A_122 = arith.constant 1 : i32
          %add3A_123 = arith.addi %while3A_87, %add3A_122 : i32
          %add3A_124 = arith.addi %add3A_38, %add3A_123 : i32
          %mul3A_125 = arith.constant 128 : i32
          %mul3A_126 = arith.muli %add3A_124, %mul3A_125 : i32
          %multiple_of3A_127 = tpu.assume_multiple %mul3A_126, 128 : i32
          %dma_start3A_128 = arith.constant 0 : i32
          %dma_start3A_129 = tpu.memref_slice %arg2[%multiple_of3A_127, %dma_start3A_128] : memref<160000x128xf32, #tpu.memory_space<hbm>> -> memref<128x128xf32, #tpu.memory_space<hbm>>
          %dma_start3A_130 = arith.constant 0 : i32
          %dma_start3A_131 = tpu.memref_slice %arg2[%multiple_of3A_127, %dma_start3A_130] : memref<160000x128xf32, #tpu.memory_space<hbm>> -> memref<128x128xf32, #tpu.memory_space<hbm>>
          tpu.enqueue_dma source(%dma_start3A_131 : memref<128x128xf32, #tpu.memory_space<hbm>>) target(%arg6 : memref<128x128xf32, #tpu.memory_space<vmem>>) target_semaphore(%arg9 : memref<!tpu.dma_semaphore, #tpu.memory_space<semaphore_mem>>)
        } else {
        }
        %add3A_121 = arith.addi %sub3A_64, %while3A_87 : i32
        "tpu.region"() ({
          %run_scoped3A = tpu.sem_alloc : memref<!tpu.dma_semaphore, #tpu.memory_space<semaphore_mem>>
          %dma_start3A_122 = arith.constant 0 : i32
          %dma_start3A_123 = tpu.memref_slice %arg5[%add3A_121, %dma_start3A_122] : memref<48x128xi32, #tpu.memory_space<vmem>> -> memref<1x128xi32, #tpu.memory_space<vmem>>
          %dma_start3A_124 = tpu.memref_squeeze %dma_start3A_123 : memref<1x128xi32, #tpu.memory_space<vmem>> -> memref<128xi32, #tpu.memory_space<vmem>>
          %dma_start3A_125 = arith.constant 0 : i32
          %dma_start3A_126 = arith.constant 0 : i32
          %dma_start3A_127 = tpu.memref_slice %arg8[%dma_start3A_125, %dma_start3A_126] : memref<10240x128xf32, #tpu.memory_space<vmem_shared>> -> memref<10240x128xf32, #tpu.memory_space<vmem_shared>>
          tpu.enqueue_indirect_dma source(%arg7 : memref<128x128xf32, #tpu.memory_space<vmem>>) target(%dma_start3A_127 : memref<10240x128xf32, #tpu.memory_space<vmem_shared>>) offsets(%dma_start3A_124 : memref<128xi32, #tpu.memory_space<vmem>>) semaphore(%run_scoped3A : memref<!tpu.dma_semaphore, #tpu.memory_space<semaphore_mem>>) {add = true}
          %dma_wait3A_128 = arith.constant 0 : i32
          %dma_wait3A_129 = tpu.memref_slice %arg5[%add3A_121, %dma_wait3A_128] : memref<48x128xi32, #tpu.memory_space<vmem>> -> memref<1x128xi32, #tpu.memory_space<vmem>>
          %dma_wait3A_130 = tpu.memref_squeeze %dma_wait3A_129 : memref<1x128xi32, #tpu.memory_space<vmem>> -> memref<128xi32, #tpu.memory_space<vmem>>
          %dma_wait3A_131 = arith.constant 0 : i32
          %dma_wait3A_132 = arith.constant 0 : i32
          %dma_wait3A_133 = tpu.memref_slice %arg8[%dma_wait3A_131, %dma_wait3A_132] : memref<10240x128xf32, #tpu.memory_space<vmem_shared>> -> memref<10240x128xf32, #tpu.memory_space<vmem_shared>>
          tpu.wait_indirect_dma semaphore(%run_scoped3A : memref<!tpu.dma_semaphore, #tpu.memory_space<semaphore_mem>>) src(%arg7 : memref<128x128xf32, #tpu.memory_space<vmem>>) dst(%dma_wait3A_133 : memref<10240x128xf32, #tpu.memory_space<vmem_shared>>)
          tpu.yield
        }) : () -> ()
      } else {
      }
    }
    %barrier3A_82 = arith.constant 0 : index
    tpu.barrier barrier_id(%barrier3A_82)
    %mul3A_83 = arith.constant 640 : i32
    %mul3A_84 = arith.muli %arg1, %mul3A_83 : i32
    %mul3A_85 = arith.constant 640 : i32
    %mul3A_86 = arith.muli %arg1, %mul3A_85 : i32
    "tpu.region"() ({
      %run_scoped3A = tpu.sem_alloc : memref<!tpu.dma_semaphore, #tpu.memory_space<semaphore_mem>>
      %dma_start3A_87 = arith.constant 0 : i32
      %dma_start3A_88 = tpu.memref_slice %arg4[%arg0, %mul3A_86, %dma_start3A_87] : memref<2x10240x128xf32, #tpu.memory_space<hbm>> -> memref<1x640x128xf32, #tpu.memory_space<hbm>>
      %dma_start3A_89 = tpu.memref_squeeze %dma_start3A_88 : memref<1x640x128xf32, #tpu.memory_space<hbm>> -> memref<640x128xf32, #tpu.memory_space<hbm>>
      %dma_start3A_90 = arith.constant 0 : i32
      %dma_start3A_91 = tpu.memref_slice %arg8[%mul3A_84, %dma_start3A_90] : memref<10240x128xf32, #tpu.memory_space<vmem_shared>> -> memref<640x128xf32, #tpu.memory_space<vmem_shared>>
      tpu.enqueue_dma source(%dma_start3A_91 : memref<640x128xf32, #tpu.memory_space<vmem_shared>>) target(%dma_start3A_89 : memref<640x128xf32, #tpu.memory_space<hbm>>) target_semaphore(%run_scoped3A : memref<!tpu.dma_semaphore, #tpu.memory_space<semaphore_mem>>)
      %dma_wait3A = arith.constant 0 : i32
      %dma_wait3A_92 = tpu.memref_slice %arg4[%arg0, %mul3A_86, %dma_wait3A] : memref<2x10240x128xf32, #tpu.memory_space<hbm>> -> memref<1x640x128xf32, #tpu.memory_space<hbm>>
      %dma_wait3A_93 = tpu.memref_squeeze %dma_wait3A_92 : memref<1x640x128xf32, #tpu.memory_space<hbm>> -> memref<640x128xf32, #tpu.memory_space<hbm>>
      %dma_wait3A_94 = arith.constant 0 : i32
      %dma_wait3A_95 = tpu.memref_slice %arg8[%mul3A_84, %dma_wait3A_94] : memref<10240x128xf32, #tpu.memory_space<vmem_shared>> -> memref<640x128xf32, #tpu.memory_space<vmem_shared>>
      tpu.wait_dma2 semaphore(%run_scoped3A : memref<!tpu.dma_semaphore, #tpu.memory_space<semaphore_mem>>) src(%dma_wait3A_95 : memref<640x128xf32, #tpu.memory_space<vmem_shared>>) dst(%dma_wait3A_93 : memref<640x128xf32, #tpu.memory_space<hbm>>)
      tpu.yield
    }) : () -> ()
    return
  }
}

#map = affine_map<(d0, d1) -> (0, 0)>
module attributes {stable_mosaic.version = 14 : i64} {
  func.func @edge_gather_s0(%arg0: i32, %arg1: i32, %arg2: memref<10000x128xf32, #tpu.memory_space<hbm>>, %arg3: memref<5000x128xi32, #tpu.memory_space<hbm>>, %arg4: memref<160000x128xf32, #tpu.memory_space<hbm>>, %arg5: memref<48x128xi32, #tpu.memory_space<vmem>>, %arg6: memref<384x128xf32, #tpu.memory_space<vmem>>, %arg7: memref<384x128xf32, #tpu.memory_space<vmem>>, %arg8: memref<!tpu.dma_semaphore, #tpu.memory_space<semaphore_mem>>, %arg9: memref<!tpu.dma_semaphore, #tpu.memory_space<semaphore_mem>>) attributes {dimension_semantics = [#tpu.dimension_semantics<core_parallel>, #tpu.dimension_semantics<subcore_parallel>], iteration_bounds = array<i64: 2, 16>, scalar_prefetch = 0 : i64, scratch_operands = 5 : i64, tpu.core_type = #tpu.core_type<sc_vector_subcore>, window_params = [{transform_indices = #map}, {transform_indices = #map}, {transform_indices = #map}]} {
    %mul3A = arith.constant 2 : i32
    %mul3A_0 = arith.muli %arg1, %mul3A : i32
    %add3A = arith.addi %mul3A_0, %arg0 : i32
    %lt3A = arith.constant 2 : i32
    %lt3A_1 = arith.cmpi slt, %add3A, %lt3A : i32
    %jit3A = arith.constant 1 : i32
    %jit3A_2 = arith.constant 0 : i32
    %select_n3A = arith.select %lt3A_1, %jit3A, %jit3A_2 : i32
    %add3A_3 = arith.constant 39 : i32
    %add3A_4 = arith.addi %add3A_3, %select_n3A : i32
    %mul3A_5 = arith.constant 39 : i32
    %mul3A_6 = arith.muli %add3A, %mul3A_5 : i32
    %min3A = arith.constant 2 : i32
    %min3A_7 = arith.minsi %add3A, %min3A : i32
    %add3A_8 = arith.addi %mul3A_6, %min3A_7 : i32
    %add3A_9 = arith.constant 0 : i32
    %add3A_10 = arith.addi %add3A_9, %add3A_8 : i32
    %jit3A_11 = arith.constant 8 : i32
    %div3A = arith.divsi %add3A_10, %jit3A_11 : i32
    %sign3A = arith.constant 0 : i32
    %sign3A_12 = arith.cmpi sgt, %add3A_10, %sign3A : i32
    %sign3A_13 = arith.extui %sign3A_12 : i1 to i32
    %sign3A_14 = arith.constant 0 : i32
    %sign3A_15 = arith.cmpi slt, %add3A_10, %sign3A_14 : i32
    %sign3A_16 = arith.extui %sign3A_15 : i1 to i32
    %sign3A_17 = arith.subi %sign3A_13, %sign3A_16 : i32
    %sign3A_18 = arith.constant 0 : i32
    %sign3A_19 = arith.cmpi sgt, %jit3A_11, %sign3A_18 : i32
    %sign3A_20 = arith.extui %sign3A_19 : i1 to i32
    %sign3A_21 = arith.constant 0 : i32
    %sign3A_22 = arith.cmpi slt, %jit3A_11, %sign3A_21 : i32
    %sign3A_23 = arith.extui %sign3A_22 : i1 to i32
    %sign3A_24 = arith.subi %sign3A_20, %sign3A_23 : i32
    %ne3A = arith.cmpi ne, %sign3A_17, %sign3A_24 : i32
    %rem3A = arith.remsi %add3A_10, %jit3A_11 : i32
    %ne3A_25 = arith.constant 0 : i32
    %ne3A_26 = arith.cmpi ne, %rem3A, %ne3A_25 : i32
    %and3A = arith.andi %ne3A, %ne3A_26 : i1
    %sub3A = arith.constant 1 : i32
    %sub3A_27 = arith.subi %div3A, %sub3A : i32
    %select_n3A_28 = arith.select %and3A, %sub3A_27, %div3A : i32
    %mul3A_29 = arith.constant 8 : i32
    %mul3A_30 = arith.muli %select_n3A_28, %mul3A_29 : i32
    %min3A_31 = arith.constant 4952 : i32
    %min3A_32 = arith.minsi %mul3A_30, %min3A_31 : i32
    %multiple_of3A = tpu.assume_multiple %min3A_32, 8 : i32
    %sub3A_33 = arith.subi %add3A_10, %multiple_of3A : i32
    "tpu.region"() ({
      %run_scoped3A = tpu.sem_alloc : memref<!tpu.dma_semaphore, #tpu.memory_space<semaphore_mem>>
      %dma_start3A_86 = arith.constant 0 : i32
      %dma_start3A_87 = tpu.memref_slice %arg3[%multiple_of3A, %dma_start3A_86] : memref<5000x128xi32, #tpu.memory_space<hbm>> -> memref<48x128xi32, #tpu.memory_space<hbm>>
      %dma_start3A_88 = arith.constant 0 : i32
      %dma_start3A_89 = tpu.memref_slice %arg3[%multiple_of3A, %dma_start3A_88] : memref<5000x128xi32, #tpu.memory_space<hbm>> -> memref<48x128xi32, #tpu.memory_space<hbm>>
      tpu.enqueue_dma source(%dma_start3A_89 : memref<48x128xi32, #tpu.memory_space<hbm>>) target(%arg5 : memref<48x128xi32, #tpu.memory_space<vmem>>) target_semaphore(%run_scoped3A : memref<!tpu.dma_semaphore, #tpu.memory_space<semaphore_mem>>)
      %dma_wait3A = arith.constant 0 : i32
      %dma_wait3A_90 = tpu.memref_slice %arg3[%multiple_of3A, %dma_wait3A] : memref<5000x128xi32, #tpu.memory_space<hbm>> -> memref<48x128xi32, #tpu.memory_space<hbm>>
      %dma_wait3A_91 = arith.constant 0 : i32
      %dma_wait3A_92 = tpu.memref_slice %arg3[%multiple_of3A, %dma_wait3A_91] : memref<5000x128xi32, #tpu.memory_space<hbm>> -> memref<48x128xi32, #tpu.memory_space<hbm>>
      tpu.wait_dma2 semaphore(%run_scoped3A : memref<!tpu.dma_semaphore, #tpu.memory_space<semaphore_mem>>) src(%dma_wait3A_92 : memref<48x128xi32, #tpu.memory_space<hbm>>) dst(%arg5 : memref<48x128xi32, #tpu.memory_space<vmem>>)
      tpu.yield
    }) : () -> ()
    %add3A_34 = arith.constant 0 : i32
    %add3A_35 = arith.addi %sub3A_33, %add3A_34 : i32
    %add3A_36 = arith.constant 0 : i32
    %add3A_37 = arith.addi %add3A_35, %add3A_36 : i32
    %dma_start3A = arith.constant 0 : i32
    %dma_start3A_38 = arith.constant 0 : i32
    %dma_start3A_39 = tpu.memref_slice %arg6[%dma_start3A, %dma_start3A_38] : memref<384x128xf32, #tpu.memory_space<vmem>> -> memref<128x128xf32, #tpu.memory_space<vmem>>
    %dma_start3A_40 = arith.constant 0 : i32
    %dma_start3A_41 = tpu.memref_slice %arg5[%add3A_37, %dma_start3A_40] : memref<48x128xi32, #tpu.memory_space<vmem>> -> memref<1x128xi32, #tpu.memory_space<vmem>>
    %dma_start3A_42 = tpu.memref_squeeze %dma_start3A_41 : memref<1x128xi32, #tpu.memory_space<vmem>> -> memref<128xi32, #tpu.memory_space<vmem>>
    %dma_start3A_43 = arith.constant 0 : i32
    %dma_start3A_44 = arith.constant 0 : i32
    %dma_start3A_45 = tpu.memref_slice %arg2[%dma_start3A_43, %dma_start3A_44] : memref<10000x128xf32, #tpu.memory_space<hbm>> -> memref<10000x128xf32, #tpu.memory_space<hbm>>
    tpu.enqueue_indirect_dma source(%dma_start3A_45 : memref<10000x128xf32, #tpu.memory_space<hbm>>) target(%dma_start3A_39 : memref<128x128xf32, #tpu.memory_space<vmem>>) offsets(%dma_start3A_42 : memref<128xi32, #tpu.memory_space<vmem>>) semaphore(%arg8 : memref<!tpu.dma_semaphore, #tpu.memory_space<semaphore_mem>>)
    %add3A_46 = arith.constant 0 : i32
    %add3A_47 = arith.addi %sub3A_33, %add3A_46 : i32
    %add3A_48 = arith.constant 1 : i32
    %add3A_49 = arith.addi %add3A_47, %add3A_48 : i32
    %dma_start3A_50 = arith.constant 128 : i32
    %dma_start3A_51 = arith.constant 0 : i32
    %dma_start3A_52 = tpu.memref_slice %arg6[%dma_start3A_50, %dma_start3A_51] : memref<384x128xf32, #tpu.memory_space<vmem>> -> memref<128x128xf32, #tpu.memory_space<vmem>>
    %dma_start3A_53 = arith.constant 0 : i32
    %dma_start3A_54 = tpu.memref_slice %arg5[%add3A_49, %dma_start3A_53] : memref<48x128xi32, #tpu.memory_space<vmem>> -> memref<1x128xi32, #tpu.memory_space<vmem>>
    %dma_start3A_55 = tpu.memref_squeeze %dma_start3A_54 : memref<1x128xi32, #tpu.memory_space<vmem>> -> memref<128xi32, #tpu.memory_space<vmem>>
    %dma_start3A_56 = arith.constant 0 : i32
    %dma_start3A_57 = arith.constant 0 : i32
    %dma_start3A_58 = tpu.memref_slice %arg2[%dma_start3A_56, %dma_start3A_57] : memref<10000x128xf32, #tpu.memory_space<hbm>> -> memref<10000x128xf32, #tpu.memory_space<hbm>>
    tpu.enqueue_indirect_dma source(%dma_start3A_58 : memref<10000x128xf32, #tpu.memory_space<hbm>>) target(%dma_start3A_52 : memref<128x128xf32, #tpu.memory_space<vmem>>) offsets(%dma_start3A_55 : memref<128xi32, #tpu.memory_space<vmem>>) semaphore(%arg8 : memref<!tpu.dma_semaphore, #tpu.memory_space<semaphore_mem>>)
    %add3A_59 = arith.constant 0 : i32
    %add3A_60 = arith.addi %sub3A_33, %add3A_59 : i32
    %add3A_61 = arith.constant 2 : i32
    %add3A_62 = arith.addi %add3A_60, %add3A_61 : i32
    %dma_start3A_63 = arith.constant 256 : i32
    %dma_start3A_64 = arith.constant 0 : i32
    %dma_start3A_65 = tpu.memref_slice %arg6[%dma_start3A_63, %dma_start3A_64] : memref<384x128xf32, #tpu.memory_space<vmem>> -> memref<128x128xf32, #tpu.memory_space<vmem>>
    %dma_start3A_66 = arith.constant 0 : i32
    %dma_start3A_67 = tpu.memref_slice %arg5[%add3A_62, %dma_start3A_66] : memref<48x128xi32, #tpu.memory_space<vmem>> -> memref<1x128xi32, #tpu.memory_space<vmem>>
    %dma_start3A_68 = tpu.memref_squeeze %dma_start3A_67 : memref<1x128xi32, #tpu.memory_space<vmem>> -> memref<128xi32, #tpu.memory_space<vmem>>
    %dma_start3A_69 = arith.constant 0 : i32
    %dma_start3A_70 = arith.constant 0 : i32
    %dma_start3A_71 = tpu.memref_slice %arg2[%dma_start3A_69, %dma_start3A_70] : memref<10000x128xf32, #tpu.memory_space<hbm>> -> memref<10000x128xf32, #tpu.memory_space<hbm>>
    tpu.enqueue_indirect_dma source(%dma_start3A_71 : memref<10000x128xf32, #tpu.memory_space<hbm>>) target(%dma_start3A_65 : memref<128x128xf32, #tpu.memory_space<vmem>>) offsets(%dma_start3A_68 : memref<128xi32, #tpu.memory_space<vmem>>) semaphore(%arg8 : memref<!tpu.dma_semaphore, #tpu.memory_space<semaphore_mem>>)
    %scan3A = arith.constant 0 : i32
    %scan3A_72 = arith.constant 0 : i32
    %scan3A_73 = arith.constant 13 : i32
    %scan3A_74 = arith.addi %scan3A_72, %scan3A_73 : i32
    %scan3A_75 = arith.constant 1 : i32
    scf.for %scan3A_86 = %scan3A_72 to %scan3A_74 step %scan3A_75  : i32 {
      %jit3A_87 = arith.constant 2 : i32
      %eq3A = arith.constant 0 : i32
      %eq3A_88 = arith.cmpi eq, %jit3A_87, %eq3A : i32
      %jit3A_89 = arith.constant 1 : i32
      %select_n3A_90 = arith.select %eq3A_88, %jit3A_89, %jit3A_87 : i32
      %rem3A_91 = arith.remsi %scan3A_86, %select_n3A_90 : i32
      %ne3A_92 = arith.constant 0 : i32
      %ne3A_93 = arith.cmpi ne, %rem3A_91, %ne3A_92 : i32
      %lt3A_94 = arith.constant 0 : i32
      %lt3A_95 = arith.cmpi slt, %rem3A_91, %lt3A_94 : i32
      %lt3A_96 = arith.constant 0 : i32
      %lt3A_97 = arith.cmpi slt, %select_n3A_90, %lt3A_96 : i32
      %ne3A_98 = arith.xori %lt3A_95, %lt3A_97 : i1
      %and3A_99 = arith.andi %ne3A_98, %ne3A_93 : i1
      %add3A_100 = arith.addi %rem3A_91, %select_n3A_90 : i32
      %select_n3A_101 = arith.select %and3A_99, %add3A_100, %rem3A_91 : i32
      %eq3A_102 = arith.constant 0 : i32
      %eq3A_103 = arith.cmpi eq, %select_n3A_101, %eq3A_102 : i32
      %convert_element_type3A = arith.extui %eq3A_103 : i1 to i32
      %cond3A = arith.constant 0 : i32
      %cond3A_104 = arith.cmpi ne, %convert_element_type3A, %cond3A : i32
      scf.if %cond3A_104 {
        %dma_wait3A = arith.constant 0 : i32
        %dma_wait3A_109 = arith.constant 0 : i32
        %dma_wait3A_110 = tpu.memref_slice %arg4[%dma_wait3A, %dma_wait3A_109] : memref<160000x128xf32, #tpu.memory_space<hbm>> -> memref<384x128xf32, #tpu.memory_space<hbm>>
        %dma_wait3A_111 = arith.constant 0 : i32
        %dma_wait3A_112 = arith.constant 0 : i32
        %dma_wait3A_113 = tpu.memref_slice %arg4[%dma_wait3A_111, %dma_wait3A_112] : memref<160000x128xf32, #tpu.memory_space<hbm>> -> memref<384x128xf32, #tpu.memory_space<hbm>>
        tpu.wait_dma2 semaphore(%arg8 : memref<!tpu.dma_semaphore, #tpu.memory_space<semaphore_mem>>) src(%dma_wait3A_113 : memref<384x128xf32, #tpu.memory_space<hbm>>) dst(%arg6 : memref<384x128xf32, #tpu.memory_space<vmem>>)
        %add3A_114 = arith.constant 1 : i32
        %add3A_115 = arith.addi %scan3A_86, %add3A_114 : i32
        %lt3A_116 = arith.constant 13 : i32
        %lt3A_117 = arith.cmpi slt, %add3A_115, %lt3A_116 : i32
        %convert_element_type3A_118 = arith.extui %lt3A_117 : i1 to i32
        %cond3A_119 = arith.constant 0 : i32
        %cond3A_120 = arith.cmpi ne, %convert_element_type3A_118, %cond3A_119 : i32
        scf.if %cond3A_120 {
          %add3A_127 = arith.constant 1 : i32
          %add3A_128 = arith.addi %scan3A_86, %add3A_127 : i32
          %mul3A_129 = arith.constant 3 : i32
          %mul3A_130 = arith.muli %add3A_128, %mul3A_129 : i32
          %add3A_131 = arith.addi %sub3A_33, %mul3A_130 : i32
          %add3A_132 = arith.constant 0 : i32
          %add3A_133 = arith.addi %add3A_131, %add3A_132 : i32
          %dma_start3A_134 = arith.constant 0 : i32
          %dma_start3A_135 = arith.constant 0 : i32
          %dma_start3A_136 = tpu.memref_slice %arg7[%dma_start3A_134, %dma_start3A_135] : memref<384x128xf32, #tpu.memory_space<vmem>> -> memref<128x128xf32, #tpu.memory_space<vmem>>
          %dma_start3A_137 = arith.constant 0 : i32
          %dma_start3A_138 = tpu.memref_slice %arg5[%add3A_133, %dma_start3A_137] : memref<48x128xi32, #tpu.memory_space<vmem>> -> memref<1x128xi32, #tpu.memory_space<vmem>>
          %dma_start3A_139 = tpu.memref_squeeze %dma_start3A_138 : memref<1x128xi32, #tpu.memory_space<vmem>> -> memref<128xi32, #tpu.memory_space<vmem>>
          %dma_start3A_140 = arith.constant 0 : i32
          %dma_start3A_141 = arith.constant 0 : i32
          %dma_start3A_142 = tpu.memref_slice %arg2[%dma_start3A_140, %dma_start3A_141] : memref<10000x128xf32, #tpu.memory_space<hbm>> -> memref<10000x128xf32, #tpu.memory_space<hbm>>
          tpu.enqueue_indirect_dma source(%dma_start3A_142 : memref<10000x128xf32, #tpu.memory_space<hbm>>) target(%dma_start3A_136 : memref<128x128xf32, #tpu.memory_space<vmem>>) offsets(%dma_start3A_139 : memref<128xi32, #tpu.memory_space<vmem>>) semaphore(%arg9 : memref<!tpu.dma_semaphore, #tpu.memory_space<semaphore_mem>>)
          %mul3A_143 = arith.constant 3 : i32
          %mul3A_144 = arith.muli %add3A_128, %mul3A_143 : i32
          %add3A_145 = arith.addi %sub3A_33, %mul3A_144 : i32
          %add3A_146 = arith.constant 1 : i32
          %add3A_147 = arith.addi %add3A_145, %add3A_146 : i32
          %dma_start3A_148 = arith.constant 128 : i32
          %dma_start3A_149 = arith.constant 0 : i32
          %dma_start3A_150 = tpu.memref_slice %arg7[%dma_start3A_148, %dma_start3A_149] : memref<384x128xf32, #tpu.memory_space<vmem>> -> memref<128x128xf32, #tpu.memory_space<vmem>>
          %dma_start3A_151 = arith.constant 0 : i32
          %dma_start3A_152 = tpu.memref_slice %arg5[%add3A_147, %dma_start3A_151] : memref<48x128xi32, #tpu.memory_space<vmem>> -> memref<1x128xi32, #tpu.memory_space<vmem>>
          %dma_start3A_153 = tpu.memref_squeeze %dma_start3A_152 : memref<1x128xi32, #tpu.memory_space<vmem>> -> memref<128xi32, #tpu.memory_space<vmem>>
          %dma_start3A_154 = arith.constant 0 : i32
          %dma_start3A_155 = arith.constant 0 : i32
          %dma_start3A_156 = tpu.memref_slice %arg2[%dma_start3A_154, %dma_start3A_155] : memref<10000x128xf32, #tpu.memory_space<hbm>> -> memref<10000x128xf32, #tpu.memory_space<hbm>>
          tpu.enqueue_indirect_dma source(%dma_start3A_156 : memref<10000x128xf32, #tpu.memory_space<hbm>>) target(%dma_start3A_150 : memref<128x128xf32, #tpu.memory_space<vmem>>) offsets(%dma_start3A_153 : memref<128xi32, #tpu.memory_space<vmem>>) semaphore(%arg9 : memref<!tpu.dma_semaphore, #tpu.memory_space<semaphore_mem>>)
          %mul3A_157 = arith.constant 3 : i32
          %mul3A_158 = arith.muli %add3A_128, %mul3A_157 : i32
          %add3A_159 = arith.addi %sub3A_33, %mul3A_158 : i32
          %add3A_160 = arith.constant 2 : i32
          %add3A_161 = arith.addi %add3A_159, %add3A_160 : i32
          %dma_start3A_162 = arith.constant 256 : i32
          %dma_start3A_163 = arith.constant 0 : i32
          %dma_start3A_164 = tpu.memref_slice %arg7[%dma_start3A_162, %dma_start3A_163] : memref<384x128xf32, #tpu.memory_space<vmem>> -> memref<128x128xf32, #tpu.memory_space<vmem>>
          %dma_start3A_165 = arith.constant 0 : i32
          %dma_start3A_166 = tpu.memref_slice %arg5[%add3A_161, %dma_start3A_165] : memref<48x128xi32, #tpu.memory_space<vmem>> -> memref<1x128xi32, #tpu.memory_space<vmem>>
          %dma_start3A_167 = tpu.memref_squeeze %dma_start3A_166 : memref<1x128xi32, #tpu.memory_space<vmem>> -> memref<128xi32, #tpu.memory_space<vmem>>
          %dma_start3A_168 = arith.constant 0 : i32
          %dma_start3A_169 = arith.constant 0 : i32
          %dma_start3A_170 = tpu.memref_slice %arg2[%dma_start3A_168, %dma_start3A_169] : memref<10000x128xf32, #tpu.memory_space<hbm>> -> memref<10000x128xf32, #tpu.memory_space<hbm>>
          tpu.enqueue_indirect_dma source(%dma_start3A_170 : memref<10000x128xf32, #tpu.memory_space<hbm>>) target(%dma_start3A_164 : memref<128x128xf32, #tpu.memory_space<vmem>>) offsets(%dma_start3A_167 : memref<128xi32, #tpu.memory_space<vmem>>) semaphore(%arg9 : memref<!tpu.dma_semaphore, #tpu.memory_space<semaphore_mem>>)
        } else {
        }
        %mul3A_121 = arith.constant 3 : i32
        %mul3A_122 = arith.muli %scan3A_86, %mul3A_121 : i32
        %add3A_123 = arith.addi %add3A_8, %mul3A_122 : i32
        %mul3A_124 = arith.constant 128 : i32
        %mul3A_125 = arith.muli %add3A_123, %mul3A_124 : i32
        %multiple_of3A_126 = tpu.assume_multiple %mul3A_125, 128 : i32
        "tpu.region"() ({
          %run_scoped3A = tpu.sem_alloc : memref<!tpu.dma_semaphore, #tpu.memory_space<semaphore_mem>>
          %dma_start3A_127 = arith.constant 0 : i32
          %dma_start3A_128 = tpu.memref_slice %arg4[%multiple_of3A_126, %dma_start3A_127] : memref<160000x128xf32, #tpu.memory_space<hbm>> -> memref<384x128xf32, #tpu.memory_space<hbm>>
          %dma_start3A_129 = arith.constant 0 : i32
          %dma_start3A_130 = tpu.memref_slice %arg4[%multiple_of3A_126, %dma_start3A_129] : memref<160000x128xf32, #tpu.memory_space<hbm>> -> memref<384x128xf32, #tpu.memory_space<hbm>>
          tpu.enqueue_dma source(%arg6 : memref<384x128xf32, #tpu.memory_space<vmem>>) target(%dma_start3A_130 : memref<384x128xf32, #tpu.memory_space<hbm>>) target_semaphore(%run_scoped3A : memref<!tpu.dma_semaphore, #tpu.memory_space<semaphore_mem>>)
          %dma_wait3A_131 = arith.constant 0 : i32
          %dma_wait3A_132 = tpu.memref_slice %arg4[%multiple_of3A_126, %dma_wait3A_131] : memref<160000x128xf32, #tpu.memory_space<hbm>> -> memref<384x128xf32, #tpu.memory_space<hbm>>
          %dma_wait3A_133 = arith.constant 0 : i32
          %dma_wait3A_134 = tpu.memref_slice %arg4[%multiple_of3A_126, %dma_wait3A_133] : memref<160000x128xf32, #tpu.memory_space<hbm>> -> memref<384x128xf32, #tpu.memory_space<hbm>>
          tpu.wait_dma2 semaphore(%run_scoped3A : memref<!tpu.dma_semaphore, #tpu.memory_space<semaphore_mem>>) src(%arg6 : memref<384x128xf32, #tpu.memory_space<vmem>>) dst(%dma_wait3A_134 : memref<384x128xf32, #tpu.memory_space<hbm>>)
          tpu.yield
        }) : () -> ()
      } else {
      }
      %not3A = arith.constant true
      %not3A_105 = arith.xori %eq3A_103, %not3A : i1
      %convert_element_type3A_106 = arith.extui %not3A_105 : i1 to i32
      %cond3A_107 = arith.constant 0 : i32
      %cond3A_108 = arith.cmpi ne, %convert_element_type3A_106, %cond3A_107 : i32
      scf.if %cond3A_108 {
        %dma_wait3A = arith.constant 0 : i32
        %dma_wait3A_109 = arith.constant 0 : i32
        %dma_wait3A_110 = tpu.memref_slice %arg4[%dma_wait3A, %dma_wait3A_109] : memref<160000x128xf32, #tpu.memory_space<hbm>> -> memref<384x128xf32, #tpu.memory_space<hbm>>
        %dma_wait3A_111 = arith.constant 0 : i32
        %dma_wait3A_112 = arith.constant 0 : i32
        %dma_wait3A_113 = tpu.memref_slice %arg4[%dma_wait3A_111, %dma_wait3A_112] : memref<160000x128xf32, #tpu.memory_space<hbm>> -> memref<384x128xf32, #tpu.memory_space<hbm>>
        tpu.wait_dma2 semaphore(%arg9 : memref<!tpu.dma_semaphore, #tpu.memory_space<semaphore_mem>>) src(%dma_wait3A_113 : memref<384x128xf32, #tpu.memory_space<hbm>>) dst(%arg7 : memref<384x128xf32, #tpu.memory_space<vmem>>)
        %add3A_114 = arith.constant 1 : i32
        %add3A_115 = arith.addi %scan3A_86, %add3A_114 : i32
        %lt3A_116 = arith.constant 13 : i32
        %lt3A_117 = arith.cmpi slt, %add3A_115, %lt3A_116 : i32
        %convert_element_type3A_118 = arith.extui %lt3A_117 : i1 to i32
        %cond3A_119 = arith.constant 0 : i32
        %cond3A_120 = arith.cmpi ne, %convert_element_type3A_118, %cond3A_119 : i32
        scf.if %cond3A_120 {
          %add3A_127 = arith.constant 1 : i32
          %add3A_128 = arith.addi %scan3A_86, %add3A_127 : i32
          %mul3A_129 = arith.constant 3 : i32
          %mul3A_130 = arith.muli %add3A_128, %mul3A_129 : i32
          %add3A_131 = arith.addi %sub3A_33, %mul3A_130 : i32
          %add3A_132 = arith.constant 0 : i32
          %add3A_133 = arith.addi %add3A_131, %add3A_132 : i32
          %dma_start3A_134 = arith.constant 0 : i32
          %dma_start3A_135 = arith.constant 0 : i32
          %dma_start3A_136 = tpu.memref_slice %arg6[%dma_start3A_134, %dma_start3A_135] : memref<384x128xf32, #tpu.memory_space<vmem>> -> memref<128x128xf32, #tpu.memory_space<vmem>>
          %dma_start3A_137 = arith.constant 0 : i32
          %dma_start3A_138 = tpu.memref_slice %arg5[%add3A_133, %dma_start3A_137] : memref<48x128xi32, #tpu.memory_space<vmem>> -> memref<1x128xi32, #tpu.memory_space<vmem>>
          %dma_start3A_139 = tpu.memref_squeeze %dma_start3A_138 : memref<1x128xi32, #tpu.memory_space<vmem>> -> memref<128xi32, #tpu.memory_space<vmem>>
          %dma_start3A_140 = arith.constant 0 : i32
          %dma_start3A_141 = arith.constant 0 : i32
          %dma_start3A_142 = tpu.memref_slice %arg2[%dma_start3A_140, %dma_start3A_141] : memref<10000x128xf32, #tpu.memory_space<hbm>> -> memref<10000x128xf32, #tpu.memory_space<hbm>>
          tpu.enqueue_indirect_dma source(%dma_start3A_142 : memref<10000x128xf32, #tpu.memory_space<hbm>>) target(%dma_start3A_136 : memref<128x128xf32, #tpu.memory_space<vmem>>) offsets(%dma_start3A_139 : memref<128xi32, #tpu.memory_space<vmem>>) semaphore(%arg8 : memref<!tpu.dma_semaphore, #tpu.memory_space<semaphore_mem>>)
          %mul3A_143 = arith.constant 3 : i32
          %mul3A_144 = arith.muli %add3A_128, %mul3A_143 : i32
          %add3A_145 = arith.addi %sub3A_33, %mul3A_144 : i32
          %add3A_146 = arith.constant 1 : i32
          %add3A_147 = arith.addi %add3A_145, %add3A_146 : i32
          %dma_start3A_148 = arith.constant 128 : i32
          %dma_start3A_149 = arith.constant 0 : i32
          %dma_start3A_150 = tpu.memref_slice %arg6[%dma_start3A_148, %dma_start3A_149] : memref<384x128xf32, #tpu.memory_space<vmem>> -> memref<128x128xf32, #tpu.memory_space<vmem>>
          %dma_start3A_151 = arith.constant 0 : i32
          %dma_start3A_152 = tpu.memref_slice %arg5[%add3A_147, %dma_start3A_151] : memref<48x128xi32, #tpu.memory_space<vmem>> -> memref<1x128xi32, #tpu.memory_space<vmem>>
          %dma_start3A_153 = tpu.memref_squeeze %dma_start3A_152 : memref<1x128xi32, #tpu.memory_space<vmem>> -> memref<128xi32, #tpu.memory_space<vmem>>
          %dma_start3A_154 = arith.constant 0 : i32
          %dma_start3A_155 = arith.constant 0 : i32
          %dma_start3A_156 = tpu.memref_slice %arg2[%dma_start3A_154, %dma_start3A_155] : memref<10000x128xf32, #tpu.memory_space<hbm>> -> memref<10000x128xf32, #tpu.memory_space<hbm>>
          tpu.enqueue_indirect_dma source(%dma_start3A_156 : memref<10000x128xf32, #tpu.memory_space<hbm>>) target(%dma_start3A_150 : memref<128x128xf32, #tpu.memory_space<vmem>>) offsets(%dma_start3A_153 : memref<128xi32, #tpu.memory_space<vmem>>) semaphore(%arg8 : memref<!tpu.dma_semaphore, #tpu.memory_space<semaphore_mem>>)
          %mul3A_157 = arith.constant 3 : i32
          %mul3A_158 = arith.muli %add3A_128, %mul3A_157 : i32
          %add3A_159 = arith.addi %sub3A_33, %mul3A_158 : i32
          %add3A_160 = arith.constant 2 : i32
          %add3A_161 = arith.addi %add3A_159, %add3A_160 : i32
          %dma_start3A_162 = arith.constant 256 : i32
          %dma_start3A_163 = arith.constant 0 : i32
          %dma_start3A_164 = tpu.memref_slice %arg6[%dma_start3A_162, %dma_start3A_163] : memref<384x128xf32, #tpu.memory_space<vmem>> -> memref<128x128xf32, #tpu.memory_space<vmem>>
          %dma_start3A_165 = arith.constant 0 : i32
          %dma_start3A_166 = tpu.memref_slice %arg5[%add3A_161, %dma_start3A_165] : memref<48x128xi32, #tpu.memory_space<vmem>> -> memref<1x128xi32, #tpu.memory_space<vmem>>
          %dma_start3A_167 = tpu.memref_squeeze %dma_start3A_166 : memref<1x128xi32, #tpu.memory_space<vmem>> -> memref<128xi32, #tpu.memory_space<vmem>>
          %dma_start3A_168 = arith.constant 0 : i32
          %dma_start3A_169 = arith.constant 0 : i32
          %dma_start3A_170 = tpu.memref_slice %arg2[%dma_start3A_168, %dma_start3A_169] : memref<10000x128xf32, #tpu.memory_space<hbm>> -> memref<10000x128xf32, #tpu.memory_space<hbm>>
          tpu.enqueue_indirect_dma source(%dma_start3A_170 : memref<10000x128xf32, #tpu.memory_space<hbm>>) target(%dma_start3A_164 : memref<128x128xf32, #tpu.memory_space<vmem>>) offsets(%dma_start3A_167 : memref<128xi32, #tpu.memory_space<vmem>>) semaphore(%arg8 : memref<!tpu.dma_semaphore, #tpu.memory_space<semaphore_mem>>)
        } else {
        }
        %mul3A_121 = arith.constant 3 : i32
        %mul3A_122 = arith.muli %scan3A_86, %mul3A_121 : i32
        %add3A_123 = arith.addi %add3A_8, %mul3A_122 : i32
        %mul3A_124 = arith.constant 128 : i32
        %mul3A_125 = arith.muli %add3A_123, %mul3A_124 : i32
        %multiple_of3A_126 = tpu.assume_multiple %mul3A_125, 128 : i32
        "tpu.region"() ({
          %run_scoped3A = tpu.sem_alloc : memref<!tpu.dma_semaphore, #tpu.memory_space<semaphore_mem>>
          %dma_start3A_127 = arith.constant 0 : i32
          %dma_start3A_128 = tpu.memref_slice %arg4[%multiple_of3A_126, %dma_start3A_127] : memref<160000x128xf32, #tpu.memory_space<hbm>> -> memref<384x128xf32, #tpu.memory_space<hbm>>
          %dma_start3A_129 = arith.constant 0 : i32
          %dma_start3A_130 = tpu.memref_slice %arg4[%multiple_of3A_126, %dma_start3A_129] : memref<160000x128xf32, #tpu.memory_space<hbm>> -> memref<384x128xf32, #tpu.memory_space<hbm>>
          tpu.enqueue_dma source(%arg7 : memref<384x128xf32, #tpu.memory_space<vmem>>) target(%dma_start3A_130 : memref<384x128xf32, #tpu.memory_space<hbm>>) target_semaphore(%run_scoped3A : memref<!tpu.dma_semaphore, #tpu.memory_space<semaphore_mem>>)
          %dma_wait3A_131 = arith.constant 0 : i32
          %dma_wait3A_132 = tpu.memref_slice %arg4[%multiple_of3A_126, %dma_wait3A_131] : memref<160000x128xf32, #tpu.memory_space<hbm>> -> memref<384x128xf32, #tpu.memory_space<hbm>>
          %dma_wait3A_133 = arith.constant 0 : i32
          %dma_wait3A_134 = tpu.memref_slice %arg4[%multiple_of3A_126, %dma_wait3A_133] : memref<160000x128xf32, #tpu.memory_space<hbm>> -> memref<384x128xf32, #tpu.memory_space<hbm>>
          tpu.wait_dma2 semaphore(%run_scoped3A : memref<!tpu.dma_semaphore, #tpu.memory_space<semaphore_mem>>) src(%arg7 : memref<384x128xf32, #tpu.memory_space<vmem>>) dst(%dma_wait3A_134 : memref<384x128xf32, #tpu.memory_space<hbm>>)
          tpu.yield
        }) : () -> ()
      } else {
      }
    }
    %scan3A_76 = arith.constant 13 : i32
    %while3A = arith.constant 0 : i32
    %while3A_77 = arith.constant 39 : i32
    %while3A_78 = arith.subi %add3A_4, %while3A_77 : i32
    %while3A_79 = arith.addi %while3A_77, %while3A_78 : i32
    %while3A_80 = arith.constant 1 : i32
    %while3A_81 = arith.divsi %while3A_78, %while3A_80 : i32
    %while3A_82 = arith.muli %while3A_81, %while3A_80 : i32
    %while3A_83 = arith.addi %while3A_77, %while3A_82 : i32
    %while3A_84 = arith.constant 1 : i32
    scf.for %while3A_86 = %while3A_77 to %while3A_83 step %while3A_84  : i32 {
      %add3A_87 = arith.addi %add3A_8, %while3A_86 : i32
      %mul3A_88 = arith.constant 128 : i32
      %mul3A_89 = arith.muli %add3A_87, %mul3A_88 : i32
      %multiple_of3A_90 = tpu.assume_multiple %mul3A_89, 128 : i32
      %add3A_91 = arith.addi %sub3A_33, %while3A_86 : i32
      %dma_start3A_92 = arith.constant 0 : i32
      %dma_start3A_93 = arith.constant 0 : i32
      %dma_start3A_94 = tpu.memref_slice %arg6[%dma_start3A_92, %dma_start3A_93] : memref<384x128xf32, #tpu.memory_space<vmem>> -> memref<128x128xf32, #tpu.memory_space<vmem>>
      %dma_start3A_95 = arith.constant 0 : i32
      %dma_start3A_96 = tpu.memref_slice %arg5[%add3A_91, %dma_start3A_95] : memref<48x128xi32, #tpu.memory_space<vmem>> -> memref<1x128xi32, #tpu.memory_space<vmem>>
      %dma_start3A_97 = tpu.memref_squeeze %dma_start3A_96 : memref<1x128xi32, #tpu.memory_space<vmem>> -> memref<128xi32, #tpu.memory_space<vmem>>
      %dma_start3A_98 = arith.constant 0 : i32
      %dma_start3A_99 = arith.constant 0 : i32
      %dma_start3A_100 = tpu.memref_slice %arg2[%dma_start3A_98, %dma_start3A_99] : memref<10000x128xf32, #tpu.memory_space<hbm>> -> memref<10000x128xf32, #tpu.memory_space<hbm>>
      tpu.enqueue_indirect_dma source(%dma_start3A_100 : memref<10000x128xf32, #tpu.memory_space<hbm>>) target(%dma_start3A_94 : memref<128x128xf32, #tpu.memory_space<vmem>>) offsets(%dma_start3A_97 : memref<128xi32, #tpu.memory_space<vmem>>) semaphore(%arg8 : memref<!tpu.dma_semaphore, #tpu.memory_space<semaphore_mem>>)
      %dma_wait3A = arith.constant 0 : i32
      %dma_wait3A_101 = arith.constant 0 : i32
      %dma_wait3A_102 = tpu.memref_slice %arg6[%dma_wait3A, %dma_wait3A_101] : memref<384x128xf32, #tpu.memory_space<vmem>> -> memref<128x128xf32, #tpu.memory_space<vmem>>
      %dma_wait3A_103 = arith.constant 0 : i32
      %dma_wait3A_104 = tpu.memref_slice %arg5[%add3A_91, %dma_wait3A_103] : memref<48x128xi32, #tpu.memory_space<vmem>> -> memref<1x128xi32, #tpu.memory_space<vmem>>
      %dma_wait3A_105 = tpu.memref_squeeze %dma_wait3A_104 : memref<1x128xi32, #tpu.memory_space<vmem>> -> memref<128xi32, #tpu.memory_space<vmem>>
      %dma_wait3A_106 = arith.constant 0 : i32
      %dma_wait3A_107 = arith.constant 0 : i32
      %dma_wait3A_108 = tpu.memref_slice %arg2[%dma_wait3A_106, %dma_wait3A_107] : memref<10000x128xf32, #tpu.memory_space<hbm>> -> memref<10000x128xf32, #tpu.memory_space<hbm>>
      tpu.wait_indirect_dma semaphore(%arg8 : memref<!tpu.dma_semaphore, #tpu.memory_space<semaphore_mem>>) src(%dma_wait3A_108 : memref<10000x128xf32, #tpu.memory_space<hbm>>) dst(%dma_wait3A_102 : memref<128x128xf32, #tpu.memory_space<vmem>>)
      "tpu.region"() ({
        %run_scoped3A = tpu.sem_alloc : memref<!tpu.dma_semaphore, #tpu.memory_space<semaphore_mem>>
        %dma_start3A_109 = arith.constant 0 : i32
        %dma_start3A_110 = arith.constant 0 : i32
        %dma_start3A_111 = tpu.memref_slice %arg6[%dma_start3A_109, %dma_start3A_110] : memref<384x128xf32, #tpu.memory_space<vmem>> -> memref<128x128xf32, #tpu.memory_space<vmem>>
        %dma_start3A_112 = arith.constant 0 : i32
        %dma_start3A_113 = tpu.memref_slice %arg4[%multiple_of3A_90, %dma_start3A_112] : memref<160000x128xf32, #tpu.memory_space<hbm>> -> memref<128x128xf32, #tpu.memory_space<hbm>>
        %dma_start3A_114 = arith.constant 0 : i32
        %dma_start3A_115 = tpu.memref_slice %arg4[%multiple_of3A_90, %dma_start3A_114] : memref<160000x128xf32, #tpu.memory_space<hbm>> -> memref<128x128xf32, #tpu.memory_space<hbm>>
        %dma_start3A_116 = arith.constant 0 : i32
        %dma_start3A_117 = arith.constant 0 : i32
        %dma_start3A_118 = tpu.memref_slice %arg6[%dma_start3A_116, %dma_start3A_117] : memref<384x128xf32, #tpu.memory_space<vmem>> -> memref<128x128xf32, #tpu.memory_space<vmem>>
        tpu.enqueue_dma source(%dma_start3A_118 : memref<128x128xf32, #tpu.memory_space<vmem>>) target(%dma_start3A_115 : memref<128x128xf32, #tpu.memory_space<hbm>>) target_semaphore(%run_scoped3A : memref<!tpu.dma_semaphore, #tpu.memory_space<semaphore_mem>>)
        %dma_wait3A_119 = arith.constant 0 : i32
        %dma_wait3A_120 = arith.constant 0 : i32
        %dma_wait3A_121 = tpu.memref_slice %arg6[%dma_wait3A_119, %dma_wait3A_120] : memref<384x128xf32, #tpu.memory_space<vmem>> -> memref<128x128xf32, #tpu.memory_space<vmem>>
        %dma_wait3A_122 = arith.constant 0 : i32
        %dma_wait3A_123 = tpu.memref_slice %arg4[%multiple_of3A_90, %dma_wait3A_122] : memref<160000x128xf32, #tpu.memory_space<hbm>> -> memref<128x128xf32, #tpu.memory_space<hbm>>
        %dma_wait3A_124 = arith.constant 0 : i32
        %dma_wait3A_125 = tpu.memref_slice %arg4[%multiple_of3A_90, %dma_wait3A_124] : memref<160000x128xf32, #tpu.memory_space<hbm>> -> memref<128x128xf32, #tpu.memory_space<hbm>>
        %dma_wait3A_126 = arith.constant 0 : i32
        %dma_wait3A_127 = arith.constant 0 : i32
        %dma_wait3A_128 = tpu.memref_slice %arg6[%dma_wait3A_126, %dma_wait3A_127] : memref<384x128xf32, #tpu.memory_space<vmem>> -> memref<128x128xf32, #tpu.memory_space<vmem>>
        tpu.wait_dma2 semaphore(%run_scoped3A : memref<!tpu.dma_semaphore, #tpu.memory_space<semaphore_mem>>) src(%dma_wait3A_128 : memref<128x128xf32, #tpu.memory_space<vmem>>) dst(%dma_wait3A_125 : memref<128x128xf32, #tpu.memory_space<hbm>>)
        tpu.yield
      }) : () -> ()
    }
    %while3A_85 = arith.constant 1 : i32
    scf.for %while3A_86 = %while3A_83 to %while3A_79 step %while3A_85  : i32 {
      %add3A_87 = arith.addi %add3A_8, %while3A_86 : i32
      %mul3A_88 = arith.constant 128 : i32
      %mul3A_89 = arith.muli %add3A_87, %mul3A_88 : i32
      %multiple_of3A_90 = tpu.assume_multiple %mul3A_89, 128 : i32
      %add3A_91 = arith.addi %sub3A_33, %while3A_86 : i32
      %dma_start3A_92 = arith.constant 0 : i32
      %dma_start3A_93 = arith.constant 0 : i32
      %dma_start3A_94 = tpu.memref_slice %arg6[%dma_start3A_92, %dma_start3A_93] : memref<384x128xf32, #tpu.memory_space<vmem>> -> memref<128x128xf32, #tpu.memory_space<vmem>>
      %dma_start3A_95 = arith.constant 0 : i32
      %dma_start3A_96 = tpu.memref_slice %arg5[%add3A_91, %dma_start3A_95] : memref<48x128xi32, #tpu.memory_space<vmem>> -> memref<1x128xi32, #tpu.memory_space<vmem>>
      %dma_start3A_97 = tpu.memref_squeeze %dma_start3A_96 : memref<1x128xi32, #tpu.memory_space<vmem>> -> memref<128xi32, #tpu.memory_space<vmem>>
      %dma_start3A_98 = arith.constant 0 : i32
      %dma_start3A_99 = arith.constant 0 : i32
      %dma_start3A_100 = tpu.memref_slice %arg2[%dma_start3A_98, %dma_start3A_99] : memref<10000x128xf32, #tpu.memory_space<hbm>> -> memref<10000x128xf32, #tpu.memory_space<hbm>>
      tpu.enqueue_indirect_dma source(%dma_start3A_100 : memref<10000x128xf32, #tpu.memory_space<hbm>>) target(%dma_start3A_94 : memref<128x128xf32, #tpu.memory_space<vmem>>) offsets(%dma_start3A_97 : memref<128xi32, #tpu.memory_space<vmem>>) semaphore(%arg8 : memref<!tpu.dma_semaphore, #tpu.memory_space<semaphore_mem>>)
      %dma_wait3A = arith.constant 0 : i32
      %dma_wait3A_101 = arith.constant 0 : i32
      %dma_wait3A_102 = tpu.memref_slice %arg6[%dma_wait3A, %dma_wait3A_101] : memref<384x128xf32, #tpu.memory_space<vmem>> -> memref<128x128xf32, #tpu.memory_space<vmem>>
      %dma_wait3A_103 = arith.constant 0 : i32
      %dma_wait3A_104 = tpu.memref_slice %arg5[%add3A_91, %dma_wait3A_103] : memref<48x128xi32, #tpu.memory_space<vmem>> -> memref<1x128xi32, #tpu.memory_space<vmem>>
      %dma_wait3A_105 = tpu.memref_squeeze %dma_wait3A_104 : memref<1x128xi32, #tpu.memory_space<vmem>> -> memref<128xi32, #tpu.memory_space<vmem>>
      %dma_wait3A_106 = arith.constant 0 : i32
      %dma_wait3A_107 = arith.constant 0 : i32
      %dma_wait3A_108 = tpu.memref_slice %arg2[%dma_wait3A_106, %dma_wait3A_107] : memref<10000x128xf32, #tpu.memory_space<hbm>> -> memref<10000x128xf32, #tpu.memory_space<hbm>>
      tpu.wait_indirect_dma semaphore(%arg8 : memref<!tpu.dma_semaphore, #tpu.memory_space<semaphore_mem>>) src(%dma_wait3A_108 : memref<10000x128xf32, #tpu.memory_space<hbm>>) dst(%dma_wait3A_102 : memref<128x128xf32, #tpu.memory_space<vmem>>)
      "tpu.region"() ({
        %run_scoped3A = tpu.sem_alloc : memref<!tpu.dma_semaphore, #tpu.memory_space<semaphore_mem>>
        %dma_start3A_109 = arith.constant 0 : i32
        %dma_start3A_110 = arith.constant 0 : i32
        %dma_start3A_111 = tpu.memref_slice %arg6[%dma_start3A_109, %dma_start3A_110] : memref<384x128xf32, #tpu.memory_space<vmem>> -> memref<128x128xf32, #tpu.memory_space<vmem>>
        %dma_start3A_112 = arith.constant 0 : i32
        %dma_start3A_113 = tpu.memref_slice %arg4[%multiple_of3A_90, %dma_start3A_112] : memref<160000x128xf32, #tpu.memory_space<hbm>> -> memref<128x128xf32, #tpu.memory_space<hbm>>
        %dma_start3A_114 = arith.constant 0 : i32
        %dma_start3A_115 = tpu.memref_slice %arg4[%multiple_of3A_90, %dma_start3A_114] : memref<160000x128xf32, #tpu.memory_space<hbm>> -> memref<128x128xf32, #tpu.memory_space<hbm>>
        %dma_start3A_116 = arith.constant 0 : i32
        %dma_start3A_117 = arith.constant 0 : i32
        %dma_start3A_118 = tpu.memref_slice %arg6[%dma_start3A_116, %dma_start3A_117] : memref<384x128xf32, #tpu.memory_space<vmem>> -> memref<128x128xf32, #tpu.memory_space<vmem>>
        tpu.enqueue_dma source(%dma_start3A_118 : memref<128x128xf32, #tpu.memory_space<vmem>>) target(%dma_start3A_115 : memref<128x128xf32, #tpu.memory_space<hbm>>) target_semaphore(%run_scoped3A : memref<!tpu.dma_semaphore, #tpu.memory_space<semaphore_mem>>)
        %dma_wait3A_119 = arith.constant 0 : i32
        %dma_wait3A_120 = arith.constant 0 : i32
        %dma_wait3A_121 = tpu.memref_slice %arg6[%dma_wait3A_119, %dma_wait3A_120] : memref<384x128xf32, #tpu.memory_space<vmem>> -> memref<128x128xf32, #tpu.memory_space<vmem>>
        %dma_wait3A_122 = arith.constant 0 : i32
        %dma_wait3A_123 = tpu.memref_slice %arg4[%multiple_of3A_90, %dma_wait3A_122] : memref<160000x128xf32, #tpu.memory_space<hbm>> -> memref<128x128xf32, #tpu.memory_space<hbm>>
        %dma_wait3A_124 = arith.constant 0 : i32
        %dma_wait3A_125 = tpu.memref_slice %arg4[%multiple_of3A_90, %dma_wait3A_124] : memref<160000x128xf32, #tpu.memory_space<hbm>> -> memref<128x128xf32, #tpu.memory_space<hbm>>
        %dma_wait3A_126 = arith.constant 0 : i32
        %dma_wait3A_127 = arith.constant 0 : i32
        %dma_wait3A_128 = tpu.memref_slice %arg6[%dma_wait3A_126, %dma_wait3A_127] : memref<384x128xf32, #tpu.memory_space<vmem>> -> memref<128x128xf32, #tpu.memory_space<vmem>>
        tpu.wait_dma2 semaphore(%run_scoped3A : memref<!tpu.dma_semaphore, #tpu.memory_space<semaphore_mem>>) src(%dma_wait3A_128 : memref<128x128xf32, #tpu.memory_space<vmem>>) dst(%dma_wait3A_125 : memref<128x128xf32, #tpu.memory_space<hbm>>)
        tpu.yield
      }) : () -> ()
    }
    return
  }
}

#map = affine_map<(d0, d1) -> (0, 0)>
module attributes {stable_mosaic.version = 14 : i64} {
  func.func @edge_gather_s1(%arg0: i32, %arg1: i32, %arg2: memref<10000x128xf32, #tpu.memory_space<hbm>>, %arg3: memref<5000x128xi32, #tpu.memory_space<hbm>>, %arg4: memref<160000x128xf32, #tpu.memory_space<hbm>>, %arg5: memref<48x128xi32, #tpu.memory_space<vmem>>, %arg6: memref<384x128xf32, #tpu.memory_space<vmem>>, %arg7: memref<384x128xf32, #tpu.memory_space<vmem>>, %arg8: memref<!tpu.dma_semaphore, #tpu.memory_space<semaphore_mem>>, %arg9: memref<!tpu.dma_semaphore, #tpu.memory_space<semaphore_mem>>) attributes {dimension_semantics = [#tpu.dimension_semantics<core_parallel>, #tpu.dimension_semantics<subcore_parallel>], iteration_bounds = array<i64: 2, 16>, scalar_prefetch = 0 : i64, scratch_operands = 5 : i64, tpu.core_type = #tpu.core_type<sc_vector_subcore>, window_params = [{transform_indices = #map}, {transform_indices = #map}, {transform_indices = #map}]} {
    %mul3A = arith.constant 2 : i32
    %mul3A_0 = arith.muli %arg1, %mul3A : i32
    %add3A = arith.addi %mul3A_0, %arg0 : i32
    %lt3A = arith.constant 2 : i32
    %lt3A_1 = arith.cmpi slt, %add3A, %lt3A : i32
    %jit3A = arith.constant 1 : i32
    %jit3A_2 = arith.constant 0 : i32
    %select_n3A = arith.select %lt3A_1, %jit3A, %jit3A_2 : i32
    %add3A_3 = arith.constant 39 : i32
    %add3A_4 = arith.addi %add3A_3, %select_n3A : i32
    %mul3A_5 = arith.constant 39 : i32
    %mul3A_6 = arith.muli %add3A, %mul3A_5 : i32
    %min3A = arith.constant 2 : i32
    %min3A_7 = arith.minsi %add3A, %min3A : i32
    %add3A_8 = arith.addi %mul3A_6, %min3A_7 : i32
    %add3A_9 = arith.constant 1250 : i32
    %add3A_10 = arith.addi %add3A_9, %add3A_8 : i32
    %jit3A_11 = arith.constant 8 : i32
    %div3A = arith.divsi %add3A_10, %jit3A_11 : i32
    %sign3A = arith.constant 0 : i32
    %sign3A_12 = arith.cmpi sgt, %add3A_10, %sign3A : i32
    %sign3A_13 = arith.extui %sign3A_12 : i1 to i32
    %sign3A_14 = arith.constant 0 : i32
    %sign3A_15 = arith.cmpi slt, %add3A_10, %sign3A_14 : i32
    %sign3A_16 = arith.extui %sign3A_15 : i1 to i32
    %sign3A_17 = arith.subi %sign3A_13, %sign3A_16 : i32
    %sign3A_18 = arith.constant 0 : i32
    %sign3A_19 = arith.cmpi sgt, %jit3A_11, %sign3A_18 : i32
    %sign3A_20 = arith.extui %sign3A_19 : i1 to i32
    %sign3A_21 = arith.constant 0 : i32
    %sign3A_22 = arith.cmpi slt, %jit3A_11, %sign3A_21 : i32
    %sign3A_23 = arith.extui %sign3A_22 : i1 to i32
    %sign3A_24 = arith.subi %sign3A_20, %sign3A_23 : i32
    %ne3A = arith.cmpi ne, %sign3A_17, %sign3A_24 : i32
    %rem3A = arith.remsi %add3A_10, %jit3A_11 : i32
    %ne3A_25 = arith.constant 0 : i32
    %ne3A_26 = arith.cmpi ne, %rem3A, %ne3A_25 : i32
    %and3A = arith.andi %ne3A, %ne3A_26 : i1
    %sub3A = arith.constant 1 : i32
    %sub3A_27 = arith.subi %div3A, %sub3A : i32
    %select_n3A_28 = arith.select %and3A, %sub3A_27, %div3A : i32
    %mul3A_29 = arith.constant 8 : i32
    %mul3A_30 = arith.muli %select_n3A_28, %mul3A_29 : i32
    %min3A_31 = arith.constant 4952 : i32
    %min3A_32 = arith.minsi %mul3A_30, %min3A_31 : i32
    %multiple_of3A = tpu.assume_multiple %min3A_32, 8 : i32
    %sub3A_33 = arith.subi %add3A_10, %multiple_of3A : i32
    "tpu.region"() ({
      %run_scoped3A = tpu.sem_alloc : memref<!tpu.dma_semaphore, #tpu.memory_space<semaphore_mem>>
      %dma_start3A_86 = arith.constant 0 : i32
      %dma_start3A_87 = tpu.memref_slice %arg3[%multiple_of3A, %dma_start3A_86] : memref<5000x128xi32, #tpu.memory_space<hbm>> -> memref<48x128xi32, #tpu.memory_space<hbm>>
      %dma_start3A_88 = arith.constant 0 : i32
      %dma_start3A_89 = tpu.memref_slice %arg3[%multiple_of3A, %dma_start3A_88] : memref<5000x128xi32, #tpu.memory_space<hbm>> -> memref<48x128xi32, #tpu.memory_space<hbm>>
      tpu.enqueue_dma source(%dma_start3A_89 : memref<48x128xi32, #tpu.memory_space<hbm>>) target(%arg5 : memref<48x128xi32, #tpu.memory_space<vmem>>) target_semaphore(%run_scoped3A : memref<!tpu.dma_semaphore, #tpu.memory_space<semaphore_mem>>)
      %dma_wait3A = arith.constant 0 : i32
      %dma_wait3A_90 = tpu.memref_slice %arg3[%multiple_of3A, %dma_wait3A] : memref<5000x128xi32, #tpu.memory_space<hbm>> -> memref<48x128xi32, #tpu.memory_space<hbm>>
      %dma_wait3A_91 = arith.constant 0 : i32
      %dma_wait3A_92 = tpu.memref_slice %arg3[%multiple_of3A, %dma_wait3A_91] : memref<5000x128xi32, #tpu.memory_space<hbm>> -> memref<48x128xi32, #tpu.memory_space<hbm>>
      tpu.wait_dma2 semaphore(%run_scoped3A : memref<!tpu.dma_semaphore, #tpu.memory_space<semaphore_mem>>) src(%dma_wait3A_92 : memref<48x128xi32, #tpu.memory_space<hbm>>) dst(%arg5 : memref<48x128xi32, #tpu.memory_space<vmem>>)
      tpu.yield
    }) : () -> ()
    %add3A_34 = arith.constant 0 : i32
    %add3A_35 = arith.addi %sub3A_33, %add3A_34 : i32
    %add3A_36 = arith.constant 0 : i32
    %add3A_37 = arith.addi %add3A_35, %add3A_36 : i32
    %dma_start3A = arith.constant 0 : i32
    %dma_start3A_38 = arith.constant 0 : i32
    %dma_start3A_39 = tpu.memref_slice %arg6[%dma_start3A, %dma_start3A_38] : memref<384x128xf32, #tpu.memory_space<vmem>> -> memref<128x128xf32, #tpu.memory_space<vmem>>
    %dma_start3A_40 = arith.constant 0 : i32
    %dma_start3A_41 = tpu.memref_slice %arg5[%add3A_37, %dma_start3A_40] : memref<48x128xi32, #tpu.memory_space<vmem>> -> memref<1x128xi32, #tpu.memory_space<vmem>>
    %dma_start3A_42 = tpu.memref_squeeze %dma_start3A_41 : memref<1x128xi32, #tpu.memory_space<vmem>> -> memref<128xi32, #tpu.memory_space<vmem>>
    %dma_start3A_43 = arith.constant 0 : i32
    %dma_start3A_44 = arith.constant 0 : i32
    %dma_start3A_45 = tpu.memref_slice %arg2[%dma_start3A_43, %dma_start3A_44] : memref<10000x128xf32, #tpu.memory_space<hbm>> -> memref<10000x128xf32, #tpu.memory_space<hbm>>
    tpu.enqueue_indirect_dma source(%dma_start3A_45 : memref<10000x128xf32, #tpu.memory_space<hbm>>) target(%dma_start3A_39 : memref<128x128xf32, #tpu.memory_space<vmem>>) offsets(%dma_start3A_42 : memref<128xi32, #tpu.memory_space<vmem>>) semaphore(%arg8 : memref<!tpu.dma_semaphore, #tpu.memory_space<semaphore_mem>>)
    %add3A_46 = arith.constant 0 : i32
    %add3A_47 = arith.addi %sub3A_33, %add3A_46 : i32
    %add3A_48 = arith.constant 1 : i32
    %add3A_49 = arith.addi %add3A_47, %add3A_48 : i32
    %dma_start3A_50 = arith.constant 128 : i32
    %dma_start3A_51 = arith.constant 0 : i32
    %dma_start3A_52 = tpu.memref_slice %arg6[%dma_start3A_50, %dma_start3A_51] : memref<384x128xf32, #tpu.memory_space<vmem>> -> memref<128x128xf32, #tpu.memory_space<vmem>>
    %dma_start3A_53 = arith.constant 0 : i32
    %dma_start3A_54 = tpu.memref_slice %arg5[%add3A_49, %dma_start3A_53] : memref<48x128xi32, #tpu.memory_space<vmem>> -> memref<1x128xi32, #tpu.memory_space<vmem>>
    %dma_start3A_55 = tpu.memref_squeeze %dma_start3A_54 : memref<1x128xi32, #tpu.memory_space<vmem>> -> memref<128xi32, #tpu.memory_space<vmem>>
    %dma_start3A_56 = arith.constant 0 : i32
    %dma_start3A_57 = arith.constant 0 : i32
    %dma_start3A_58 = tpu.memref_slice %arg2[%dma_start3A_56, %dma_start3A_57] : memref<10000x128xf32, #tpu.memory_space<hbm>> -> memref<10000x128xf32, #tpu.memory_space<hbm>>
    tpu.enqueue_indirect_dma source(%dma_start3A_58 : memref<10000x128xf32, #tpu.memory_space<hbm>>) target(%dma_start3A_52 : memref<128x128xf32, #tpu.memory_space<vmem>>) offsets(%dma_start3A_55 : memref<128xi32, #tpu.memory_space<vmem>>) semaphore(%arg8 : memref<!tpu.dma_semaphore, #tpu.memory_space<semaphore_mem>>)
    %add3A_59 = arith.constant 0 : i32
    %add3A_60 = arith.addi %sub3A_33, %add3A_59 : i32
    %add3A_61 = arith.constant 2 : i32
    %add3A_62 = arith.addi %add3A_60, %add3A_61 : i32
    %dma_start3A_63 = arith.constant 256 : i32
    %dma_start3A_64 = arith.constant 0 : i32
    %dma_start3A_65 = tpu.memref_slice %arg6[%dma_start3A_63, %dma_start3A_64] : memref<384x128xf32, #tpu.memory_space<vmem>> -> memref<128x128xf32, #tpu.memory_space<vmem>>
    %dma_start3A_66 = arith.constant 0 : i32
    %dma_start3A_67 = tpu.memref_slice %arg5[%add3A_62, %dma_start3A_66] : memref<48x128xi32, #tpu.memory_space<vmem>> -> memref<1x128xi32, #tpu.memory_space<vmem>>
    %dma_start3A_68 = tpu.memref_squeeze %dma_start3A_67 : memref<1x128xi32, #tpu.memory_space<vmem>> -> memref<128xi32, #tpu.memory_space<vmem>>
    %dma_start3A_69 = arith.constant 0 : i32
    %dma_start3A_70 = arith.constant 0 : i32
    %dma_start3A_71 = tpu.memref_slice %arg2[%dma_start3A_69, %dma_start3A_70] : memref<10000x128xf32, #tpu.memory_space<hbm>> -> memref<10000x128xf32, #tpu.memory_space<hbm>>
    tpu.enqueue_indirect_dma source(%dma_start3A_71 : memref<10000x128xf32, #tpu.memory_space<hbm>>) target(%dma_start3A_65 : memref<128x128xf32, #tpu.memory_space<vmem>>) offsets(%dma_start3A_68 : memref<128xi32, #tpu.memory_space<vmem>>) semaphore(%arg8 : memref<!tpu.dma_semaphore, #tpu.memory_space<semaphore_mem>>)
    %scan3A = arith.constant 0 : i32
    %scan3A_72 = arith.constant 0 : i32
    %scan3A_73 = arith.constant 13 : i32
    %scan3A_74 = arith.addi %scan3A_72, %scan3A_73 : i32
    %scan3A_75 = arith.constant 1 : i32
    scf.for %scan3A_86 = %scan3A_72 to %scan3A_74 step %scan3A_75  : i32 {
      %jit3A_87 = arith.constant 2 : i32
      %eq3A = arith.constant 0 : i32
      %eq3A_88 = arith.cmpi eq, %jit3A_87, %eq3A : i32
      %jit3A_89 = arith.constant 1 : i32
      %select_n3A_90 = arith.select %eq3A_88, %jit3A_89, %jit3A_87 : i32
      %rem3A_91 = arith.remsi %scan3A_86, %select_n3A_90 : i32
      %ne3A_92 = arith.constant 0 : i32
      %ne3A_93 = arith.cmpi ne, %rem3A_91, %ne3A_92 : i32
      %lt3A_94 = arith.constant 0 : i32
      %lt3A_95 = arith.cmpi slt, %rem3A_91, %lt3A_94 : i32
      %lt3A_96 = arith.constant 0 : i32
      %lt3A_97 = arith.cmpi slt, %select_n3A_90, %lt3A_96 : i32
      %ne3A_98 = arith.xori %lt3A_95, %lt3A_97 : i1
      %and3A_99 = arith.andi %ne3A_98, %ne3A_93 : i1
      %add3A_100 = arith.addi %rem3A_91, %select_n3A_90 : i32
      %select_n3A_101 = arith.select %and3A_99, %add3A_100, %rem3A_91 : i32
      %eq3A_102 = arith.constant 0 : i32
      %eq3A_103 = arith.cmpi eq, %select_n3A_101, %eq3A_102 : i32
      %convert_element_type3A = arith.extui %eq3A_103 : i1 to i32
      %cond3A = arith.constant 0 : i32
      %cond3A_104 = arith.cmpi ne, %convert_element_type3A, %cond3A : i32
      scf.if %cond3A_104 {
        %dma_wait3A = arith.constant 0 : i32
        %dma_wait3A_109 = arith.constant 0 : i32
        %dma_wait3A_110 = tpu.memref_slice %arg4[%dma_wait3A, %dma_wait3A_109] : memref<160000x128xf32, #tpu.memory_space<hbm>> -> memref<384x128xf32, #tpu.memory_space<hbm>>
        %dma_wait3A_111 = arith.constant 0 : i32
        %dma_wait3A_112 = arith.constant 0 : i32
        %dma_wait3A_113 = tpu.memref_slice %arg4[%dma_wait3A_111, %dma_wait3A_112] : memref<160000x128xf32, #tpu.memory_space<hbm>> -> memref<384x128xf32, #tpu.memory_space<hbm>>
        tpu.wait_dma2 semaphore(%arg8 : memref<!tpu.dma_semaphore, #tpu.memory_space<semaphore_mem>>) src(%dma_wait3A_113 : memref<384x128xf32, #tpu.memory_space<hbm>>) dst(%arg6 : memref<384x128xf32, #tpu.memory_space<vmem>>)
        %add3A_114 = arith.constant 1 : i32
        %add3A_115 = arith.addi %scan3A_86, %add3A_114 : i32
        %lt3A_116 = arith.constant 13 : i32
        %lt3A_117 = arith.cmpi slt, %add3A_115, %lt3A_116 : i32
        %convert_element_type3A_118 = arith.extui %lt3A_117 : i1 to i32
        %cond3A_119 = arith.constant 0 : i32
        %cond3A_120 = arith.cmpi ne, %convert_element_type3A_118, %cond3A_119 : i32
        scf.if %cond3A_120 {
          %add3A_127 = arith.constant 1 : i32
          %add3A_128 = arith.addi %scan3A_86, %add3A_127 : i32
          %mul3A_129 = arith.constant 3 : i32
          %mul3A_130 = arith.muli %add3A_128, %mul3A_129 : i32
          %add3A_131 = arith.addi %sub3A_33, %mul3A_130 : i32
          %add3A_132 = arith.constant 0 : i32
          %add3A_133 = arith.addi %add3A_131, %add3A_132 : i32
          %dma_start3A_134 = arith.constant 0 : i32
          %dma_start3A_135 = arith.constant 0 : i32
          %dma_start3A_136 = tpu.memref_slice %arg7[%dma_start3A_134, %dma_start3A_135] : memref<384x128xf32, #tpu.memory_space<vmem>> -> memref<128x128xf32, #tpu.memory_space<vmem>>
          %dma_start3A_137 = arith.constant 0 : i32
          %dma_start3A_138 = tpu.memref_slice %arg5[%add3A_133, %dma_start3A_137] : memref<48x128xi32, #tpu.memory_space<vmem>> -> memref<1x128xi32, #tpu.memory_space<vmem>>
          %dma_start3A_139 = tpu.memref_squeeze %dma_start3A_138 : memref<1x128xi32, #tpu.memory_space<vmem>> -> memref<128xi32, #tpu.memory_space<vmem>>
          %dma_start3A_140 = arith.constant 0 : i32
          %dma_start3A_141 = arith.constant 0 : i32
          %dma_start3A_142 = tpu.memref_slice %arg2[%dma_start3A_140, %dma_start3A_141] : memref<10000x128xf32, #tpu.memory_space<hbm>> -> memref<10000x128xf32, #tpu.memory_space<hbm>>
          tpu.enqueue_indirect_dma source(%dma_start3A_142 : memref<10000x128xf32, #tpu.memory_space<hbm>>) target(%dma_start3A_136 : memref<128x128xf32, #tpu.memory_space<vmem>>) offsets(%dma_start3A_139 : memref<128xi32, #tpu.memory_space<vmem>>) semaphore(%arg9 : memref<!tpu.dma_semaphore, #tpu.memory_space<semaphore_mem>>)
          %mul3A_143 = arith.constant 3 : i32
          %mul3A_144 = arith.muli %add3A_128, %mul3A_143 : i32
          %add3A_145 = arith.addi %sub3A_33, %mul3A_144 : i32
          %add3A_146 = arith.constant 1 : i32
          %add3A_147 = arith.addi %add3A_145, %add3A_146 : i32
          %dma_start3A_148 = arith.constant 128 : i32
          %dma_start3A_149 = arith.constant 0 : i32
          %dma_start3A_150 = tpu.memref_slice %arg7[%dma_start3A_148, %dma_start3A_149] : memref<384x128xf32, #tpu.memory_space<vmem>> -> memref<128x128xf32, #tpu.memory_space<vmem>>
          %dma_start3A_151 = arith.constant 0 : i32
          %dma_start3A_152 = tpu.memref_slice %arg5[%add3A_147, %dma_start3A_151] : memref<48x128xi32, #tpu.memory_space<vmem>> -> memref<1x128xi32, #tpu.memory_space<vmem>>
          %dma_start3A_153 = tpu.memref_squeeze %dma_start3A_152 : memref<1x128xi32, #tpu.memory_space<vmem>> -> memref<128xi32, #tpu.memory_space<vmem>>
          %dma_start3A_154 = arith.constant 0 : i32
          %dma_start3A_155 = arith.constant 0 : i32
          %dma_start3A_156 = tpu.memref_slice %arg2[%dma_start3A_154, %dma_start3A_155] : memref<10000x128xf32, #tpu.memory_space<hbm>> -> memref<10000x128xf32, #tpu.memory_space<hbm>>
          tpu.enqueue_indirect_dma source(%dma_start3A_156 : memref<10000x128xf32, #tpu.memory_space<hbm>>) target(%dma_start3A_150 : memref<128x128xf32, #tpu.memory_space<vmem>>) offsets(%dma_start3A_153 : memref<128xi32, #tpu.memory_space<vmem>>) semaphore(%arg9 : memref<!tpu.dma_semaphore, #tpu.memory_space<semaphore_mem>>)
          %mul3A_157 = arith.constant 3 : i32
          %mul3A_158 = arith.muli %add3A_128, %mul3A_157 : i32
          %add3A_159 = arith.addi %sub3A_33, %mul3A_158 : i32
          %add3A_160 = arith.constant 2 : i32
          %add3A_161 = arith.addi %add3A_159, %add3A_160 : i32
          %dma_start3A_162 = arith.constant 256 : i32
          %dma_start3A_163 = arith.constant 0 : i32
          %dma_start3A_164 = tpu.memref_slice %arg7[%dma_start3A_162, %dma_start3A_163] : memref<384x128xf32, #tpu.memory_space<vmem>> -> memref<128x128xf32, #tpu.memory_space<vmem>>
          %dma_start3A_165 = arith.constant 0 : i32
          %dma_start3A_166 = tpu.memref_slice %arg5[%add3A_161, %dma_start3A_165] : memref<48x128xi32, #tpu.memory_space<vmem>> -> memref<1x128xi32, #tpu.memory_space<vmem>>
          %dma_start3A_167 = tpu.memref_squeeze %dma_start3A_166 : memref<1x128xi32, #tpu.memory_space<vmem>> -> memref<128xi32, #tpu.memory_space<vmem>>
          %dma_start3A_168 = arith.constant 0 : i32
          %dma_start3A_169 = arith.constant 0 : i32
          %dma_start3A_170 = tpu.memref_slice %arg2[%dma_start3A_168, %dma_start3A_169] : memref<10000x128xf32, #tpu.memory_space<hbm>> -> memref<10000x128xf32, #tpu.memory_space<hbm>>
          tpu.enqueue_indirect_dma source(%dma_start3A_170 : memref<10000x128xf32, #tpu.memory_space<hbm>>) target(%dma_start3A_164 : memref<128x128xf32, #tpu.memory_space<vmem>>) offsets(%dma_start3A_167 : memref<128xi32, #tpu.memory_space<vmem>>) semaphore(%arg9 : memref<!tpu.dma_semaphore, #tpu.memory_space<semaphore_mem>>)
        } else {
        }
        %mul3A_121 = arith.constant 3 : i32
        %mul3A_122 = arith.muli %scan3A_86, %mul3A_121 : i32
        %add3A_123 = arith.addi %add3A_8, %mul3A_122 : i32
        %mul3A_124 = arith.constant 128 : i32
        %mul3A_125 = arith.muli %add3A_123, %mul3A_124 : i32
        %multiple_of3A_126 = tpu.assume_multiple %mul3A_125, 128 : i32
        "tpu.region"() ({
          %run_scoped3A = tpu.sem_alloc : memref<!tpu.dma_semaphore, #tpu.memory_space<semaphore_mem>>
          %dma_start3A_127 = arith.constant 0 : i32
          %dma_start3A_128 = tpu.memref_slice %arg4[%multiple_of3A_126, %dma_start3A_127] : memref<160000x128xf32, #tpu.memory_space<hbm>> -> memref<384x128xf32, #tpu.memory_space<hbm>>
          %dma_start3A_129 = arith.constant 0 : i32
          %dma_start3A_130 = tpu.memref_slice %arg4[%multiple_of3A_126, %dma_start3A_129] : memref<160000x128xf32, #tpu.memory_space<hbm>> -> memref<384x128xf32, #tpu.memory_space<hbm>>
          tpu.enqueue_dma source(%arg6 : memref<384x128xf32, #tpu.memory_space<vmem>>) target(%dma_start3A_130 : memref<384x128xf32, #tpu.memory_space<hbm>>) target_semaphore(%run_scoped3A : memref<!tpu.dma_semaphore, #tpu.memory_space<semaphore_mem>>)
          %dma_wait3A_131 = arith.constant 0 : i32
          %dma_wait3A_132 = tpu.memref_slice %arg4[%multiple_of3A_126, %dma_wait3A_131] : memref<160000x128xf32, #tpu.memory_space<hbm>> -> memref<384x128xf32, #tpu.memory_space<hbm>>
          %dma_wait3A_133 = arith.constant 0 : i32
          %dma_wait3A_134 = tpu.memref_slice %arg4[%multiple_of3A_126, %dma_wait3A_133] : memref<160000x128xf32, #tpu.memory_space<hbm>> -> memref<384x128xf32, #tpu.memory_space<hbm>>
          tpu.wait_dma2 semaphore(%run_scoped3A : memref<!tpu.dma_semaphore, #tpu.memory_space<semaphore_mem>>) src(%arg6 : memref<384x128xf32, #tpu.memory_space<vmem>>) dst(%dma_wait3A_134 : memref<384x128xf32, #tpu.memory_space<hbm>>)
          tpu.yield
        }) : () -> ()
      } else {
      }
      %not3A = arith.constant true
      %not3A_105 = arith.xori %eq3A_103, %not3A : i1
      %convert_element_type3A_106 = arith.extui %not3A_105 : i1 to i32
      %cond3A_107 = arith.constant 0 : i32
      %cond3A_108 = arith.cmpi ne, %convert_element_type3A_106, %cond3A_107 : i32
      scf.if %cond3A_108 {
        %dma_wait3A = arith.constant 0 : i32
        %dma_wait3A_109 = arith.constant 0 : i32
        %dma_wait3A_110 = tpu.memref_slice %arg4[%dma_wait3A, %dma_wait3A_109] : memref<160000x128xf32, #tpu.memory_space<hbm>> -> memref<384x128xf32, #tpu.memory_space<hbm>>
        %dma_wait3A_111 = arith.constant 0 : i32
        %dma_wait3A_112 = arith.constant 0 : i32
        %dma_wait3A_113 = tpu.memref_slice %arg4[%dma_wait3A_111, %dma_wait3A_112] : memref<160000x128xf32, #tpu.memory_space<hbm>> -> memref<384x128xf32, #tpu.memory_space<hbm>>
        tpu.wait_dma2 semaphore(%arg9 : memref<!tpu.dma_semaphore, #tpu.memory_space<semaphore_mem>>) src(%dma_wait3A_113 : memref<384x128xf32, #tpu.memory_space<hbm>>) dst(%arg7 : memref<384x128xf32, #tpu.memory_space<vmem>>)
        %add3A_114 = arith.constant 1 : i32
        %add3A_115 = arith.addi %scan3A_86, %add3A_114 : i32
        %lt3A_116 = arith.constant 13 : i32
        %lt3A_117 = arith.cmpi slt, %add3A_115, %lt3A_116 : i32
        %convert_element_type3A_118 = arith.extui %lt3A_117 : i1 to i32
        %cond3A_119 = arith.constant 0 : i32
        %cond3A_120 = arith.cmpi ne, %convert_element_type3A_118, %cond3A_119 : i32
        scf.if %cond3A_120 {
          %add3A_127 = arith.constant 1 : i32
          %add3A_128 = arith.addi %scan3A_86, %add3A_127 : i32
          %mul3A_129 = arith.constant 3 : i32
          %mul3A_130 = arith.muli %add3A_128, %mul3A_129 : i32
          %add3A_131 = arith.addi %sub3A_33, %mul3A_130 : i32
          %add3A_132 = arith.constant 0 : i32
          %add3A_133 = arith.addi %add3A_131, %add3A_132 : i32
          %dma_start3A_134 = arith.constant 0 : i32
          %dma_start3A_135 = arith.constant 0 : i32
          %dma_start3A_136 = tpu.memref_slice %arg6[%dma_start3A_134, %dma_start3A_135] : memref<384x128xf32, #tpu.memory_space<vmem>> -> memref<128x128xf32, #tpu.memory_space<vmem>>
          %dma_start3A_137 = arith.constant 0 : i32
          %dma_start3A_138 = tpu.memref_slice %arg5[%add3A_133, %dma_start3A_137] : memref<48x128xi32, #tpu.memory_space<vmem>> -> memref<1x128xi32, #tpu.memory_space<vmem>>
          %dma_start3A_139 = tpu.memref_squeeze %dma_start3A_138 : memref<1x128xi32, #tpu.memory_space<vmem>> -> memref<128xi32, #tpu.memory_space<vmem>>
          %dma_start3A_140 = arith.constant 0 : i32
          %dma_start3A_141 = arith.constant 0 : i32
          %dma_start3A_142 = tpu.memref_slice %arg2[%dma_start3A_140, %dma_start3A_141] : memref<10000x128xf32, #tpu.memory_space<hbm>> -> memref<10000x128xf32, #tpu.memory_space<hbm>>
          tpu.enqueue_indirect_dma source(%dma_start3A_142 : memref<10000x128xf32, #tpu.memory_space<hbm>>) target(%dma_start3A_136 : memref<128x128xf32, #tpu.memory_space<vmem>>) offsets(%dma_start3A_139 : memref<128xi32, #tpu.memory_space<vmem>>) semaphore(%arg8 : memref<!tpu.dma_semaphore, #tpu.memory_space<semaphore_mem>>)
          %mul3A_143 = arith.constant 3 : i32
          %mul3A_144 = arith.muli %add3A_128, %mul3A_143 : i32
          %add3A_145 = arith.addi %sub3A_33, %mul3A_144 : i32
          %add3A_146 = arith.constant 1 : i32
          %add3A_147 = arith.addi %add3A_145, %add3A_146 : i32
          %dma_start3A_148 = arith.constant 128 : i32
          %dma_start3A_149 = arith.constant 0 : i32
          %dma_start3A_150 = tpu.memref_slice %arg6[%dma_start3A_148, %dma_start3A_149] : memref<384x128xf32, #tpu.memory_space<vmem>> -> memref<128x128xf32, #tpu.memory_space<vmem>>
          %dma_start3A_151 = arith.constant 0 : i32
          %dma_start3A_152 = tpu.memref_slice %arg5[%add3A_147, %dma_start3A_151] : memref<48x128xi32, #tpu.memory_space<vmem>> -> memref<1x128xi32, #tpu.memory_space<vmem>>
          %dma_start3A_153 = tpu.memref_squeeze %dma_start3A_152 : memref<1x128xi32, #tpu.memory_space<vmem>> -> memref<128xi32, #tpu.memory_space<vmem>>
          %dma_start3A_154 = arith.constant 0 : i32
          %dma_start3A_155 = arith.constant 0 : i32
          %dma_start3A_156 = tpu.memref_slice %arg2[%dma_start3A_154, %dma_start3A_155] : memref<10000x128xf32, #tpu.memory_space<hbm>> -> memref<10000x128xf32, #tpu.memory_space<hbm>>
          tpu.enqueue_indirect_dma source(%dma_start3A_156 : memref<10000x128xf32, #tpu.memory_space<hbm>>) target(%dma_start3A_150 : memref<128x128xf32, #tpu.memory_space<vmem>>) offsets(%dma_start3A_153 : memref<128xi32, #tpu.memory_space<vmem>>) semaphore(%arg8 : memref<!tpu.dma_semaphore, #tpu.memory_space<semaphore_mem>>)
          %mul3A_157 = arith.constant 3 : i32
          %mul3A_158 = arith.muli %add3A_128, %mul3A_157 : i32
          %add3A_159 = arith.addi %sub3A_33, %mul3A_158 : i32
          %add3A_160 = arith.constant 2 : i32
          %add3A_161 = arith.addi %add3A_159, %add3A_160 : i32
          %dma_start3A_162 = arith.constant 256 : i32
          %dma_start3A_163 = arith.constant 0 : i32
          %dma_start3A_164 = tpu.memref_slice %arg6[%dma_start3A_162, %dma_start3A_163] : memref<384x128xf32, #tpu.memory_space<vmem>> -> memref<128x128xf32, #tpu.memory_space<vmem>>
          %dma_start3A_165 = arith.constant 0 : i32
          %dma_start3A_166 = tpu.memref_slice %arg5[%add3A_161, %dma_start3A_165] : memref<48x128xi32, #tpu.memory_space<vmem>> -> memref<1x128xi32, #tpu.memory_space<vmem>>
          %dma_start3A_167 = tpu.memref_squeeze %dma_start3A_166 : memref<1x128xi32, #tpu.memory_space<vmem>> -> memref<128xi32, #tpu.memory_space<vmem>>
          %dma_start3A_168 = arith.constant 0 : i32
          %dma_start3A_169 = arith.constant 0 : i32
          %dma_start3A_170 = tpu.memref_slice %arg2[%dma_start3A_168, %dma_start3A_169] : memref<10000x128xf32, #tpu.memory_space<hbm>> -> memref<10000x128xf32, #tpu.memory_space<hbm>>
          tpu.enqueue_indirect_dma source(%dma_start3A_170 : memref<10000x128xf32, #tpu.memory_space<hbm>>) target(%dma_start3A_164 : memref<128x128xf32, #tpu.memory_space<vmem>>) offsets(%dma_start3A_167 : memref<128xi32, #tpu.memory_space<vmem>>) semaphore(%arg8 : memref<!tpu.dma_semaphore, #tpu.memory_space<semaphore_mem>>)
        } else {
        }
        %mul3A_121 = arith.constant 3 : i32
        %mul3A_122 = arith.muli %scan3A_86, %mul3A_121 : i32
        %add3A_123 = arith.addi %add3A_8, %mul3A_122 : i32
        %mul3A_124 = arith.constant 128 : i32
        %mul3A_125 = arith.muli %add3A_123, %mul3A_124 : i32
        %multiple_of3A_126 = tpu.assume_multiple %mul3A_125, 128 : i32
        "tpu.region"() ({
          %run_scoped3A = tpu.sem_alloc : memref<!tpu.dma_semaphore, #tpu.memory_space<semaphore_mem>>
          %dma_start3A_127 = arith.constant 0 : i32
          %dma_start3A_128 = tpu.memref_slice %arg4[%multiple_of3A_126, %dma_start3A_127] : memref<160000x128xf32, #tpu.memory_space<hbm>> -> memref<384x128xf32, #tpu.memory_space<hbm>>
          %dma_start3A_129 = arith.constant 0 : i32
          %dma_start3A_130 = tpu.memref_slice %arg4[%multiple_of3A_126, %dma_start3A_129] : memref<160000x128xf32, #tpu.memory_space<hbm>> -> memref<384x128xf32, #tpu.memory_space<hbm>>
          tpu.enqueue_dma source(%arg7 : memref<384x128xf32, #tpu.memory_space<vmem>>) target(%dma_start3A_130 : memref<384x128xf32, #tpu.memory_space<hbm>>) target_semaphore(%run_scoped3A : memref<!tpu.dma_semaphore, #tpu.memory_space<semaphore_mem>>)
          %dma_wait3A_131 = arith.constant 0 : i32
          %dma_wait3A_132 = tpu.memref_slice %arg4[%multiple_of3A_126, %dma_wait3A_131] : memref<160000x128xf32, #tpu.memory_space<hbm>> -> memref<384x128xf32, #tpu.memory_space<hbm>>
          %dma_wait3A_133 = arith.constant 0 : i32
          %dma_wait3A_134 = tpu.memref_slice %arg4[%multiple_of3A_126, %dma_wait3A_133] : memref<160000x128xf32, #tpu.memory_space<hbm>> -> memref<384x128xf32, #tpu.memory_space<hbm>>
          tpu.wait_dma2 semaphore(%run_scoped3A : memref<!tpu.dma_semaphore, #tpu.memory_space<semaphore_mem>>) src(%arg7 : memref<384x128xf32, #tpu.memory_space<vmem>>) dst(%dma_wait3A_134 : memref<384x128xf32, #tpu.memory_space<hbm>>)
          tpu.yield
        }) : () -> ()
      } else {
      }
    }
    %scan3A_76 = arith.constant 13 : i32
    %while3A = arith.constant 0 : i32
    %while3A_77 = arith.constant 39 : i32
    %while3A_78 = arith.subi %add3A_4, %while3A_77 : i32
    %while3A_79 = arith.addi %while3A_77, %while3A_78 : i32
    %while3A_80 = arith.constant 1 : i32
    %while3A_81 = arith.divsi %while3A_78, %while3A_80 : i32
    %while3A_82 = arith.muli %while3A_81, %while3A_80 : i32
    %while3A_83 = arith.addi %while3A_77, %while3A_82 : i32
    %while3A_84 = arith.constant 1 : i32
    scf.for %while3A_86 = %while3A_77 to %while3A_83 step %while3A_84  : i32 {
      %add3A_87 = arith.addi %add3A_8, %while3A_86 : i32
      %mul3A_88 = arith.constant 128 : i32
      %mul3A_89 = arith.muli %add3A_87, %mul3A_88 : i32
      %multiple_of3A_90 = tpu.assume_multiple %mul3A_89, 128 : i32
      %add3A_91 = arith.addi %sub3A_33, %while3A_86 : i32
      %dma_start3A_92 = arith.constant 0 : i32
      %dma_start3A_93 = arith.constant 0 : i32
      %dma_start3A_94 = tpu.memref_slice %arg6[%dma_start3A_92, %dma_start3A_93] : memref<384x128xf32, #tpu.memory_space<vmem>> -> memref<128x128xf32, #tpu.memory_space<vmem>>
      %dma_start3A_95 = arith.constant 0 : i32
      %dma_start3A_96 = tpu.memref_slice %arg5[%add3A_91, %dma_start3A_95] : memref<48x128xi32, #tpu.memory_space<vmem>> -> memref<1x128xi32, #tpu.memory_space<vmem>>
      %dma_start3A_97 = tpu.memref_squeeze %dma_start3A_96 : memref<1x128xi32, #tpu.memory_space<vmem>> -> memref<128xi32, #tpu.memory_space<vmem>>
      %dma_start3A_98 = arith.constant 0 : i32
      %dma_start3A_99 = arith.constant 0 : i32
      %dma_start3A_100 = tpu.memref_slice %arg2[%dma_start3A_98, %dma_start3A_99] : memref<10000x128xf32, #tpu.memory_space<hbm>> -> memref<10000x128xf32, #tpu.memory_space<hbm>>
      tpu.enqueue_indirect_dma source(%dma_start3A_100 : memref<10000x128xf32, #tpu.memory_space<hbm>>) target(%dma_start3A_94 : memref<128x128xf32, #tpu.memory_space<vmem>>) offsets(%dma_start3A_97 : memref<128xi32, #tpu.memory_space<vmem>>) semaphore(%arg8 : memref<!tpu.dma_semaphore, #tpu.memory_space<semaphore_mem>>)
      %dma_wait3A = arith.constant 0 : i32
      %dma_wait3A_101 = arith.constant 0 : i32
      %dma_wait3A_102 = tpu.memref_slice %arg6[%dma_wait3A, %dma_wait3A_101] : memref<384x128xf32, #tpu.memory_space<vmem>> -> memref<128x128xf32, #tpu.memory_space<vmem>>
      %dma_wait3A_103 = arith.constant 0 : i32
      %dma_wait3A_104 = tpu.memref_slice %arg5[%add3A_91, %dma_wait3A_103] : memref<48x128xi32, #tpu.memory_space<vmem>> -> memref<1x128xi32, #tpu.memory_space<vmem>>
      %dma_wait3A_105 = tpu.memref_squeeze %dma_wait3A_104 : memref<1x128xi32, #tpu.memory_space<vmem>> -> memref<128xi32, #tpu.memory_space<vmem>>
      %dma_wait3A_106 = arith.constant 0 : i32
      %dma_wait3A_107 = arith.constant 0 : i32
      %dma_wait3A_108 = tpu.memref_slice %arg2[%dma_wait3A_106, %dma_wait3A_107] : memref<10000x128xf32, #tpu.memory_space<hbm>> -> memref<10000x128xf32, #tpu.memory_space<hbm>>
      tpu.wait_indirect_dma semaphore(%arg8 : memref<!tpu.dma_semaphore, #tpu.memory_space<semaphore_mem>>) src(%dma_wait3A_108 : memref<10000x128xf32, #tpu.memory_space<hbm>>) dst(%dma_wait3A_102 : memref<128x128xf32, #tpu.memory_space<vmem>>)
      "tpu.region"() ({
        %run_scoped3A = tpu.sem_alloc : memref<!tpu.dma_semaphore, #tpu.memory_space<semaphore_mem>>
        %dma_start3A_109 = arith.constant 0 : i32
        %dma_start3A_110 = arith.constant 0 : i32
        %dma_start3A_111 = tpu.memref_slice %arg6[%dma_start3A_109, %dma_start3A_110] : memref<384x128xf32, #tpu.memory_space<vmem>> -> memref<128x128xf32, #tpu.memory_space<vmem>>
        %dma_start3A_112 = arith.constant 0 : i32
        %dma_start3A_113 = tpu.memref_slice %arg4[%multiple_of3A_90, %dma_start3A_112] : memref<160000x128xf32, #tpu.memory_space<hbm>> -> memref<128x128xf32, #tpu.memory_space<hbm>>
        %dma_start3A_114 = arith.constant 0 : i32
        %dma_start3A_115 = tpu.memref_slice %arg4[%multiple_of3A_90, %dma_start3A_114] : memref<160000x128xf32, #tpu.memory_space<hbm>> -> memref<128x128xf32, #tpu.memory_space<hbm>>
        %dma_start3A_116 = arith.constant 0 : i32
        %dma_start3A_117 = arith.constant 0 : i32
        %dma_start3A_118 = tpu.memref_slice %arg6[%dma_start3A_116, %dma_start3A_117] : memref<384x128xf32, #tpu.memory_space<vmem>> -> memref<128x128xf32, #tpu.memory_space<vmem>>
        tpu.enqueue_dma source(%dma_start3A_118 : memref<128x128xf32, #tpu.memory_space<vmem>>) target(%dma_start3A_115 : memref<128x128xf32, #tpu.memory_space<hbm>>) target_semaphore(%run_scoped3A : memref<!tpu.dma_semaphore, #tpu.memory_space<semaphore_mem>>)
        %dma_wait3A_119 = arith.constant 0 : i32
        %dma_wait3A_120 = arith.constant 0 : i32
        %dma_wait3A_121 = tpu.memref_slice %arg6[%dma_wait3A_119, %dma_wait3A_120] : memref<384x128xf32, #tpu.memory_space<vmem>> -> memref<128x128xf32, #tpu.memory_space<vmem>>
        %dma_wait3A_122 = arith.constant 0 : i32
        %dma_wait3A_123 = tpu.memref_slice %arg4[%multiple_of3A_90, %dma_wait3A_122] : memref<160000x128xf32, #tpu.memory_space<hbm>> -> memref<128x128xf32, #tpu.memory_space<hbm>>
        %dma_wait3A_124 = arith.constant 0 : i32
        %dma_wait3A_125 = tpu.memref_slice %arg4[%multiple_of3A_90, %dma_wait3A_124] : memref<160000x128xf32, #tpu.memory_space<hbm>> -> memref<128x128xf32, #tpu.memory_space<hbm>>
        %dma_wait3A_126 = arith.constant 0 : i32
        %dma_wait3A_127 = arith.constant 0 : i32
        %dma_wait3A_128 = tpu.memref_slice %arg6[%dma_wait3A_126, %dma_wait3A_127] : memref<384x128xf32, #tpu.memory_space<vmem>> -> memref<128x128xf32, #tpu.memory_space<vmem>>
        tpu.wait_dma2 semaphore(%run_scoped3A : memref<!tpu.dma_semaphore, #tpu.memory_space<semaphore_mem>>) src(%dma_wait3A_128 : memref<128x128xf32, #tpu.memory_space<vmem>>) dst(%dma_wait3A_125 : memref<128x128xf32, #tpu.memory_space<hbm>>)
        tpu.yield
      }) : () -> ()
    }
    %while3A_85 = arith.constant 1 : i32
    scf.for %while3A_86 = %while3A_83 to %while3A_79 step %while3A_85  : i32 {
      %add3A_87 = arith.addi %add3A_8, %while3A_86 : i32
      %mul3A_88 = arith.constant 128 : i32
      %mul3A_89 = arith.muli %add3A_87, %mul3A_88 : i32
      %multiple_of3A_90 = tpu.assume_multiple %mul3A_89, 128 : i32
      %add3A_91 = arith.addi %sub3A_33, %while3A_86 : i32
      %dma_start3A_92 = arith.constant 0 : i32
      %dma_start3A_93 = arith.constant 0 : i32
      %dma_start3A_94 = tpu.memref_slice %arg6[%dma_start3A_92, %dma_start3A_93] : memref<384x128xf32, #tpu.memory_space<vmem>> -> memref<128x128xf32, #tpu.memory_space<vmem>>
      %dma_start3A_95 = arith.constant 0 : i32
      %dma_start3A_96 = tpu.memref_slice %arg5[%add3A_91, %dma_start3A_95] : memref<48x128xi32, #tpu.memory_space<vmem>> -> memref<1x128xi32, #tpu.memory_space<vmem>>
      %dma_start3A_97 = tpu.memref_squeeze %dma_start3A_96 : memref<1x128xi32, #tpu.memory_space<vmem>> -> memref<128xi32, #tpu.memory_space<vmem>>
      %dma_start3A_98 = arith.constant 0 : i32
      %dma_start3A_99 = arith.constant 0 : i32
      %dma_start3A_100 = tpu.memref_slice %arg2[%dma_start3A_98, %dma_start3A_99] : memref<10000x128xf32, #tpu.memory_space<hbm>> -> memref<10000x128xf32, #tpu.memory_space<hbm>>
      tpu.enqueue_indirect_dma source(%dma_start3A_100 : memref<10000x128xf32, #tpu.memory_space<hbm>>) target(%dma_start3A_94 : memref<128x128xf32, #tpu.memory_space<vmem>>) offsets(%dma_start3A_97 : memref<128xi32, #tpu.memory_space<vmem>>) semaphore(%arg8 : memref<!tpu.dma_semaphore, #tpu.memory_space<semaphore_mem>>)
      %dma_wait3A = arith.constant 0 : i32
      %dma_wait3A_101 = arith.constant 0 : i32
      %dma_wait3A_102 = tpu.memref_slice %arg6[%dma_wait3A, %dma_wait3A_101] : memref<384x128xf32, #tpu.memory_space<vmem>> -> memref<128x128xf32, #tpu.memory_space<vmem>>
      %dma_wait3A_103 = arith.constant 0 : i32
      %dma_wait3A_104 = tpu.memref_slice %arg5[%add3A_91, %dma_wait3A_103] : memref<48x128xi32, #tpu.memory_space<vmem>> -> memref<1x128xi32, #tpu.memory_space<vmem>>
      %dma_wait3A_105 = tpu.memref_squeeze %dma_wait3A_104 : memref<1x128xi32, #tpu.memory_space<vmem>> -> memref<128xi32, #tpu.memory_space<vmem>>
      %dma_wait3A_106 = arith.constant 0 : i32
      %dma_wait3A_107 = arith.constant 0 : i32
      %dma_wait3A_108 = tpu.memref_slice %arg2[%dma_wait3A_106, %dma_wait3A_107] : memref<10000x128xf32, #tpu.memory_space<hbm>> -> memref<10000x128xf32, #tpu.memory_space<hbm>>
      tpu.wait_indirect_dma semaphore(%arg8 : memref<!tpu.dma_semaphore, #tpu.memory_space<semaphore_mem>>) src(%dma_wait3A_108 : memref<10000x128xf32, #tpu.memory_space<hbm>>) dst(%dma_wait3A_102 : memref<128x128xf32, #tpu.memory_space<vmem>>)
      "tpu.region"() ({
        %run_scoped3A = tpu.sem_alloc : memref<!tpu.dma_semaphore, #tpu.memory_space<semaphore_mem>>
        %dma_start3A_109 = arith.constant 0 : i32
        %dma_start3A_110 = arith.constant 0 : i32
        %dma_start3A_111 = tpu.memref_slice %arg6[%dma_start3A_109, %dma_start3A_110] : memref<384x128xf32, #tpu.memory_space<vmem>> -> memref<128x128xf32, #tpu.memory_space<vmem>>
        %dma_start3A_112 = arith.constant 0 : i32
        %dma_start3A_113 = tpu.memref_slice %arg4[%multiple_of3A_90, %dma_start3A_112] : memref<160000x128xf32, #tpu.memory_space<hbm>> -> memref<128x128xf32, #tpu.memory_space<hbm>>
        %dma_start3A_114 = arith.constant 0 : i32
        %dma_start3A_115 = tpu.memref_slice %arg4[%multiple_of3A_90, %dma_start3A_114] : memref<160000x128xf32, #tpu.memory_space<hbm>> -> memref<128x128xf32, #tpu.memory_space<hbm>>
        %dma_start3A_116 = arith.constant 0 : i32
        %dma_start3A_117 = arith.constant 0 : i32
        %dma_start3A_118 = tpu.memref_slice %arg6[%dma_start3A_116, %dma_start3A_117] : memref<384x128xf32, #tpu.memory_space<vmem>> -> memref<128x128xf32, #tpu.memory_space<vmem>>
        tpu.enqueue_dma source(%dma_start3A_118 : memref<128x128xf32, #tpu.memory_space<vmem>>) target(%dma_start3A_115 : memref<128x128xf32, #tpu.memory_space<hbm>>) target_semaphore(%run_scoped3A : memref<!tpu.dma_semaphore, #tpu.memory_space<semaphore_mem>>)
        %dma_wait3A_119 = arith.constant 0 : i32
        %dma_wait3A_120 = arith.constant 0 : i32
        %dma_wait3A_121 = tpu.memref_slice %arg6[%dma_wait3A_119, %dma_wait3A_120] : memref<384x128xf32, #tpu.memory_space<vmem>> -> memref<128x128xf32, #tpu.memory_space<vmem>>
        %dma_wait3A_122 = arith.constant 0 : i32
        %dma_wait3A_123 = tpu.memref_slice %arg4[%multiple_of3A_90, %dma_wait3A_122] : memref<160000x128xf32, #tpu.memory_space<hbm>> -> memref<128x128xf32, #tpu.memory_space<hbm>>
        %dma_wait3A_124 = arith.constant 0 : i32
        %dma_wait3A_125 = tpu.memref_slice %arg4[%multiple_of3A_90, %dma_wait3A_124] : memref<160000x128xf32, #tpu.memory_space<hbm>> -> memref<128x128xf32, #tpu.memory_space<hbm>>
        %dma_wait3A_126 = arith.constant 0 : i32
        %dma_wait3A_127 = arith.constant 0 : i32
        %dma_wait3A_128 = tpu.memref_slice %arg6[%dma_wait3A_126, %dma_wait3A_127] : memref<384x128xf32, #tpu.memory_space<vmem>> -> memref<128x128xf32, #tpu.memory_space<vmem>>
        tpu.wait_dma2 semaphore(%run_scoped3A : memref<!tpu.dma_semaphore, #tpu.memory_space<semaphore_mem>>) src(%dma_wait3A_128 : memref<128x128xf32, #tpu.memory_space<vmem>>) dst(%dma_wait3A_125 : memref<128x128xf32, #tpu.memory_space<hbm>>)
        tpu.yield
      }) : () -> ()
    }
    return
  }
}

#map = affine_map<(d0, d1) -> (0, 0)>
#map1 = affine_map<(d0, d1) -> (0, 0, 0)>
module attributes {stable_mosaic.version = 14 : i64} {
  func.func @edge_scatter_s1(%arg0: i32, %arg1: i32, %arg2: memref<160000x128xf32, #tpu.memory_space<hbm>>, %arg3: memref<5000x128xi32, #tpu.memory_space<hbm>>, %arg4: memref<2x10240x128xf32, #tpu.memory_space<hbm>>, %arg5: memref<48x128xi32, #tpu.memory_space<vmem>>, %arg6: memref<128x128xf32, #tpu.memory_space<vmem>>, %arg7: memref<128x128xf32, #tpu.memory_space<vmem>>, %arg8: memref<10240x128xf32, #tpu.memory_space<vmem_shared>>, %arg9: memref<!tpu.dma_semaphore, #tpu.memory_space<semaphore_mem>>, %arg10: memref<!tpu.dma_semaphore, #tpu.memory_space<semaphore_mem>>) attributes {dimension_semantics = [#tpu.dimension_semantics<core_parallel>, #tpu.dimension_semantics<subcore_parallel>], iteration_bounds = array<i64: 2, 16>, scalar_prefetch = 0 : i64, scratch_operands = 6 : i64, tpu.core_type = #tpu.core_type<sc_vector_subcore>, window_params = [{transform_indices = #map}, {transform_indices = #map}, {transform_indices = #map1}]} {
    %mul3A = arith.constant 2 : i32
    %mul3A_0 = arith.muli %arg1, %mul3A : i32
    %add3A = arith.addi %mul3A_0, %arg0 : i32
    %broadcast_in_dim3A = arith.constant 0.000000e+00 : f32
    %broadcast_in_dim3A_1 = vector.broadcast %broadcast_in_dim3A : f32 to vector<16xf32>
    %scan3A = arith.constant 0 : i32
    %scan3A_2 = arith.constant 0 : i32
    %scan3A_3 = arith.constant 128 : i32
    %scan3A_4 = arith.addi %scan3A_2, %scan3A_3 : i32
    %scan3A_5 = arith.constant 1 : i32
    scf.for %scan3A_87 = %scan3A_2 to %scan3A_4 step %scan3A_5  : i32 {
      %swap3A = arith.index_cast %scan3A_87 : i32 to index
      %swap3A_88 = arith.constant 0 : index
      %swap3A_89 = tpu.vector_load %arg6[%swap3A, %swap3A_88] {strides = array<i32>} : memref<128x128xf32, #tpu.memory_space<vmem>>, vector<1x16xf32>,
      %swap3A_90 = vector.shape_cast %swap3A_89 : vector<1x16xf32> to vector<16xf32>
      %swap3A_91 = vector.shape_cast %broadcast_in_dim3A_1 : vector<16xf32> to vector<1x16xf32>
      tpu.vector_store %arg6[%swap3A, %swap3A_88], %swap3A_91 {strides = array<i32>} : memref<128x128xf32, #tpu.memory_space<vmem>>, vector<1x16xf32>,
      %swap3A_92 = arith.index_cast %scan3A_87 : i32 to index
      %swap3A_93 = arith.constant 16 : index
      %swap3A_94 = tpu.vector_load %arg6[%swap3A_92, %swap3A_93] {strides = array<i32>} : memref<128x128xf32, #tpu.memory_space<vmem>>, vector<1x16xf32>,
      %swap3A_95 = vector.shape_cast %swap3A_94 : vector<1x16xf32> to vector<16xf32>
      %swap3A_96 = vector.shape_cast %broadcast_in_dim3A_1 : vector<16xf32> to vector<1x16xf32>
      tpu.vector_store %arg6[%swap3A_92, %swap3A_93], %swap3A_96 {strides = array<i32>} : memref<128x128xf32, #tpu.memory_space<vmem>>, vector<1x16xf32>,
      %swap3A_97 = arith.index_cast %scan3A_87 : i32 to index
      %swap3A_98 = arith.constant 32 : index
      %swap3A_99 = tpu.vector_load %arg6[%swap3A_97, %swap3A_98] {strides = array<i32>} : memref<128x128xf32, #tpu.memory_space<vmem>>, vector<1x16xf32>,
      %swap3A_100 = vector.shape_cast %swap3A_99 : vector<1x16xf32> to vector<16xf32>
      %swap3A_101 = vector.shape_cast %broadcast_in_dim3A_1 : vector<16xf32> to vector<1x16xf32>
      tpu.vector_store %arg6[%swap3A_97, %swap3A_98], %swap3A_101 {strides = array<i32>} : memref<128x128xf32, #tpu.memory_space<vmem>>, vector<1x16xf32>,
      %swap3A_102 = arith.index_cast %scan3A_87 : i32 to index
      %swap3A_103 = arith.constant 48 : index
      %swap3A_104 = tpu.vector_load %arg6[%swap3A_102, %swap3A_103] {strides = array<i32>} : memref<128x128xf32, #tpu.memory_space<vmem>>, vector<1x16xf32>,
      %swap3A_105 = vector.shape_cast %swap3A_104 : vector<1x16xf32> to vector<16xf32>
      %swap3A_106 = vector.shape_cast %broadcast_in_dim3A_1 : vector<16xf32> to vector<1x16xf32>
      tpu.vector_store %arg6[%swap3A_102, %swap3A_103], %swap3A_106 {strides = array<i32>} : memref<128x128xf32, #tpu.memory_space<vmem>>, vector<1x16xf32>,
      %swap3A_107 = arith.index_cast %scan3A_87 : i32 to index
      %swap3A_108 = arith.constant 64 : index
      %swap3A_109 = tpu.vector_load %arg6[%swap3A_107, %swap3A_108] {strides = array<i32>} : memref<128x128xf32, #tpu.memory_space<vmem>>, vector<1x16xf32>,
      %swap3A_110 = vector.shape_cast %swap3A_109 : vector<1x16xf32> to vector<16xf32>
      %swap3A_111 = vector.shape_cast %broadcast_in_dim3A_1 : vector<16xf32> to vector<1x16xf32>
      tpu.vector_store %arg6[%swap3A_107, %swap3A_108], %swap3A_111 {strides = array<i32>} : memref<128x128xf32, #tpu.memory_space<vmem>>, vector<1x16xf32>,
      %swap3A_112 = arith.index_cast %scan3A_87 : i32 to index
      %swap3A_113 = arith.constant 80 : index
      %swap3A_114 = tpu.vector_load %arg6[%swap3A_112, %swap3A_113] {strides = array<i32>} : memref<128x128xf32, #tpu.memory_space<vmem>>, vector<1x16xf32>,
      %swap3A_115 = vector.shape_cast %swap3A_114 : vector<1x16xf32> to vector<16xf32>
      %swap3A_116 = vector.shape_cast %broadcast_in_dim3A_1 : vector<16xf32> to vector<1x16xf32>
      tpu.vector_store %arg6[%swap3A_112, %swap3A_113], %swap3A_116 {strides = array<i32>} : memref<128x128xf32, #tpu.memory_space<vmem>>, vector<1x16xf32>,
      %swap3A_117 = arith.index_cast %scan3A_87 : i32 to index
      %swap3A_118 = arith.constant 96 : index
      %swap3A_119 = tpu.vector_load %arg6[%swap3A_117, %swap3A_118] {strides = array<i32>} : memref<128x128xf32, #tpu.memory_space<vmem>>, vector<1x16xf32>,
      %swap3A_120 = vector.shape_cast %swap3A_119 : vector<1x16xf32> to vector<16xf32>
      %swap3A_121 = vector.shape_cast %broadcast_in_dim3A_1 : vector<16xf32> to vector<1x16xf32>
      tpu.vector_store %arg6[%swap3A_117, %swap3A_118], %swap3A_121 {strides = array<i32>} : memref<128x128xf32, #tpu.memory_space<vmem>>, vector<1x16xf32>,
      %swap3A_122 = arith.index_cast %scan3A_87 : i32 to index
      %swap3A_123 = arith.constant 112 : index
      %swap3A_124 = tpu.vector_load %arg6[%swap3A_122, %swap3A_123] {strides = array<i32>} : memref<128x128xf32, #tpu.memory_space<vmem>>, vector<1x16xf32>,
      %swap3A_125 = vector.shape_cast %swap3A_124 : vector<1x16xf32> to vector<16xf32>
      %swap3A_126 = vector.shape_cast %broadcast_in_dim3A_1 : vector<16xf32> to vector<1x16xf32>
      tpu.vector_store %arg6[%swap3A_122, %swap3A_123], %swap3A_126 {strides = array<i32>} : memref<128x128xf32, #tpu.memory_space<vmem>>, vector<1x16xf32>,
    }
    %scan3A_6 = arith.constant 128 : i32
    %mul3A_7 = arith.constant 640 : i32
    %mul3A_8 = arith.muli %arg1, %mul3A_7 : i32
    %add3A_9 = arith.constant 0 : i32
    %add3A_10 = arith.addi %mul3A_8, %add3A_9 : i32
    %multiple_of3A = tpu.assume_multiple %add3A_10, 128 : i32
    "tpu.region"() ({
      %run_scoped3A = tpu.sem_alloc : memref<!tpu.dma_semaphore, #tpu.memory_space<semaphore_mem>>
      %dma_start3A_87 = arith.constant 0 : i32
      %dma_start3A_88 = tpu.memref_slice %arg8[%multiple_of3A, %dma_start3A_87] : memref<10240x128xf32, #tpu.memory_space<vmem_shared>> -> memref<128x128xf32, #tpu.memory_space<vmem_shared>>
      %dma_start3A_89 = arith.constant 0 : i32
      %dma_start3A_90 = tpu.memref_slice %arg8[%multiple_of3A, %dma_start3A_89] : memref<10240x128xf32, #tpu.memory_space<vmem_shared>> -> memref<128x128xf32, #tpu.memory_space<vmem_shared>>
      tpu.enqueue_dma source(%arg6 : memref<128x128xf32, #tpu.memory_space<vmem>>) target(%dma_start3A_90 : memref<128x128xf32, #tpu.memory_space<vmem_shared>>) target_semaphore(%run_scoped3A : memref<!tpu.dma_semaphore, #tpu.memory_space<semaphore_mem>>)
      %dma_wait3A = arith.constant 0 : i32
      %dma_wait3A_91 = tpu.memref_slice %arg8[%multiple_of3A, %dma_wait3A] : memref<10240x128xf32, #tpu.memory_space<vmem_shared>> -> memref<128x128xf32, #tpu.memory_space<vmem_shared>>
      %dma_wait3A_92 = arith.constant 0 : i32
      %dma_wait3A_93 = tpu.memref_slice %arg8[%multiple_of3A, %dma_wait3A_92] : memref<10240x128xf32, #tpu.memory_space<vmem_shared>> -> memref<128x128xf32, #tpu.memory_space<vmem_shared>>
      tpu.wait_dma2 semaphore(%run_scoped3A : memref<!tpu.dma_semaphore, #tpu.memory_space<semaphore_mem>>) src(%arg6 : memref<128x128xf32, #tpu.memory_space<vmem>>) dst(%dma_wait3A_93 : memref<128x128xf32, #tpu.memory_space<vmem_shared>>)
      tpu.yield
    }) : () -> ()
    %mul3A_11 = arith.constant 640 : i32
    %mul3A_12 = arith.muli %arg1, %mul3A_11 : i32
    %add3A_13 = arith.constant 128 : i32
    %add3A_14 = arith.addi %mul3A_12, %add3A_13 : i32
    %multiple_of3A_15 = tpu.assume_multiple %add3A_14, 128 : i32
    "tpu.region"() ({
      %run_scoped3A = tpu.sem_alloc : memref<!tpu.dma_semaphore, #tpu.memory_space<semaphore_mem>>
      %dma_start3A_87 = arith.constant 0 : i32
      %dma_start3A_88 = tpu.memref_slice %arg8[%multiple_of3A_15, %dma_start3A_87] : memref<10240x128xf32, #tpu.memory_space<vmem_shared>> -> memref<128x128xf32, #tpu.memory_space<vmem_shared>>
      %dma_start3A_89 = arith.constant 0 : i32
      %dma_start3A_90 = tpu.memref_slice %arg8[%multiple_of3A_15, %dma_start3A_89] : memref<10240x128xf32, #tpu.memory_space<vmem_shared>> -> memref<128x128xf32, #tpu.memory_space<vmem_shared>>
      tpu.enqueue_dma source(%arg6 : memref<128x128xf32, #tpu.memory_space<vmem>>) target(%dma_start3A_90 : memref<128x128xf32, #tpu.memory_space<vmem_shared>>) target_semaphore(%run_scoped3A : memref<!tpu.dma_semaphore, #tpu.memory_space<semaphore_mem>>)
      %dma_wait3A = arith.constant 0 : i32
      %dma_wait3A_91 = tpu.memref_slice %arg8[%multiple_of3A_15, %dma_wait3A] : memref<10240x128xf32, #tpu.memory_space<vmem_shared>> -> memref<128x128xf32, #tpu.memory_space<vmem_shared>>
      %dma_wait3A_92 = arith.constant 0 : i32
      %dma_wait3A_93 = tpu.memref_slice %arg8[%multiple_of3A_15, %dma_wait3A_92] : memref<10240x128xf32, #tpu.memory_space<vmem_shared>> -> memref<128x128xf32, #tpu.memory_space<vmem_shared>>
      tpu.wait_dma2 semaphore(%run_scoped3A : memref<!tpu.dma_semaphore, #tpu.memory_space<semaphore_mem>>) src(%arg6 : memref<128x128xf32, #tpu.memory_space<vmem>>) dst(%dma_wait3A_93 : memref<128x128xf32, #tpu.memory_space<vmem_shared>>)
      tpu.yield
    }) : () -> ()
    %mul3A_16 = arith.constant 640 : i32
    %mul3A_17 = arith.muli %arg1, %mul3A_16 : i32
    %add3A_18 = arith.constant 256 : i32
    %add3A_19 = arith.addi %mul3A_17, %add3A_18 : i32
    %multiple_of3A_20 = tpu.assume_multiple %add3A_19, 128 : i32
    "tpu.region"() ({
      %run_scoped3A = tpu.sem_alloc : memref<!tpu.dma_semaphore, #tpu.memory_space<semaphore_mem>>
      %dma_start3A_87 = arith.constant 0 : i32
      %dma_start3A_88 = tpu.memref_slice %arg8[%multiple_of3A_20, %dma_start3A_87] : memref<10240x128xf32, #tpu.memory_space<vmem_shared>> -> memref<128x128xf32, #tpu.memory_space<vmem_shared>>
      %dma_start3A_89 = arith.constant 0 : i32
      %dma_start3A_90 = tpu.memref_slice %arg8[%multiple_of3A_20, %dma_start3A_89] : memref<10240x128xf32, #tpu.memory_space<vmem_shared>> -> memref<128x128xf32, #tpu.memory_space<vmem_shared>>
      tpu.enqueue_dma source(%arg6 : memref<128x128xf32, #tpu.memory_space<vmem>>) target(%dma_start3A_90 : memref<128x128xf32, #tpu.memory_space<vmem_shared>>) target_semaphore(%run_scoped3A : memref<!tpu.dma_semaphore, #tpu.memory_space<semaphore_mem>>)
      %dma_wait3A = arith.constant 0 : i32
      %dma_wait3A_91 = tpu.memref_slice %arg8[%multiple_of3A_20, %dma_wait3A] : memref<10240x128xf32, #tpu.memory_space<vmem_shared>> -> memref<128x128xf32, #tpu.memory_space<vmem_shared>>
      %dma_wait3A_92 = arith.constant 0 : i32
      %dma_wait3A_93 = tpu.memref_slice %arg8[%multiple_of3A_20, %dma_wait3A_92] : memref<10240x128xf32, #tpu.memory_space<vmem_shared>> -> memref<128x128xf32, #tpu.memory_space<vmem_shared>>
      tpu.wait_dma2 semaphore(%run_scoped3A : memref<!tpu.dma_semaphore, #tpu.memory_space<semaphore_mem>>) src(%arg6 : memref<128x128xf32, #tpu.memory_space<vmem>>) dst(%dma_wait3A_93 : memref<128x128xf32, #tpu.memory_space<vmem_shared>>)
      tpu.yield
    }) : () -> ()
    %mul3A_21 = arith.constant 640 : i32
    %mul3A_22 = arith.muli %arg1, %mul3A_21 : i32
    %add3A_23 = arith.constant 384 : i32
    %add3A_24 = arith.addi %mul3A_22, %add3A_23 : i32
    %multiple_of3A_25 = tpu.assume_multiple %add3A_24, 128 : i32
    "tpu.region"() ({
      %run_scoped3A = tpu.sem_alloc : memref<!tpu.dma_semaphore, #tpu.memory_space<semaphore_mem>>
      %dma_start3A_87 = arith.constant 0 : i32
      %dma_start3A_88 = tpu.memref_slice %arg8[%multiple_of3A_25, %dma_start3A_87] : memref<10240x128xf32, #tpu.memory_space<vmem_shared>> -> memref<128x128xf32, #tpu.memory_space<vmem_shared>>
      %dma_start3A_89 = arith.constant 0 : i32
      %dma_start3A_90 = tpu.memref_slice %arg8[%multiple_of3A_25, %dma_start3A_89] : memref<10240x128xf32, #tpu.memory_space<vmem_shared>> -> memref<128x128xf32, #tpu.memory_space<vmem_shared>>
      tpu.enqueue_dma source(%arg6 : memref<128x128xf32, #tpu.memory_space<vmem>>) target(%dma_start3A_90 : memref<128x128xf32, #tpu.memory_space<vmem_shared>>) target_semaphore(%run_scoped3A : memref<!tpu.dma_semaphore, #tpu.memory_space<semaphore_mem>>)
      %dma_wait3A = arith.constant 0 : i32
      %dma_wait3A_91 = tpu.memref_slice %arg8[%multiple_of3A_25, %dma_wait3A] : memref<10240x128xf32, #tpu.memory_space<vmem_shared>> -> memref<128x128xf32, #tpu.memory_space<vmem_shared>>
      %dma_wait3A_92 = arith.constant 0 : i32
      %dma_wait3A_93 = tpu.memref_slice %arg8[%multiple_of3A_25, %dma_wait3A_92] : memref<10240x128xf32, #tpu.memory_space<vmem_shared>> -> memref<128x128xf32, #tpu.memory_space<vmem_shared>>
      tpu.wait_dma2 semaphore(%run_scoped3A : memref<!tpu.dma_semaphore, #tpu.memory_space<semaphore_mem>>) src(%arg6 : memref<128x128xf32, #tpu.memory_space<vmem>>) dst(%dma_wait3A_93 : memref<128x128xf32, #tpu.memory_space<vmem_shared>>)
      tpu.yield
    }) : () -> ()
    %mul3A_26 = arith.constant 640 : i32
    %mul3A_27 = arith.muli %arg1, %mul3A_26 : i32
    %add3A_28 = arith.constant 512 : i32
    %add3A_29 = arith.addi %mul3A_27, %add3A_28 : i32
    %multiple_of3A_30 = tpu.assume_multiple %add3A_29, 128 : i32
    "tpu.region"() ({
      %run_scoped3A = tpu.sem_alloc : memref<!tpu.dma_semaphore, #tpu.memory_space<semaphore_mem>>
      %dma_start3A_87 = arith.constant 0 : i32
      %dma_start3A_88 = tpu.memref_slice %arg8[%multiple_of3A_30, %dma_start3A_87] : memref<10240x128xf32, #tpu.memory_space<vmem_shared>> -> memref<128x128xf32, #tpu.memory_space<vmem_shared>>
      %dma_start3A_89 = arith.constant 0 : i32
      %dma_start3A_90 = tpu.memref_slice %arg8[%multiple_of3A_30, %dma_start3A_89] : memref<10240x128xf32, #tpu.memory_space<vmem_shared>> -> memref<128x128xf32, #tpu.memory_space<vmem_shared>>
      tpu.enqueue_dma source(%arg6 : memref<128x128xf32, #tpu.memory_space<vmem>>) target(%dma_start3A_90 : memref<128x128xf32, #tpu.memory_space<vmem_shared>>) target_semaphore(%run_scoped3A : memref<!tpu.dma_semaphore, #tpu.memory_space<semaphore_mem>>)
      %dma_wait3A = arith.constant 0 : i32
      %dma_wait3A_91 = tpu.memref_slice %arg8[%multiple_of3A_30, %dma_wait3A] : memref<10240x128xf32, #tpu.memory_space<vmem_shared>> -> memref<128x128xf32, #tpu.memory_space<vmem_shared>>
      %dma_wait3A_92 = arith.constant 0 : i32
      %dma_wait3A_93 = tpu.memref_slice %arg8[%multiple_of3A_30, %dma_wait3A_92] : memref<10240x128xf32, #tpu.memory_space<vmem_shared>> -> memref<128x128xf32, #tpu.memory_space<vmem_shared>>
      tpu.wait_dma2 semaphore(%run_scoped3A : memref<!tpu.dma_semaphore, #tpu.memory_space<semaphore_mem>>) src(%arg6 : memref<128x128xf32, #tpu.memory_space<vmem>>) dst(%dma_wait3A_93 : memref<128x128xf32, #tpu.memory_space<vmem_shared>>)
      tpu.yield
    }) : () -> ()
    %barrier3A = arith.constant 0 : index
    tpu.barrier barrier_id(%barrier3A)
    %lt3A = arith.constant 2 : i32
    %lt3A_31 = arith.cmpi slt, %add3A, %lt3A : i32
    %jit3A = arith.constant 1 : i32
    %jit3A_32 = arith.constant 0 : i32
    %select_n3A = arith.select %lt3A_31, %jit3A, %jit3A_32 : i32
    %add3A_33 = arith.constant 39 : i32
    %add3A_34 = arith.addi %add3A_33, %select_n3A : i32
    %mul3A_35 = arith.constant 39 : i32
    %mul3A_36 = arith.muli %add3A, %mul3A_35 : i32
    %min3A = arith.constant 2 : i32
    %min3A_37 = arith.minsi %add3A, %min3A : i32
    %add3A_38 = arith.addi %mul3A_36, %min3A_37 : i32
    %add3A_39 = arith.constant 3750 : i32
    %add3A_40 = arith.addi %add3A_39, %add3A_38 : i32
    %jit3A_41 = arith.constant 8 : i32
    %div3A = arith.divsi %add3A_40, %jit3A_41 : i32
    %sign3A = arith.constant 0 : i32
    %sign3A_42 = arith.cmpi sgt, %add3A_40, %sign3A : i32
    %sign3A_43 = arith.extui %sign3A_42 : i1 to i32
    %sign3A_44 = arith.constant 0 : i32
    %sign3A_45 = arith.cmpi slt, %add3A_40, %sign3A_44 : i32
    %sign3A_46 = arith.extui %sign3A_45 : i1 to i32
    %sign3A_47 = arith.subi %sign3A_43, %sign3A_46 : i32
    %sign3A_48 = arith.constant 0 : i32
    %sign3A_49 = arith.cmpi sgt, %jit3A_41, %sign3A_48 : i32
    %sign3A_50 = arith.extui %sign3A_49 : i1 to i32
    %sign3A_51 = arith.constant 0 : i32
    %sign3A_52 = arith.cmpi slt, %jit3A_41, %sign3A_51 : i32
    %sign3A_53 = arith.extui %sign3A_52 : i1 to i32
    %sign3A_54 = arith.subi %sign3A_50, %sign3A_53 : i32
    %ne3A = arith.cmpi ne, %sign3A_47, %sign3A_54 : i32
    %rem3A = arith.remsi %add3A_40, %jit3A_41 : i32
    %ne3A_55 = arith.constant 0 : i32
    %ne3A_56 = arith.cmpi ne, %rem3A, %ne3A_55 : i32
    %and3A = arith.andi %ne3A, %ne3A_56 : i1
    %sub3A = arith.constant 1 : i32
    %sub3A_57 = arith.subi %div3A, %sub3A : i32
    %select_n3A_58 = arith.select %and3A, %sub3A_57, %div3A : i32
    %mul3A_59 = arith.constant 8 : i32
    %mul3A_60 = arith.muli %select_n3A_58, %mul3A_59 : i32
    %min3A_61 = arith.constant 4952 : i32
    %min3A_62 = arith.minsi %mul3A_60, %min3A_61 : i32
    %multiple_of3A_63 = tpu.assume_multiple %min3A_62, 8 : i32
    %sub3A_64 = arith.subi %add3A_40, %multiple_of3A_63 : i32
    "tpu.region"() ({
      %run_scoped3A = tpu.sem_alloc : memref<!tpu.dma_semaphore, #tpu.memory_space<semaphore_mem>>
      %dma_start3A_87 = arith.constant 0 : i32
      %dma_start3A_88 = tpu.memref_slice %arg3[%multiple_of3A_63, %dma_start3A_87] : memref<5000x128xi32, #tpu.memory_space<hbm>> -> memref<48x128xi32, #tpu.memory_space<hbm>>
      %dma_start3A_89 = arith.constant 0 : i32
      %dma_start3A_90 = tpu.memref_slice %arg3[%multiple_of3A_63, %dma_start3A_89] : memref<5000x128xi32, #tpu.memory_space<hbm>> -> memref<48x128xi32, #tpu.memory_space<hbm>>
      tpu.enqueue_dma source(%dma_start3A_90 : memref<48x128xi32, #tpu.memory_space<hbm>>) target(%arg5 : memref<48x128xi32, #tpu.memory_space<vmem>>) target_semaphore(%run_scoped3A : memref<!tpu.dma_semaphore, #tpu.memory_space<semaphore_mem>>)
      %dma_wait3A = arith.constant 0 : i32
      %dma_wait3A_91 = tpu.memref_slice %arg3[%multiple_of3A_63, %dma_wait3A] : memref<5000x128xi32, #tpu.memory_space<hbm>> -> memref<48x128xi32, #tpu.memory_space<hbm>>
      %dma_wait3A_92 = arith.constant 0 : i32
      %dma_wait3A_93 = tpu.memref_slice %arg3[%multiple_of3A_63, %dma_wait3A_92] : memref<5000x128xi32, #tpu.memory_space<hbm>> -> memref<48x128xi32, #tpu.memory_space<hbm>>
      tpu.wait_dma2 semaphore(%run_scoped3A : memref<!tpu.dma_semaphore, #tpu.memory_space<semaphore_mem>>) src(%dma_wait3A_93 : memref<48x128xi32, #tpu.memory_space<hbm>>) dst(%arg5 : memref<48x128xi32, #tpu.memory_space<vmem>>)
      tpu.yield
    }) : () -> ()
    %add3A_65 = arith.constant 0 : i32
    %add3A_66 = arith.addi %add3A_38, %add3A_65 : i32
    %mul3A_67 = arith.constant 128 : i32
    %mul3A_68 = arith.muli %add3A_66, %mul3A_67 : i32
    %multiple_of3A_69 = tpu.assume_multiple %mul3A_68, 128 : i32
    %dma_start3A = arith.constant 0 : i32
    %dma_start3A_70 = tpu.memref_slice %arg2[%multiple_of3A_69, %dma_start3A] : memref<160000x128xf32, #tpu.memory_space<hbm>> -> memref<128x128xf32, #tpu.memory_space<hbm>>
    %dma_start3A_71 = arith.constant 0 : i32
    %dma_start3A_72 = tpu.memref_slice %arg2[%multiple_of3A_69, %dma_start3A_71] : memref<160000x128xf32, #tpu.memory_space<hbm>> -> memref<128x128xf32, #tpu.memory_space<hbm>>
    tpu.enqueue_dma source(%dma_start3A_72 : memref<128x128xf32, #tpu.memory_space<hbm>>) target(%arg6 : memref<128x128xf32, #tpu.memory_space<vmem>>) target_semaphore(%arg9 : memref<!tpu.dma_semaphore, #tpu.memory_space<semaphore_mem>>)
    %while3A = arith.constant 0 : i32
    %while3A_73 = arith.constant 0 : i32
    %while3A_74 = arith.subi %add3A_34, %while3A_73 : i32
    %while3A_75 = arith.addi %while3A_73, %while3A_74 : i32
    %while3A_76 = arith.constant 1 : i32
    %while3A_77 = arith.divsi %while3A_74, %while3A_76 : i32
    %while3A_78 = arith.muli %while3A_77, %while3A_76 : i32
    %while3A_79 = arith.addi %while3A_73, %while3A_78 : i32
    %while3A_80 = arith.constant 1 : i32
    scf.for %while3A_87 = %while3A_73 to %while3A_79 step %while3A_80  : i32 {
      %jit3A_88 = arith.constant 2 : i32
      %eq3A = arith.constant 0 : i32
      %eq3A_89 = arith.cmpi eq, %jit3A_88, %eq3A : i32
      %jit3A_90 = arith.constant 1 : i32
      %select_n3A_91 = arith.select %eq3A_89, %jit3A_90, %jit3A_88 : i32
      %rem3A_92 = arith.remsi %while3A_87, %select_n3A_91 : i32
      %ne3A_93 = arith.constant 0 : i32
      %ne3A_94 = arith.cmpi ne, %rem3A_92, %ne3A_93 : i32
      %lt3A_95 = arith.constant 0 : i32
      %lt3A_96 = arith.cmpi slt, %rem3A_92, %lt3A_95 : i32
      %lt3A_97 = arith.constant 0 : i32
      %lt3A_98 = arith.cmpi slt, %select_n3A_91, %lt3A_97 : i32
      %ne3A_99 = arith.xori %lt3A_96, %lt3A_98 : i1
      %and3A_100 = arith.andi %ne3A_99, %ne3A_94 : i1
      %add3A_101 = arith.addi %rem3A_92, %select_n3A_91 : i32
      %select_n3A_102 = arith.select %and3A_100, %add3A_101, %rem3A_92 : i32
      %eq3A_103 = arith.constant 0 : i32
      %eq3A_104 = arith.cmpi eq, %select_n3A_102, %eq3A_103 : i32
      %convert_element_type3A = arith.extui %eq3A_104 : i1 to i32
      %cond3A = arith.constant 0 : i32
      %cond3A_105 = arith.cmpi ne, %convert_element_type3A, %cond3A : i32
      scf.if %cond3A_105 {
        %dma_wait3A = arith.constant 0 : i32
        %dma_wait3A_110 = arith.constant 0 : i32
        %dma_wait3A_111 = tpu.memref_slice %arg2[%dma_wait3A, %dma_wait3A_110] : memref<160000x128xf32, #tpu.memory_space<hbm>> -> memref<128x128xf32, #tpu.memory_space<hbm>>
        %dma_wait3A_112 = arith.constant 0 : i32
        %dma_wait3A_113 = arith.constant 0 : i32
        %dma_wait3A_114 = tpu.memref_slice %arg2[%dma_wait3A_112, %dma_wait3A_113] : memref<160000x128xf32, #tpu.memory_space<hbm>> -> memref<128x128xf32, #tpu.memory_space<hbm>>
        tpu.wait_dma2 semaphore(%arg9 : memref<!tpu.dma_semaphore, #tpu.memory_space<semaphore_mem>>) src(%dma_wait3A_114 : memref<128x128xf32, #tpu.memory_space<hbm>>) dst(%arg6 : memref<128x128xf32, #tpu.memory_space<vmem>>)
        %add3A_115 = arith.constant 1 : i32
        %add3A_116 = arith.addi %while3A_87, %add3A_115 : i32
        %lt3A_117 = arith.cmpi slt, %add3A_116, %add3A_34 : i32
        %convert_element_type3A_118 = arith.extui %lt3A_117 : i1 to i32
        %cond3A_119 = arith.constant 0 : i32
        %cond3A_120 = arith.cmpi ne, %convert_element_type3A_118, %cond3A_119 : i32
        scf.if %cond3A_120 {
          %add3A_122 = arith.constant 1 : i32
          %add3A_123 = arith.addi %while3A_87, %add3A_122 : i32
          %add3A_124 = arith.addi %add3A_38, %add3A_123 : i32
          %mul3A_125 = arith.constant 128 : i32
          %mul3A_126 = arith.muli %add3A_124, %mul3A_125 : i32
          %multiple_of3A_127 = tpu.assume_multiple %mul3A_126, 128 : i32
          %dma_start3A_128 = arith.constant 0 : i32
          %dma_start3A_129 = tpu.memref_slice %arg2[%multiple_of3A_127, %dma_start3A_128] : memref<160000x128xf32, #tpu.memory_space<hbm>> -> memref<128x128xf32, #tpu.memory_space<hbm>>
          %dma_start3A_130 = arith.constant 0 : i32
          %dma_start3A_131 = tpu.memref_slice %arg2[%multiple_of3A_127, %dma_start3A_130] : memref<160000x128xf32, #tpu.memory_space<hbm>> -> memref<128x128xf32, #tpu.memory_space<hbm>>
          tpu.enqueue_dma source(%dma_start3A_131 : memref<128x128xf32, #tpu.memory_space<hbm>>) target(%arg7 : memref<128x128xf32, #tpu.memory_space<vmem>>) target_semaphore(%arg10 : memref<!tpu.dma_semaphore, #tpu.memory_space<semaphore_mem>>)
        } else {
        }
        %add3A_121 = arith.addi %sub3A_64, %while3A_87 : i32
        "tpu.region"() ({
          %run_scoped3A = tpu.sem_alloc : memref<!tpu.dma_semaphore, #tpu.memory_space<semaphore_mem>>
          %dma_start3A_122 = arith.constant 0 : i32
          %dma_start3A_123 = tpu.memref_slice %arg5[%add3A_121, %dma_start3A_122] : memref<48x128xi32, #tpu.memory_space<vmem>> -> memref<1x128xi32, #tpu.memory_space<vmem>>
          %dma_start3A_124 = tpu.memref_squeeze %dma_start3A_123 : memref<1x128xi32, #tpu.memory_space<vmem>> -> memref<128xi32, #tpu.memory_space<vmem>>
          %dma_start3A_125 = arith.constant 0 : i32
          %dma_start3A_126 = arith.constant 0 : i32
          %dma_start3A_127 = tpu.memref_slice %arg8[%dma_start3A_125, %dma_start3A_126] : memref<10240x128xf32, #tpu.memory_space<vmem_shared>> -> memref<10240x128xf32, #tpu.memory_space<vmem_shared>>
          tpu.enqueue_indirect_dma source(%arg6 : memref<128x128xf32, #tpu.memory_space<vmem>>) target(%dma_start3A_127 : memref<10240x128xf32, #tpu.memory_space<vmem_shared>>) offsets(%dma_start3A_124 : memref<128xi32, #tpu.memory_space<vmem>>) semaphore(%run_scoped3A : memref<!tpu.dma_semaphore, #tpu.memory_space<semaphore_mem>>) {add = true}
          %dma_wait3A_128 = arith.constant 0 : i32
          %dma_wait3A_129 = tpu.memref_slice %arg5[%add3A_121, %dma_wait3A_128] : memref<48x128xi32, #tpu.memory_space<vmem>> -> memref<1x128xi32, #tpu.memory_space<vmem>>
          %dma_wait3A_130 = tpu.memref_squeeze %dma_wait3A_129 : memref<1x128xi32, #tpu.memory_space<vmem>> -> memref<128xi32, #tpu.memory_space<vmem>>
          %dma_wait3A_131 = arith.constant 0 : i32
          %dma_wait3A_132 = arith.constant 0 : i32
          %dma_wait3A_133 = tpu.memref_slice %arg8[%dma_wait3A_131, %dma_wait3A_132] : memref<10240x128xf32, #tpu.memory_space<vmem_shared>> -> memref<10240x128xf32, #tpu.memory_space<vmem_shared>>
          tpu.wait_indirect_dma semaphore(%run_scoped3A : memref<!tpu.dma_semaphore, #tpu.memory_space<semaphore_mem>>) src(%arg6 : memref<128x128xf32, #tpu.memory_space<vmem>>) dst(%dma_wait3A_133 : memref<10240x128xf32, #tpu.memory_space<vmem_shared>>)
          tpu.yield
        }) : () -> ()
      } else {
      }
      %not3A = arith.constant true
      %not3A_106 = arith.xori %eq3A_104, %not3A : i1
      %convert_element_type3A_107 = arith.extui %not3A_106 : i1 to i32
      %cond3A_108 = arith.constant 0 : i32
      %cond3A_109 = arith.cmpi ne, %convert_element_type3A_107, %cond3A_108 : i32
      scf.if %cond3A_109 {
        %dma_wait3A = arith.constant 0 : i32
        %dma_wait3A_110 = arith.constant 0 : i32
        %dma_wait3A_111 = tpu.memref_slice %arg2[%dma_wait3A, %dma_wait3A_110] : memref<160000x128xf32, #tpu.memory_space<hbm>> -> memref<128x128xf32, #tpu.memory_space<hbm>>
        %dma_wait3A_112 = arith.constant 0 : i32
        %dma_wait3A_113 = arith.constant 0 : i32
        %dma_wait3A_114 = tpu.memref_slice %arg2[%dma_wait3A_112, %dma_wait3A_113] : memref<160000x128xf32, #tpu.memory_space<hbm>> -> memref<128x128xf32, #tpu.memory_space<hbm>>
        tpu.wait_dma2 semaphore(%arg10 : memref<!tpu.dma_semaphore, #tpu.memory_space<semaphore_mem>>) src(%dma_wait3A_114 : memref<128x128xf32, #tpu.memory_space<hbm>>) dst(%arg7 : memref<128x128xf32, #tpu.memory_space<vmem>>)
        %add3A_115 = arith.constant 1 : i32
        %add3A_116 = arith.addi %while3A_87, %add3A_115 : i32
        %lt3A_117 = arith.cmpi slt, %add3A_116, %add3A_34 : i32
        %convert_element_type3A_118 = arith.extui %lt3A_117 : i1 to i32
        %cond3A_119 = arith.constant 0 : i32
        %cond3A_120 = arith.cmpi ne, %convert_element_type3A_118, %cond3A_119 : i32
        scf.if %cond3A_120 {
          %add3A_122 = arith.constant 1 : i32
          %add3A_123 = arith.addi %while3A_87, %add3A_122 : i32
          %add3A_124 = arith.addi %add3A_38, %add3A_123 : i32
          %mul3A_125 = arith.constant 128 : i32
          %mul3A_126 = arith.muli %add3A_124, %mul3A_125 : i32
          %multiple_of3A_127 = tpu.assume_multiple %mul3A_126, 128 : i32
          %dma_start3A_128 = arith.constant 0 : i32
          %dma_start3A_129 = tpu.memref_slice %arg2[%multiple_of3A_127, %dma_start3A_128] : memref<160000x128xf32, #tpu.memory_space<hbm>> -> memref<128x128xf32, #tpu.memory_space<hbm>>
          %dma_start3A_130 = arith.constant 0 : i32
          %dma_start3A_131 = tpu.memref_slice %arg2[%multiple_of3A_127, %dma_start3A_130] : memref<160000x128xf32, #tpu.memory_space<hbm>> -> memref<128x128xf32, #tpu.memory_space<hbm>>
          tpu.enqueue_dma source(%dma_start3A_131 : memref<128x128xf32, #tpu.memory_space<hbm>>) target(%arg6 : memref<128x128xf32, #tpu.memory_space<vmem>>) target_semaphore(%arg9 : memref<!tpu.dma_semaphore, #tpu.memory_space<semaphore_mem>>)
        } else {
        }
        %add3A_121 = arith.addi %sub3A_64, %while3A_87 : i32
        "tpu.region"() ({
          %run_scoped3A = tpu.sem_alloc : memref<!tpu.dma_semaphore, #tpu.memory_space<semaphore_mem>>
          %dma_start3A_122 = arith.constant 0 : i32
          %dma_start3A_123 = tpu.memref_slice %arg5[%add3A_121, %dma_start3A_122] : memref<48x128xi32, #tpu.memory_space<vmem>> -> memref<1x128xi32, #tpu.memory_space<vmem>>
          %dma_start3A_124 = tpu.memref_squeeze %dma_start3A_123 : memref<1x128xi32, #tpu.memory_space<vmem>> -> memref<128xi32, #tpu.memory_space<vmem>>
          %dma_start3A_125 = arith.constant 0 : i32
          %dma_start3A_126 = arith.constant 0 : i32
          %dma_start3A_127 = tpu.memref_slice %arg8[%dma_start3A_125, %dma_start3A_126] : memref<10240x128xf32, #tpu.memory_space<vmem_shared>> -> memref<10240x128xf32, #tpu.memory_space<vmem_shared>>
          tpu.enqueue_indirect_dma source(%arg7 : memref<128x128xf32, #tpu.memory_space<vmem>>) target(%dma_start3A_127 : memref<10240x128xf32, #tpu.memory_space<vmem_shared>>) offsets(%dma_start3A_124 : memref<128xi32, #tpu.memory_space<vmem>>) semaphore(%run_scoped3A : memref<!tpu.dma_semaphore, #tpu.memory_space<semaphore_mem>>) {add = true}
          %dma_wait3A_128 = arith.constant 0 : i32
          %dma_wait3A_129 = tpu.memref_slice %arg5[%add3A_121, %dma_wait3A_128] : memref<48x128xi32, #tpu.memory_space<vmem>> -> memref<1x128xi32, #tpu.memory_space<vmem>>
          %dma_wait3A_130 = tpu.memref_squeeze %dma_wait3A_129 : memref<1x128xi32, #tpu.memory_space<vmem>> -> memref<128xi32, #tpu.memory_space<vmem>>
          %dma_wait3A_131 = arith.constant 0 : i32
          %dma_wait3A_132 = arith.constant 0 : i32
          %dma_wait3A_133 = tpu.memref_slice %arg8[%dma_wait3A_131, %dma_wait3A_132] : memref<10240x128xf32, #tpu.memory_space<vmem_shared>> -> memref<10240x128xf32, #tpu.memory_space<vmem_shared>>
          tpu.wait_indirect_dma semaphore(%run_scoped3A : memref<!tpu.dma_semaphore, #tpu.memory_space<semaphore_mem>>) src(%arg7 : memref<128x128xf32, #tpu.memory_space<vmem>>) dst(%dma_wait3A_133 : memref<10240x128xf32, #tpu.memory_space<vmem_shared>>)
          tpu.yield
        }) : () -> ()
      } else {
      }
    }
    %while3A_81 = arith.constant 1 : i32
    scf.for %while3A_87 = %while3A_79 to %while3A_75 step %while3A_81  : i32 {
      %jit3A_88 = arith.constant 2 : i32
      %eq3A = arith.constant 0 : i32
      %eq3A_89 = arith.cmpi eq, %jit3A_88, %eq3A : i32
      %jit3A_90 = arith.constant 1 : i32
      %select_n3A_91 = arith.select %eq3A_89, %jit3A_90, %jit3A_88 : i32
      %rem3A_92 = arith.remsi %while3A_87, %select_n3A_91 : i32
      %ne3A_93 = arith.constant 0 : i32
      %ne3A_94 = arith.cmpi ne, %rem3A_92, %ne3A_93 : i32
      %lt3A_95 = arith.constant 0 : i32
      %lt3A_96 = arith.cmpi slt, %rem3A_92, %lt3A_95 : i32
      %lt3A_97 = arith.constant 0 : i32
      %lt3A_98 = arith.cmpi slt, %select_n3A_91, %lt3A_97 : i32
      %ne3A_99 = arith.xori %lt3A_96, %lt3A_98 : i1
      %and3A_100 = arith.andi %ne3A_99, %ne3A_94 : i1
      %add3A_101 = arith.addi %rem3A_92, %select_n3A_91 : i32
      %select_n3A_102 = arith.select %and3A_100, %add3A_101, %rem3A_92 : i32
      %eq3A_103 = arith.constant 0 : i32
      %eq3A_104 = arith.cmpi eq, %select_n3A_102, %eq3A_103 : i32
      %convert_element_type3A = arith.extui %eq3A_104 : i1 to i32
      %cond3A = arith.constant 0 : i32
      %cond3A_105 = arith.cmpi ne, %convert_element_type3A, %cond3A : i32
      scf.if %cond3A_105 {
        %dma_wait3A = arith.constant 0 : i32
        %dma_wait3A_110 = arith.constant 0 : i32
        %dma_wait3A_111 = tpu.memref_slice %arg2[%dma_wait3A, %dma_wait3A_110] : memref<160000x128xf32, #tpu.memory_space<hbm>> -> memref<128x128xf32, #tpu.memory_space<hbm>>
        %dma_wait3A_112 = arith.constant 0 : i32
        %dma_wait3A_113 = arith.constant 0 : i32
        %dma_wait3A_114 = tpu.memref_slice %arg2[%dma_wait3A_112, %dma_wait3A_113] : memref<160000x128xf32, #tpu.memory_space<hbm>> -> memref<128x128xf32, #tpu.memory_space<hbm>>
        tpu.wait_dma2 semaphore(%arg9 : memref<!tpu.dma_semaphore, #tpu.memory_space<semaphore_mem>>) src(%dma_wait3A_114 : memref<128x128xf32, #tpu.memory_space<hbm>>) dst(%arg6 : memref<128x128xf32, #tpu.memory_space<vmem>>)
        %add3A_115 = arith.constant 1 : i32
        %add3A_116 = arith.addi %while3A_87, %add3A_115 : i32
        %lt3A_117 = arith.cmpi slt, %add3A_116, %add3A_34 : i32
        %convert_element_type3A_118 = arith.extui %lt3A_117 : i1 to i32
        %cond3A_119 = arith.constant 0 : i32
        %cond3A_120 = arith.cmpi ne, %convert_element_type3A_118, %cond3A_119 : i32
        scf.if %cond3A_120 {
          %add3A_122 = arith.constant 1 : i32
          %add3A_123 = arith.addi %while3A_87, %add3A_122 : i32
          %add3A_124 = arith.addi %add3A_38, %add3A_123 : i32
          %mul3A_125 = arith.constant 128 : i32
          %mul3A_126 = arith.muli %add3A_124, %mul3A_125 : i32
          %multiple_of3A_127 = tpu.assume_multiple %mul3A_126, 128 : i32
          %dma_start3A_128 = arith.constant 0 : i32
          %dma_start3A_129 = tpu.memref_slice %arg2[%multiple_of3A_127, %dma_start3A_128] : memref<160000x128xf32, #tpu.memory_space<hbm>> -> memref<128x128xf32, #tpu.memory_space<hbm>>
          %dma_start3A_130 = arith.constant 0 : i32
          %dma_start3A_131 = tpu.memref_slice %arg2[%multiple_of3A_127, %dma_start3A_130] : memref<160000x128xf32, #tpu.memory_space<hbm>> -> memref<128x128xf32, #tpu.memory_space<hbm>>
          tpu.enqueue_dma source(%dma_start3A_131 : memref<128x128xf32, #tpu.memory_space<hbm>>) target(%arg7 : memref<128x128xf32, #tpu.memory_space<vmem>>) target_semaphore(%arg10 : memref<!tpu.dma_semaphore, #tpu.memory_space<semaphore_mem>>)
        } else {
        }
        %add3A_121 = arith.addi %sub3A_64, %while3A_87 : i32
        "tpu.region"() ({
          %run_scoped3A = tpu.sem_alloc : memref<!tpu.dma_semaphore, #tpu.memory_space<semaphore_mem>>
          %dma_start3A_122 = arith.constant 0 : i32
          %dma_start3A_123 = tpu.memref_slice %arg5[%add3A_121, %dma_start3A_122] : memref<48x128xi32, #tpu.memory_space<vmem>> -> memref<1x128xi32, #tpu.memory_space<vmem>>
          %dma_start3A_124 = tpu.memref_squeeze %dma_start3A_123 : memref<1x128xi32, #tpu.memory_space<vmem>> -> memref<128xi32, #tpu.memory_space<vmem>>
          %dma_start3A_125 = arith.constant 0 : i32
          %dma_start3A_126 = arith.constant 0 : i32
          %dma_start3A_127 = tpu.memref_slice %arg8[%dma_start3A_125, %dma_start3A_126] : memref<10240x128xf32, #tpu.memory_space<vmem_shared>> -> memref<10240x128xf32, #tpu.memory_space<vmem_shared>>
          tpu.enqueue_indirect_dma source(%arg6 : memref<128x128xf32, #tpu.memory_space<vmem>>) target(%dma_start3A_127 : memref<10240x128xf32, #tpu.memory_space<vmem_shared>>) offsets(%dma_start3A_124 : memref<128xi32, #tpu.memory_space<vmem>>) semaphore(%run_scoped3A : memref<!tpu.dma_semaphore, #tpu.memory_space<semaphore_mem>>) {add = true}
          %dma_wait3A_128 = arith.constant 0 : i32
          %dma_wait3A_129 = tpu.memref_slice %arg5[%add3A_121, %dma_wait3A_128] : memref<48x128xi32, #tpu.memory_space<vmem>> -> memref<1x128xi32, #tpu.memory_space<vmem>>
          %dma_wait3A_130 = tpu.memref_squeeze %dma_wait3A_129 : memref<1x128xi32, #tpu.memory_space<vmem>> -> memref<128xi32, #tpu.memory_space<vmem>>
          %dma_wait3A_131 = arith.constant 0 : i32
          %dma_wait3A_132 = arith.constant 0 : i32
          %dma_wait3A_133 = tpu.memref_slice %arg8[%dma_wait3A_131, %dma_wait3A_132] : memref<10240x128xf32, #tpu.memory_space<vmem_shared>> -> memref<10240x128xf32, #tpu.memory_space<vmem_shared>>
          tpu.wait_indirect_dma semaphore(%run_scoped3A : memref<!tpu.dma_semaphore, #tpu.memory_space<semaphore_mem>>) src(%arg6 : memref<128x128xf32, #tpu.memory_space<vmem>>) dst(%dma_wait3A_133 : memref<10240x128xf32, #tpu.memory_space<vmem_shared>>)
          tpu.yield
        }) : () -> ()
      } else {
      }
      %not3A = arith.constant true
      %not3A_106 = arith.xori %eq3A_104, %not3A : i1
      %convert_element_type3A_107 = arith.extui %not3A_106 : i1 to i32
      %cond3A_108 = arith.constant 0 : i32
      %cond3A_109 = arith.cmpi ne, %convert_element_type3A_107, %cond3A_108 : i32
      scf.if %cond3A_109 {
        %dma_wait3A = arith.constant 0 : i32
        %dma_wait3A_110 = arith.constant 0 : i32
        %dma_wait3A_111 = tpu.memref_slice %arg2[%dma_wait3A, %dma_wait3A_110] : memref<160000x128xf32, #tpu.memory_space<hbm>> -> memref<128x128xf32, #tpu.memory_space<hbm>>
        %dma_wait3A_112 = arith.constant 0 : i32
        %dma_wait3A_113 = arith.constant 0 : i32
        %dma_wait3A_114 = tpu.memref_slice %arg2[%dma_wait3A_112, %dma_wait3A_113] : memref<160000x128xf32, #tpu.memory_space<hbm>> -> memref<128x128xf32, #tpu.memory_space<hbm>>
        tpu.wait_dma2 semaphore(%arg10 : memref<!tpu.dma_semaphore, #tpu.memory_space<semaphore_mem>>) src(%dma_wait3A_114 : memref<128x128xf32, #tpu.memory_space<hbm>>) dst(%arg7 : memref<128x128xf32, #tpu.memory_space<vmem>>)
        %add3A_115 = arith.constant 1 : i32
        %add3A_116 = arith.addi %while3A_87, %add3A_115 : i32
        %lt3A_117 = arith.cmpi slt, %add3A_116, %add3A_34 : i32
        %convert_element_type3A_118 = arith.extui %lt3A_117 : i1 to i32
        %cond3A_119 = arith.constant 0 : i32
        %cond3A_120 = arith.cmpi ne, %convert_element_type3A_118, %cond3A_119 : i32
        scf.if %cond3A_120 {
          %add3A_122 = arith.constant 1 : i32
          %add3A_123 = arith.addi %while3A_87, %add3A_122 : i32
          %add3A_124 = arith.addi %add3A_38, %add3A_123 : i32
          %mul3A_125 = arith.constant 128 : i32
          %mul3A_126 = arith.muli %add3A_124, %mul3A_125 : i32
          %multiple_of3A_127 = tpu.assume_multiple %mul3A_126, 128 : i32
          %dma_start3A_128 = arith.constant 0 : i32
          %dma_start3A_129 = tpu.memref_slice %arg2[%multiple_of3A_127, %dma_start3A_128] : memref<160000x128xf32, #tpu.memory_space<hbm>> -> memref<128x128xf32, #tpu.memory_space<hbm>>
          %dma_start3A_130 = arith.constant 0 : i32
          %dma_start3A_131 = tpu.memref_slice %arg2[%multiple_of3A_127, %dma_start3A_130] : memref<160000x128xf32, #tpu.memory_space<hbm>> -> memref<128x128xf32, #tpu.memory_space<hbm>>
          tpu.enqueue_dma source(%dma_start3A_131 : memref<128x128xf32, #tpu.memory_space<hbm>>) target(%arg6 : memref<128x128xf32, #tpu.memory_space<vmem>>) target_semaphore(%arg9 : memref<!tpu.dma_semaphore, #tpu.memory_space<semaphore_mem>>)
        } else {
        }
        %add3A_121 = arith.addi %sub3A_64, %while3A_87 : i32
        "tpu.region"() ({
          %run_scoped3A = tpu.sem_alloc : memref<!tpu.dma_semaphore, #tpu.memory_space<semaphore_mem>>
          %dma_start3A_122 = arith.constant 0 : i32
          %dma_start3A_123 = tpu.memref_slice %arg5[%add3A_121, %dma_start3A_122] : memref<48x128xi32, #tpu.memory_space<vmem>> -> memref<1x128xi32, #tpu.memory_space<vmem>>
          %dma_start3A_124 = tpu.memref_squeeze %dma_start3A_123 : memref<1x128xi32, #tpu.memory_space<vmem>> -> memref<128xi32, #tpu.memory_space<vmem>>
          %dma_start3A_125 = arith.constant 0 : i32
          %dma_start3A_126 = arith.constant 0 : i32
          %dma_start3A_127 = tpu.memref_slice %arg8[%dma_start3A_125, %dma_start3A_126] : memref<10240x128xf32, #tpu.memory_space<vmem_shared>> -> memref<10240x128xf32, #tpu.memory_space<vmem_shared>>
          tpu.enqueue_indirect_dma source(%arg7 : memref<128x128xf32, #tpu.memory_space<vmem>>) target(%dma_start3A_127 : memref<10240x128xf32, #tpu.memory_space<vmem_shared>>) offsets(%dma_start3A_124 : memref<128xi32, #tpu.memory_space<vmem>>) semaphore(%run_scoped3A : memref<!tpu.dma_semaphore, #tpu.memory_space<semaphore_mem>>) {add = true}
          %dma_wait3A_128 = arith.constant 0 : i32
          %dma_wait3A_129 = tpu.memref_slice %arg5[%add3A_121, %dma_wait3A_128] : memref<48x128xi32, #tpu.memory_space<vmem>> -> memref<1x128xi32, #tpu.memory_space<vmem>>
          %dma_wait3A_130 = tpu.memref_squeeze %dma_wait3A_129 : memref<1x128xi32, #tpu.memory_space<vmem>> -> memref<128xi32, #tpu.memory_space<vmem>>
          %dma_wait3A_131 = arith.constant 0 : i32
          %dma_wait3A_132 = arith.constant 0 : i32
          %dma_wait3A_133 = tpu.memref_slice %arg8[%dma_wait3A_131, %dma_wait3A_132] : memref<10240x128xf32, #tpu.memory_space<vmem_shared>> -> memref<10240x128xf32, #tpu.memory_space<vmem_shared>>
          tpu.wait_indirect_dma semaphore(%run_scoped3A : memref<!tpu.dma_semaphore, #tpu.memory_space<semaphore_mem>>) src(%arg7 : memref<128x128xf32, #tpu.memory_space<vmem>>) dst(%dma_wait3A_133 : memref<10240x128xf32, #tpu.memory_space<vmem_shared>>)
          tpu.yield
        }) : () -> ()
      } else {
      }
    }
    %barrier3A_82 = arith.constant 0 : index
    tpu.barrier barrier_id(%barrier3A_82)
    %mul3A_83 = arith.constant 640 : i32
    %mul3A_84 = arith.muli %arg1, %mul3A_83 : i32
    %mul3A_85 = arith.constant 640 : i32
    %mul3A_86 = arith.muli %arg1, %mul3A_85 : i32
    "tpu.region"() ({
      %run_scoped3A = tpu.sem_alloc : memref<!tpu.dma_semaphore, #tpu.memory_space<semaphore_mem>>
      %dma_start3A_87 = arith.constant 0 : i32
      %dma_start3A_88 = tpu.memref_slice %arg4[%arg0, %mul3A_86, %dma_start3A_87] : memref<2x10240x128xf32, #tpu.memory_space<hbm>> -> memref<1x640x128xf32, #tpu.memory_space<hbm>>
      %dma_start3A_89 = tpu.memref_squeeze %dma_start3A_88 : memref<1x640x128xf32, #tpu.memory_space<hbm>> -> memref<640x128xf32, #tpu.memory_space<hbm>>
      %dma_start3A_90 = arith.constant 0 : i32
      %dma_start3A_91 = tpu.memref_slice %arg8[%mul3A_84, %dma_start3A_90] : memref<10240x128xf32, #tpu.memory_space<vmem_shared>> -> memref<640x128xf32, #tpu.memory_space<vmem_shared>>
      tpu.enqueue_dma source(%dma_start3A_91 : memref<640x128xf32, #tpu.memory_space<vmem_shared>>) target(%dma_start3A_89 : memref<640x128xf32, #tpu.memory_space<hbm>>) target_semaphore(%run_scoped3A : memref<!tpu.dma_semaphore, #tpu.memory_space<semaphore_mem>>)
      %dma_wait3A = arith.constant 0 : i32
      %dma_wait3A_92 = tpu.memref_slice %arg4[%arg0, %mul3A_86, %dma_wait3A] : memref<2x10240x128xf32, #tpu.memory_space<hbm>> -> memref<1x640x128xf32, #tpu.memory_space<hbm>>
      %dma_wait3A_93 = tpu.memref_squeeze %dma_wait3A_92 : memref<1x640x128xf32, #tpu.memory_space<hbm>> -> memref<640x128xf32, #tpu.memory_space<hbm>>
      %dma_wait3A_94 = arith.constant 0 : i32
      %dma_wait3A_95 = tpu.memref_slice %arg8[%mul3A_84, %dma_wait3A_94] : memref<10240x128xf32, #tpu.memory_space<vmem_shared>> -> memref<640x128xf32, #tpu.memory_space<vmem_shared>>
      tpu.wait_dma2 semaphore(%run_scoped3A : memref<!tpu.dma_semaphore, #tpu.memory_space<semaphore_mem>>) src(%dma_wait3A_95 : memref<640x128xf32, #tpu.memory_space<vmem_shared>>) dst(%dma_wait3A_93 : memref<640x128xf32, #tpu.memory_space<hbm>>)
      tpu.yield
    }) : () -> ()
    return
  }
}

module attributes {stable_mosaic.version = 14 : i64} {
  func.func @_combine_body(%arg0: i32, %arg1: memref<8000x128xf32, #tpu.memory_space<vmem>>, %arg2: memref<8000x128xf32, #tpu.memory_space<vmem>>, %arg3: memref<8000x128xf32, #tpu.memory_space<vmem>>, %arg4: memref<128x128xf32, #tpu.memory_space<vmem>>, %arg5: memref<1x128xf32, #tpu.memory_space<vmem>>, %arg6: memref<8000x128xf32, #tpu.memory_space<vmem>>) attributes {dimension_semantics = [#tpu.dimension_semantics<arbitrary>], iteration_bounds = array<i64: 20>, scalar_prefetch = 0 : i64, scratch_operands = 0 : i64, tpu.core_type = #tpu.core_type<tc>, window_params = [{transform_indices = @transform_0, window_bounds = array<i64: 8000, 128>}, {transform_indices = @transform_1, window_bounds = array<i64: 8000, 128>}, {transform_indices = @transform_2, window_bounds = array<i64: 8000, 128>}, {pipeline_mode = #tpu.pipeline_mode<synchronous>, transform_indices = @transform_3, window_bounds = array<i64: 128, 128>}, {pipeline_mode = #tpu.pipeline_mode<synchronous>, transform_indices = @transform_4, window_bounds = array<i64: 1, 128>}, {transform_indices = @transform_5, window_bounds = array<i64: 8000, 128>}]} {
    %get3A = arith.constant 0 : index
    %get3A_0 = arith.constant 0 : index
    %get3A_1 = vector.load %arg1[%get3A, %get3A_0] : memref<8000x128xf32, #tpu.memory_space<vmem>>, vector<8000x128xf32>
    %get3A_2 = arith.constant 0 : index
    %get3A_3 = arith.constant 0 : index
    %get3A_4 = vector.load %arg4[%get3A_2, %get3A_3] : memref<128x128xf32, #tpu.memory_space<vmem>>, vector<128x128xf32>
    %dot_general3A = arith.constant dense<0.000000e+00> : vector<8000x128xf32>
    %dot_general3A_5 = tpu.matmul %get3A_1, %get3A_4, %dot_general3A {dimension_numbers = #tpu.dot_dimension_numbers<[1], [0], [0], [1], [0, 0, 1, 1], [], []>, transpose_lhs_hint = false} : vector<8000x128xf32>, vector<128x128xf32>, vector<8000x128xf32> -> vector<8000x128xf32>
    %get3A_6 = arith.constant 0 : index
    %get3A_7 = arith.constant 0 : index
    %get3A_8 = vector.load %arg2[%get3A_6, %get3A_7] : memref<8000x128xf32, #tpu.memory_space<vmem>>, vector<8000x128xf32>
    %add3A = arith.addf %dot_general3A_5, %get3A_8 : vector<8000x128xf32>
    %get3A_9 = arith.constant 0 : index
    %get3A_10 = arith.constant 0 : index
    %get3A_11 = vector.load %arg5[%get3A_9, %get3A_10] : memref<1x128xf32, #tpu.memory_space<vmem>>, vector<1x128xf32>
    %add3A_12 = vector.broadcast %get3A_11 : vector<1x128xf32> to vector<8000x128xf32>
    %add3A_13 = arith.addf %add3A, %add3A_12 : vector<8000x128xf32>
    %mul3A = arith.constant 5.000000e-01 : f32
    %mul3A_14 = vector.broadcast %mul3A : f32 to vector<8000x128xf32>
    %mul3A_15 = arith.mulf %mul3A_14, %add3A_13 : vector<8000x128xf32>
    %mul3A_16 = arith.constant 0.707106769 : f32
    %mul3A_17 = vector.broadcast %mul3A_16 : f32 to vector<8000x128xf32>
    %mul3A_18 = arith.mulf %add3A_13, %mul3A_17 : vector<8000x128xf32>
    %erf3A = math.erf %mul3A_18 : vector<8000x128xf32>
    %add3A_19 = arith.constant 1.000000e+00 : f32
    %add3A_20 = vector.broadcast %add3A_19 : f32 to vector<8000x128xf32>
    %add3A_21 = arith.addf %add3A_20, %erf3A : vector<8000x128xf32>
    %mul3A_22 = arith.mulf %mul3A_15, %add3A_21 : vector<8000x128xf32>
    %get3A_23 = arith.constant 0 : index
    %get3A_24 = arith.constant 0 : index
    %get3A_25 = vector.load %arg3[%get3A_23, %get3A_24] : memref<8000x128xf32, #tpu.memory_space<vmem>>, vector<8000x128xf32>
    %mul3A_26 = arith.mulf %mul3A_22, %get3A_25 : vector<8000x128xf32>
    %swap3A = arith.constant 0 : index
    %swap3A_27 = arith.constant 0 : index
    %swap3A_28 = vector.load %arg6[%swap3A, %swap3A_27] : memref<8000x128xf32, #tpu.memory_space<vmem>>, vector<8000x128xf32>
    tpu.vector_store %arg6[%swap3A, %swap3A_27], %mul3A_26 {strides = array<i32>} : memref<8000x128xf32, #tpu.memory_space<vmem>>, vector<8000x128xf32>,
    return
  }
  func.func @transform_0(%arg0: i32) -> (i32, i32) {
    %add3A = arith.constant 20 : i32
    %add3A_0 = arith.addi %add3A, %arg0 : i32
    %c0_i32 = arith.constant 0 : i32
    %c0_i32_1 = arith.constant 0 : i32
    return %add3A_0, %c0_i32 : i32, i32
  }
  func.func @transform_1(%arg0: i32) -> (i32, i32) {
    %c0_i32 = arith.constant 0 : i32
    %c0_i32_0 = arith.constant 0 : i32
    return %arg0, %c0_i32 : i32, i32
  }
  func.func @transform_2(%arg0: i32) -> (i32, i32) {
    %add3A = arith.constant 20 : i32
    %add3A_0 = arith.addi %add3A, %arg0 : i32
    %c0_i32 = arith.constant 0 : i32
    %c0_i32_1 = arith.constant 0 : i32
    return %add3A_0, %c0_i32 : i32, i32
  }
  func.func @transform_3(%arg0: i32) -> (i32, i32) {
    %c0_i32 = arith.constant 0 : i32
    %c0_i32_0 = arith.constant 0 : i32
    %c0_i32_1 = arith.constant 0 : i32
    return %c0_i32, %c0_i32_0 : i32, i32
  }
  func.func @transform_4(%arg0: i32) -> (i32, i32) {
    %c0_i32 = arith.constant 0 : i32
    %c0_i32_0 = arith.constant 0 : i32
    %c0_i32_1 = arith.constant 0 : i32
    return %c0_i32, %c0_i32_0 : i32, i32
  }
  func.func @transform_5(%arg0: i32) -> (i32, i32) {
    %c0_i32 = arith.constant 0 : i32
    %c0_i32_0 = arith.constant 0 : i32
    return %arg0, %c0_i32 : i32, i32
  }
}

module attributes {stable_mosaic.version = 14 : i64} {
  func.func @_xw_body(%arg0: memref<10000x128xf32, #tpu.memory_space<vmem>>, %arg1: memref<128x128xf32, #tpu.memory_space<vmem>>, %arg2: memref<10000x128xf32, #tpu.memory_space<vmem>>) attributes {dimension_semantics = [], scalar_prefetch = 0 : i64, scratch_operands = 0 : i64, tpu.core_type = #tpu.core_type<tc>} {
    %get3A = arith.constant 0 : index
    %get3A_0 = arith.constant 0 : index
    %get3A_1 = vector.load %arg0[%get3A, %get3A_0] : memref<10000x128xf32, #tpu.memory_space<vmem>>, vector<10000x128xf32>
    %get3A_2 = arith.constant 0 : index
    %get3A_3 = arith.constant 0 : index
    %get3A_4 = vector.load %arg1[%get3A_2, %get3A_3] : memref<128x128xf32, #tpu.memory_space<vmem>>, vector<128x128xf32>
    %dot_general3A = arith.constant dense<0.000000e+00> : vector<10000x128xf32>
    %dot_general3A_5 = tpu.matmul %get3A_1, %get3A_4, %dot_general3A {dimension_numbers = #tpu.dot_dimension_numbers<[1], [0], [0], [1], [0, 0, 1, 1], [], []>, transpose_lhs_hint = false} : vector<10000x128xf32>, vector<128x128xf32>, vector<10000x128xf32> -> vector<10000x128xf32>
    %swap3A = arith.constant 0 : index
    %swap3A_6 = arith.constant 0 : index
    %swap3A_7 = vector.load %arg2[%swap3A, %swap3A_6] : memref<10000x128xf32, #tpu.memory_space<vmem>>, vector<10000x128xf32>
    tpu.vector_store %arg2[%swap3A, %swap3A_6], %dot_general3A_5 {strides = array<i32>} : memref<10000x128xf32, #tpu.memory_space<vmem>>, vector<10000x128xf32>,
    return
  }
}

module attributes {stable_mosaic.version = 14 : i64} {
  func.func @_combine_body(%arg0: i32, %arg1: memref<8000x128xf32, #tpu.memory_space<vmem>>, %arg2: memref<8000x128xf32, #tpu.memory_space<vmem>>, %arg3: memref<8000x128xf32, #tpu.memory_space<vmem>>, %arg4: memref<128x128xf32, #tpu.memory_space<vmem>>, %arg5: memref<1x128xf32, #tpu.memory_space<vmem>>, %arg6: memref<8000x128xf32, #tpu.memory_space<vmem>>) attributes {dimension_semantics = [#tpu.dimension_semantics<arbitrary>], iteration_bounds = array<i64: 20>, scalar_prefetch = 0 : i64, scratch_operands = 0 : i64, tpu.core_type = #tpu.core_type<tc>, window_params = [{transform_indices = @transform_0, window_bounds = array<i64: 8000, 128>}, {transform_indices = @transform_1, window_bounds = array<i64: 8000, 128>}, {transform_indices = @transform_2, window_bounds = array<i64: 8000, 128>}, {pipeline_mode = #tpu.pipeline_mode<synchronous>, transform_indices = @transform_3, window_bounds = array<i64: 128, 128>}, {pipeline_mode = #tpu.pipeline_mode<synchronous>, transform_indices = @transform_4, window_bounds = array<i64: 1, 128>}, {transform_indices = @transform_5, window_bounds = array<i64: 8000, 128>}]} {
    %get3A = arith.constant 0 : index
    %get3A_0 = arith.constant 0 : index
    %get3A_1 = vector.load %arg1[%get3A, %get3A_0] : memref<8000x128xf32, #tpu.memory_space<vmem>>, vector<8000x128xf32>
    %get3A_2 = arith.constant 0 : index
    %get3A_3 = arith.constant 0 : index
    %get3A_4 = vector.load %arg4[%get3A_2, %get3A_3] : memref<128x128xf32, #tpu.memory_space<vmem>>, vector<128x128xf32>
    %dot_general3A = arith.constant dense<0.000000e+00> : vector<8000x128xf32>
    %dot_general3A_5 = tpu.matmul %get3A_1, %get3A_4, %dot_general3A {dimension_numbers = #tpu.dot_dimension_numbers<[1], [0], [0], [1], [0, 0, 1, 1], [], []>, transpose_lhs_hint = false} : vector<8000x128xf32>, vector<128x128xf32>, vector<8000x128xf32> -> vector<8000x128xf32>
    %get3A_6 = arith.constant 0 : index
    %get3A_7 = arith.constant 0 : index
    %get3A_8 = vector.load %arg2[%get3A_6, %get3A_7] : memref<8000x128xf32, #tpu.memory_space<vmem>>, vector<8000x128xf32>
    %add3A = arith.addf %dot_general3A_5, %get3A_8 : vector<8000x128xf32>
    %get3A_9 = arith.constant 0 : index
    %get3A_10 = arith.constant 0 : index
    %get3A_11 = vector.load %arg5[%get3A_9, %get3A_10] : memref<1x128xf32, #tpu.memory_space<vmem>>, vector<1x128xf32>
    %add3A_12 = vector.broadcast %get3A_11 : vector<1x128xf32> to vector<8000x128xf32>
    %add3A_13 = arith.addf %add3A, %add3A_12 : vector<8000x128xf32>
    %mul3A = arith.constant 5.000000e-01 : f32
    %mul3A_14 = vector.broadcast %mul3A : f32 to vector<8000x128xf32>
    %mul3A_15 = arith.mulf %mul3A_14, %add3A_13 : vector<8000x128xf32>
    %mul3A_16 = arith.constant 0.707106769 : f32
    %mul3A_17 = vector.broadcast %mul3A_16 : f32 to vector<8000x128xf32>
    %mul3A_18 = arith.mulf %add3A_13, %mul3A_17 : vector<8000x128xf32>
    %erf3A = math.erf %mul3A_18 : vector<8000x128xf32>
    %add3A_19 = arith.constant 1.000000e+00 : f32
    %add3A_20 = vector.broadcast %add3A_19 : f32 to vector<8000x128xf32>
    %add3A_21 = arith.addf %add3A_20, %erf3A : vector<8000x128xf32>
    %mul3A_22 = arith.mulf %mul3A_15, %add3A_21 : vector<8000x128xf32>
    %get3A_23 = arith.constant 0 : index
    %get3A_24 = arith.constant 0 : index
    %get3A_25 = vector.load %arg3[%get3A_23, %get3A_24] : memref<8000x128xf32, #tpu.memory_space<vmem>>, vector<8000x128xf32>
    %mul3A_26 = arith.mulf %mul3A_22, %get3A_25 : vector<8000x128xf32>
    %swap3A = arith.constant 0 : index
    %swap3A_27 = arith.constant 0 : index
    %swap3A_28 = vector.load %arg6[%swap3A, %swap3A_27] : memref<8000x128xf32, #tpu.memory_space<vmem>>, vector<8000x128xf32>
    tpu.vector_store %arg6[%swap3A, %swap3A_27], %mul3A_26 {strides = array<i32>} : memref<8000x128xf32, #tpu.memory_space<vmem>>, vector<8000x128xf32>,
    return
  }
  func.func @transform_0(%arg0: i32) -> (i32, i32) {
    %add3A = arith.constant 0 : i32
    %add3A_0 = arith.addi %add3A, %arg0 : i32
    %c0_i32 = arith.constant 0 : i32
    %c0_i32_1 = arith.constant 0 : i32
    return %add3A_0, %c0_i32 : i32, i32
  }
  func.func @transform_1(%arg0: i32) -> (i32, i32) {
    %c0_i32 = arith.constant 0 : i32
    %c0_i32_0 = arith.constant 0 : i32
    return %arg0, %c0_i32 : i32, i32
  }
  func.func @transform_2(%arg0: i32) -> (i32, i32) {
    %add3A = arith.constant 0 : i32
    %add3A_0 = arith.addi %add3A, %arg0 : i32
    %c0_i32 = arith.constant 0 : i32
    %c0_i32_1 = arith.constant 0 : i32
    return %add3A_0, %c0_i32 : i32, i32
  }
  func.func @transform_3(%arg0: i32) -> (i32, i32) {
    %c0_i32 = arith.constant 0 : i32
    %c0_i32_0 = arith.constant 0 : i32
    %c0_i32_1 = arith.constant 0 : i32
    return %c0_i32, %c0_i32_0 : i32, i32
  }
  func.func @transform_4(%arg0: i32) -> (i32, i32) {
    %c0_i32 = arith.constant 0 : i32
    %c0_i32_0 = arith.constant 0 : i32
    %c0_i32_1 = arith.constant 0 : i32
    return %c0_i32, %c0_i32_0 : i32, i32
  }
  func.func @transform_5(%arg0: i32) -> (i32, i32) {
    %c0_i32 = arith.constant 0 : i32
    %c0_i32_0 = arith.constant 0 : i32
    return %arg0, %c0_i32 : i32, i32
  }
}

module attributes {stable_mosaic.version = 14 : i64} {
  func.func @_ffn_body(%arg0: memref<10000x128xf32, #tpu.memory_space<vmem>>, %arg1: memref<2x10240x128xf32, #tpu.memory_space<vmem>>, %arg2: memref<2x10240x128xf32, #tpu.memory_space<vmem>>, %arg3: memref<128x128xf32, #tpu.memory_space<vmem>>, %arg4: memref<1x128xf32, #tpu.memory_space<vmem>>, %arg5: memref<1x128xf32, #tpu.memory_space<vmem>>, %arg6: memref<1x128xf32, #tpu.memory_space<vmem>>, %arg7: memref<128x128xf32, #tpu.memory_space<vmem>>, %arg8: memref<1x128xf32, #tpu.memory_space<vmem>>, %arg9: memref<1x128xf32, #tpu.memory_space<vmem>>, %arg10: memref<1x128xf32, #tpu.memory_space<vmem>>, %arg11: memref<10000x128xf32, #tpu.memory_space<vmem>>) attributes {dimension_semantics = [], scalar_prefetch = 0 : i64, scratch_operands = 0 : i64, tpu.core_type = #tpu.core_type<tc>} {
    %get3A = arith.constant 0 : index
    %get3A_0 = arith.constant 0 : index
    %get3A_1 = arith.constant 0 : index
    %get3A_2 = vector.load %arg1[%get3A, %get3A_0, %get3A_1] : memref<2x10240x128xf32, #tpu.memory_space<vmem>>, vector<1x10000x128xf32>
    %get3A_3 = vector.shape_cast %get3A_2 : vector<1x10000x128xf32> to vector<10000x128xf32>
    %get3A_4 = arith.constant 1 : index
    %get3A_5 = arith.constant 0 : index
    %get3A_6 = arith.constant 0 : index
    %get3A_7 = vector.load %arg1[%get3A_4, %get3A_5, %get3A_6] : memref<2x10240x128xf32, #tpu.memory_space<vmem>>, vector<1x10000x128xf32>
    %get3A_8 = vector.shape_cast %get3A_7 : vector<1x10000x128xf32> to vector<10000x128xf32>
    %add3A = arith.addf %get3A_3, %get3A_8 : vector<10000x128xf32>
    %get3A_9 = arith.constant 0 : index
    %get3A_10 = arith.constant 0 : index
    %get3A_11 = arith.constant 0 : index
    %get3A_12 = vector.load %arg2[%get3A_9, %get3A_10, %get3A_11] : memref<2x10240x128xf32, #tpu.memory_space<vmem>>, vector<1x10000x128xf32>
    %get3A_13 = vector.shape_cast %get3A_12 : vector<1x10000x128xf32> to vector<10000x128xf32>
    %get3A_14 = arith.constant 1 : index
    %get3A_15 = arith.constant 0 : index
    %get3A_16 = arith.constant 0 : index
    %get3A_17 = vector.load %arg2[%get3A_14, %get3A_15, %get3A_16] : memref<2x10240x128xf32, #tpu.memory_space<vmem>>, vector<1x10000x128xf32>
    %get3A_18 = vector.shape_cast %get3A_17 : vector<1x10000x128xf32> to vector<10000x128xf32>
    %add3A_19 = arith.addf %get3A_13, %get3A_18 : vector<10000x128xf32>
    %add3A_20 = arith.addf %add3A, %add3A_19 : vector<10000x128xf32>
    %get3A_21 = arith.constant 0 : index
    %get3A_22 = arith.constant 0 : index
    %get3A_23 = vector.load %arg0[%get3A_21, %get3A_22] : memref<10000x128xf32, #tpu.memory_space<vmem>>, vector<10000x128xf32>
    %add3A_24 = arith.addf %get3A_23, %add3A_20 : vector<10000x128xf32>
    %get3A_25 = arith.constant 0 : index
    %get3A_26 = arith.constant 0 : index
    %get3A_27 = vector.load %arg3[%get3A_25, %get3A_26] : memref<128x128xf32, #tpu.memory_space<vmem>>, vector<128x128xf32>
    %dot_general3A = arith.constant dense<0.000000e+00> : vector<10000x128xf32>
    %dot_general3A_28 = tpu.matmul %add3A_24, %get3A_27, %dot_general3A {dimension_numbers = #tpu.dot_dimension_numbers<[1], [0], [0], [1], [0, 0, 1, 1], [], []>, transpose_lhs_hint = false} : vector<10000x128xf32>, vector<128x128xf32>, vector<10000x128xf32> -> vector<10000x128xf32>
    %get3A_29 = arith.constant 0 : index
    %get3A_30 = arith.constant 0 : index
    %get3A_31 = vector.load %arg4[%get3A_29, %get3A_30] : memref<1x128xf32, #tpu.memory_space<vmem>>, vector<1x128xf32>
    %add3A_32 = vector.broadcast %get3A_31 : vector<1x128xf32> to vector<10000x128xf32>
    %add3A_33 = arith.addf %dot_general3A_28, %add3A_32 : vector<10000x128xf32>
    %reduce_sum3A = arith.constant dense<0.000000e+00> : vector<128xf32>
    %reduce_sum3A_34 = vector.multi_reduction <add>, %add3A_33, %reduce_sum3A [0] : vector<10000x128xf32> to vector<128xf32>
    %broadcast_in_dim3A = vector.shape_cast %reduce_sum3A_34 : vector<128xf32> to vector<1x128xf32>
    %div3A = arith.constant 1.000000e+04 : f32
    %div3A_35 = vector.broadcast %div3A : f32 to vector<1x128xf32>
    %div3A_36 = arith.divf %broadcast_in_dim3A, %div3A_35 : vector<1x128xf32>
    %sub3A = vector.broadcast %div3A_36 : vector<1x128xf32> to vector<10000x128xf32>
    %sub3A_37 = arith.subf %add3A_33, %sub3A : vector<10000x128xf32>
    %integer_pow3A = arith.mulf %sub3A_37, %sub3A_37 : vector<10000x128xf32>
    %reduce_sum3A_38 = arith.constant dense<0.000000e+00> : vector<128xf32>
    %reduce_sum3A_39 = vector.multi_reduction <add>, %integer_pow3A, %reduce_sum3A_38 [0] : vector<10000x128xf32> to vector<128xf32>
    %broadcast_in_dim3A_40 = vector.shape_cast %reduce_sum3A_39 : vector<128xf32> to vector<1x128xf32>
    %div3A_41 = arith.constant 1.000000e+04 : f32
    %div3A_42 = vector.broadcast %div3A_41 : f32 to vector<1x128xf32>
    %div3A_43 = arith.divf %broadcast_in_dim3A_40, %div3A_42 : vector<1x128xf32>
    %sub3A_44 = vector.broadcast %div3A_36 : vector<1x128xf32> to vector<10000x128xf32>
    %sub3A_45 = arith.subf %add3A_33, %sub3A_44 : vector<10000x128xf32>
    %add3A_46 = arith.constant 9.99999974E-6 : f32
    %add3A_47 = vector.broadcast %add3A_46 : f32 to vector<1x128xf32>
    %add3A_48 = arith.addf %div3A_43, %add3A_47 : vector<1x128xf32>
    %sqrt3A = math.sqrt %add3A_48 : vector<1x128xf32>
    %div3A_49 = vector.broadcast %sqrt3A : vector<1x128xf32> to vector<10000x128xf32>
    %div3A_50 = arith.divf %sub3A_45, %div3A_49 : vector<10000x128xf32>
    %get3A_51 = arith.constant 0 : index
    %get3A_52 = arith.constant 0 : index
    %get3A_53 = vector.load %arg5[%get3A_51, %get3A_52] : memref<1x128xf32, #tpu.memory_space<vmem>>, vector<1x128xf32>
    %mul3A = vector.broadcast %get3A_53 : vector<1x128xf32> to vector<10000x128xf32>
    %mul3A_54 = arith.mulf %div3A_50, %mul3A : vector<10000x128xf32>
    %get3A_55 = arith.constant 0 : index
    %get3A_56 = arith.constant 0 : index
    %get3A_57 = vector.load %arg6[%get3A_55, %get3A_56] : memref<1x128xf32, #tpu.memory_space<vmem>>, vector<1x128xf32>
    %add3A_58 = vector.broadcast %get3A_57 : vector<1x128xf32> to vector<10000x128xf32>
    %add3A_59 = arith.addf %mul3A_54, %add3A_58 : vector<10000x128xf32>
    %mul3A_60 = arith.constant 5.000000e-01 : f32
    %mul3A_61 = vector.broadcast %mul3A_60 : f32 to vector<10000x128xf32>
    %mul3A_62 = arith.mulf %mul3A_61, %add3A_59 : vector<10000x128xf32>
    %mul3A_63 = arith.constant 0.707106769 : f32
    %mul3A_64 = vector.broadcast %mul3A_63 : f32 to vector<10000x128xf32>
    %mul3A_65 = arith.mulf %add3A_59, %mul3A_64 : vector<10000x128xf32>
    %erf3A = math.erf %mul3A_65 : vector<10000x128xf32>
    %add3A_66 = arith.constant 1.000000e+00 : f32
    %add3A_67 = vector.broadcast %add3A_66 : f32 to vector<10000x128xf32>
    %add3A_68 = arith.addf %add3A_67, %erf3A : vector<10000x128xf32>
    %mul3A_69 = arith.mulf %mul3A_62, %add3A_68 : vector<10000x128xf32>
    %get3A_70 = arith.constant 0 : index
    %get3A_71 = arith.constant 0 : index
    %get3A_72 = vector.load %arg7[%get3A_70, %get3A_71] : memref<128x128xf32, #tpu.memory_space<vmem>>, vector<128x128xf32>
    %dot_general3A_73 = arith.constant dense<0.000000e+00> : vector<10000x128xf32>
    %dot_general3A_74 = tpu.matmul %mul3A_69, %get3A_72, %dot_general3A_73 {dimension_numbers = #tpu.dot_dimension_numbers<[1], [0], [0], [1], [0, 0, 1, 1], [], []>, transpose_lhs_hint = false} : vector<10000x128xf32>, vector<128x128xf32>, vector<10000x128xf32> -> vector<10000x128xf32>
    %get3A_75 = arith.constant 0 : index
    %get3A_76 = arith.constant 0 : index
    %get3A_77 = vector.load %arg8[%get3A_75, %get3A_76] : memref<1x128xf32, #tpu.memory_space<vmem>>, vector<1x128xf32>
    %add3A_78 = vector.broadcast %get3A_77 : vector<1x128xf32> to vector<10000x128xf32>
    %add3A_79 = arith.addf %dot_general3A_74, %add3A_78 : vector<10000x128xf32>
    %reduce_sum3A_80 = arith.constant dense<0.000000e+00> : vector<128xf32>
    %reduce_sum3A_81 = vector.multi_reduction <add>, %add3A_79, %reduce_sum3A_80 [0] : vector<10000x128xf32> to vector<128xf32>
    %broadcast_in_dim3A_82 = vector.shape_cast %reduce_sum3A_81 : vector<128xf32> to vector<1x128xf32>
    %div3A_83 = arith.constant 1.000000e+04 : f32
    %div3A_84 = vector.broadcast %div3A_83 : f32 to vector<1x128xf32>
    %div3A_85 = arith.divf %broadcast_in_dim3A_82, %div3A_84 : vector<1x128xf32>
    %sub3A_86 = vector.broadcast %div3A_85 : vector<1x128xf32> to vector<10000x128xf32>
    %sub3A_87 = arith.subf %add3A_79, %sub3A_86 : vector<10000x128xf32>
    %integer_pow3A_88 = arith.mulf %sub3A_87, %sub3A_87 : vector<10000x128xf32>
    %reduce_sum3A_89 = arith.constant dense<0.000000e+00> : vector<128xf32>
    %reduce_sum3A_90 = vector.multi_reduction <add>, %integer_pow3A_88, %reduce_sum3A_89 [0] : vector<10000x128xf32> to vector<128xf32>
    %broadcast_in_dim3A_91 = vector.shape_cast %reduce_sum3A_90 : vector<128xf32> to vector<1x128xf32>
    %div3A_92 = arith.constant 1.000000e+04 : f32
    %div3A_93 = vector.broadcast %div3A_92 : f32 to vector<1x128xf32>
    %div3A_94 = arith.divf %broadcast_in_dim3A_91, %div3A_93 : vector<1x128xf32>
    %sub3A_95 = vector.broadcast %div3A_85 : vector<1x128xf32> to vector<10000x128xf32>
    %sub3A_96 = arith.subf %add3A_79, %sub3A_95 : vector<10000x128xf32>
    %add3A_97 = arith.constant 9.99999974E-6 : f32
    %add3A_98 = vector.broadcast %add3A_97 : f32 to vector<1x128xf32>
    %add3A_99 = arith.addf %div3A_94, %add3A_98 : vector<1x128xf32>
    %sqrt3A_100 = math.sqrt %add3A_99 : vector<1x128xf32>
    %div3A_101 = vector.broadcast %sqrt3A_100 : vector<1x128xf32> to vector<10000x128xf32>
    %div3A_102 = arith.divf %sub3A_96, %div3A_101 : vector<10000x128xf32>
    %get3A_103 = arith.constant 0 : index
    %get3A_104 = arith.constant 0 : index
    %get3A_105 = vector.load %arg9[%get3A_103, %get3A_104] : memref<1x128xf32, #tpu.memory_space<vmem>>, vector<1x128xf32>
    %mul3A_106 = vector.broadcast %get3A_105 : vector<1x128xf32> to vector<10000x128xf32>
    %mul3A_107 = arith.mulf %div3A_102, %mul3A_106 : vector<10000x128xf32>
    %get3A_108 = arith.constant 0 : index
    %get3A_109 = arith.constant 0 : index
    %get3A_110 = vector.load %arg10[%get3A_108, %get3A_109] : memref<1x128xf32, #tpu.memory_space<vmem>>, vector<1x128xf32>
    %add3A_111 = vector.broadcast %get3A_110 : vector<1x128xf32> to vector<10000x128xf32>
    %add3A_112 = arith.addf %mul3A_107, %add3A_111 : vector<10000x128xf32>
    %mul3A_113 = arith.constant 5.000000e-01 : f32
    %mul3A_114 = vector.broadcast %mul3A_113 : f32 to vector<10000x128xf32>
    %mul3A_115 = arith.mulf %mul3A_114, %add3A_112 : vector<10000x128xf32>
    %mul3A_116 = arith.constant 0.707106769 : f32
    %mul3A_117 = vector.broadcast %mul3A_116 : f32 to vector<10000x128xf32>
    %mul3A_118 = arith.mulf %add3A_112, %mul3A_117 : vector<10000x128xf32>
    %erf3A_119 = math.erf %mul3A_118 : vector<10000x128xf32>
    %add3A_120 = arith.constant 1.000000e+00 : f32
    %add3A_121 = vector.broadcast %add3A_120 : f32 to vector<10000x128xf32>
    %add3A_122 = arith.addf %add3A_121, %erf3A_119 : vector<10000x128xf32>
    %mul3A_123 = arith.mulf %mul3A_115, %add3A_122 : vector<10000x128xf32>
    %add3A_124 = arith.addf %add3A_24, %mul3A_123 : vector<10000x128xf32>
    %swap3A = arith.constant 0 : index
    %swap3A_125 = arith.constant 0 : index
    %swap3A_126 = vector.load %arg11[%swap3A, %swap3A_125] : memref<10000x128xf32, #tpu.memory_space<vmem>>, vector<10000x128xf32>
    tpu.vector_store %arg11[%swap3A, %swap3A_125], %add3A_124 {strides = array<i32>} : memref<10000x128xf32, #tpu.memory_space<vmem>>, vector<10000x128xf32>,
    return
  }
}

</mosaic_0001>

<sc_bundles>
// kernel: edge_gather_s0.3.cloned.1.call-start
scs
__scs_entry_jumppad:
0x0: {  	(pc) =	sbr.rel $0x88, $3  }
0x1: {  	(tag) =	ssettag $0x0;
	lr =	simm.s32 $0x1  }
0x2: {  	[smem:$0x3F93] =	sst lr;
	_ =	strace $0xD0000000  }
0x3: {  	_ = 	snop  }
0x4: {  	_ = 	snop  }
0x5: {  	_ = 	snop  }
0x6: {  	_ = 	snop  }
0x7: {  	_ = 	snop  }
__scs_overlays_trampoline_lowered:
0x8: {  	[smem:$0x3FA2] =	sst s0  }
0x9: {  	[smem:$0x3FA3] =	sst s1  }
0xa: {  	[smem:$0x3FA4] =	sst s2  }
0xb: {  	[smem:$0x3FA5] =	sst s3  }
0xc: {  	[smem:$0x3FA6] =	sst s4  }
0xd: {  	[smem:$0x3FA7] =	sst s5  }
0xe: {  	[smem:$0x3FA8] =	sst s6  }
0xf: {  	[smem:$0x3FA9] =	sst s7  }
0x10: {  	[smem:$0x3FAA] =	sst s8  }
0x11: {  	[smem:$0x3FAB] =	sst s9;
	s0 =	simm.s32 @!p0 $0x0  }
0x12: {  	s1 =	sld [smem:$0x3F91];
	s0 =	simm.s32 @p0 $0x1  }
0x13: {  	[smem:$0x3FAC] =	sst s0;
	s0 =	simm.s32 @!p1 $0x0  }
0x14: {  	s2 =	sld [smem:$0x3F90];
	s0 =	simm.s32 @p1 $0x1  }
0x15: {  	[smem:$0x3FAD] =	sst s0;
	s0 =	simm.s32 @!p2 $0x0  }
0x16: {  	s3 =	sld [smem:$0x3FDB];
	s0 =	simm.s32 @p2 $0x1  }
0x17: {  	s4 =	simm.s32 $0x1BF5;
	[smem:$0x3FAF] =	sst s0  }
0x18: {  	s0 =	sld [smem:$0x3F92];
	_ =	swait.ge [sflag:s4], $0x0  }
0x19: {  	s7 =	sld [smem:$0x3F93]  }
0x1a: {  	s8 =	sadd.s32 $0xFFFFE003, lr  }
0x1b: {  	s9 =	sadd.s32 $0xFFFFFEF7, lr;
	s5 =	simm.s32 $0xFFFFFFFF;
	p2 =	slt.u32 s8, $0xFFFFF086  }
0x1c: {  	p1 =	slt.u32 s9, $0xF7A;
	s5 =	simm.s32 @!p2 $0x0  }
0x1d: {  	s5 =	simm.s32 @p1 $0x1;
	p0 =	seq.s32 s7, s2  }
0x1e: {  	s7 =	smul.u32 @!p0 $0xF7A, s2;
	p2 =	seq.s32 @!p0 s5, $0x0  }
0x1f: {  	s9 =	smul.u32 $0xF7A, s1;
	s8 =	simm.s32 @!p0 $0x1BF5;
	p2 =	por !p2, p0  }
0x20: {  	[sflag:s8] =	ssyncset.s32 @!p0 $0xFFFFF086;
	s6 =	sadd.s32 @!p0 s3, s7;
	s7 =	simm.s32 @!p0 $0x108  }
0x21: {  	s3 =	sadd.s32 s3, s9;
	s6 =	sadd.s32 @!p0 $0x88, s6;
	s7 =	simm.s32 @p2 $0x1082  }
0x22: {  	[simem:s7], [sflag:s8] =	dma.local @!p0 [hbm:s6], $0xF7A  }
0x23: {  	s9 =	sor.u32 $0xD0000000, s2;
	s6 =	simm.s32 $0x108;
	_ =	swait.ge @!p0 [sflag:s8], $0x0  }
0x24: {  	s3 =	sadd.s32 $0x88, s3;
	s6 =	simm.s32 @!p1 $0x1082;
	[sflag:s4] =	ssyncset.s32 $0xFFFFF086  }
0x25: {  	[simem:s6], [sflag:s4] =	dma.local [hbm:s3], $0xF7A  }
0x26: {  	[smem:$0x3F93] =	sst s1;
	(tag) =	ssettag s2;
	_ =	strace s9  }
0x27: {  	s1 =	sld [smem:$0x3FA3]  }
0x28: {  	s2 =	sld [smem:$0x3FA4]  }
0x29: {  	s4 =	sld [smem:$0x3FA6]  }
0x2a: {  	p0 =	seq.s32 s5, $0x0;
	s5 =	sld [smem:$0x3FA7]  }
0x2b: {  	s6 =	sld [smem:$0x3FA8]  }
0x2c: {  	s7 =	sld [smem:$0x3FA9]  }
0x2d: {  	s3 =	simm.s32 $0x108;
	s8 =	sld [smem:$0x3FAA]  }
0x2e: {  	s3 =	simm.s32 @!p0 $0x1082;
	s9 =	sld [smem:$0x3FAB]  }
0x2f: {  	lr =	sadd.s32 s0, s3;
	s0 =	sld [smem:$0x3FA2]  }
0x30: {  	s3 =	sld [smem:$0x3FA5]  }
0x31: {  	[smem:$0x3FAE] =	sst s10  }
0x32: {  	s10 =	sld [smem:$0x3FAC];
	_ =	sdelay $0x3  }
0x33: {  	p0 =	seq.s32 s10, $0x1;
	s10 =	sld [smem:$0x3FAE];
	_ =	sdelay $0x3  }
0x34: {  	[smem:$0x3FAE] =	sst s10  }
0x35: {  	s10 =	sld [smem:$0x3FAD];
	_ =	sdelay $0x3  }
0x36: {  	p1 =	seq.s32 s10, $0x1;
	s10 =	sld [smem:$0x3FAE];
	_ =	sdelay $0x3  }
0x37: {  	[smem:$0x3FAE] =	sst s10  }
0x38: {  	s10 =	sld [smem:$0x3FAF]  }
0x39: {  	_ = 	snop;
	(pc) =	sbr.ind lr, $3  }
0x3a: {  	_ = 	snop  }
0x3b: {  	_ = 	snop  }
0x3c: {  	p2 =	seq.s32 s10, $0x1;
	s10 =	sld [smem:$0x3FAE]  }
0x3d: {  	_ =	shalt  }
0x3e: {  	_ =	shalt  }
0x3f: {  	_ =	shalt  }
0x40: {  	_ =	shalt  }
0x41: {  	_ =	shalt  }
0x42: {  	_ =	shalt  }
0x43: {  	_ =	shalt  }
0x44: {  	_ =	shalt  }
0x45: {  	_ =	shalt  }
0x46: {  	_ =	shalt  }
0x47: {  	_ =	shalt  }
0x48: {  	_ =	shalt  }
0x49: {  	_ =	shalt  }
0x4a: {  	_ =	shalt  }
0x4b: {  	_ =	shalt  }
0x4c: {  	_ =	shalt  }
0x4d: {  	_ =	shalt  }
0x4e: {  	_ =	shalt  }
0x4f: {  	_ =	shalt  }
0x50: {  	_ =	shalt  }
0x51: {  	_ =	shalt  }
0x52: {  	_ =	shalt  }
0x53: {  	_ =	shalt  }
0x54: {  	_ =	shalt  }
0x55: {  	_ =	shalt  }
0x56: {  	_ =	shalt  }
0x57: {  	_ =	shalt  }
0x58: {  	_ =	shalt  }
0x59: {  	_ =	shalt  }
0x5a: {  	_ =	shalt  }
0x5b: {  	_ =	shalt  }
0x5c: {  	_ =	shalt  }
0x5d: {  	_ =	shalt  }
0x5e: {  	_ =	shalt  }
0x5f: {  	_ =	shalt  }
0x60: {  	_ =	shalt  }
0x61: {  	_ =	shalt  }
0x62: {  	_ =	shalt  }
0x63: {  	_ =	shalt  }
0x64: {  	_ =	shalt  }
0x65: {  	_ =	shalt  }
0x66: {  	_ =	shalt  }
0x67: {  	_ =	shalt  }
0x68: {  	_ =	shalt  }
0x69: {  	_ =	shalt  }
0x6a: {  	_ =	shalt  }
0x6b: {  	_ =	shalt  }
0x6c: {  	_ =	shalt  }
0x6d: {  	_ =	shalt  }
0x6e: {  	_ =	shalt  }
0x6f: {  	_ =	shalt  }
0x70: {  	_ =	shalt  }
0x71: {  	_ =	shalt  }
0x72: {  	_ =	shalt  }
0x73: {  	_ =	shalt  }
0x74: {  	_ =	shalt  }
0x75: {  	_ =	shalt  }
0x76: {  	_ =	shalt  }
0x77: {  	_ =	shalt  }
0x78: {  	_ =	shalt  }
0x79: {  	_ =	shalt  }
0x7a: {  	_ =	shalt  }
0x7b: {  	_ =	shalt  }
0x7c: {  	_ =	shalt  }
0x7d: {  	_ =	shalt  }
0x7e: {  	_ =	shalt  }
0x7f: {  	_ =	shalt  }
0x80: {  	_ =	shalt  }
0x81: {  	_ =	shalt  }
0x82: {  	_ =	shalt  }
0x83: {  	_ =	shalt  }
0x84: {  	_ =	shalt  }
0x85: {  	_ =	shalt  }
0x86: {  	_ =	shalt  }
0x87: {  	_ =	shalt  }
.Lfunc_end0:
.L_simem_size_0:
called_computation_lowered:
.L_overlay_start_0:
0x88: {  	s2 =	sld [smem:$0x3FD9]  }
0x89: {  	s3 =	sld [smem:$0x3FFE];
	_ =	sdelay $0x1  }
0x8a: {  	s1 =	srdreg.scid  }
0x8b: {  	s0 =	sand.u32 $0x1, s1  }
0x8c: {  	s17 =	sshll.u32 s0, $0xA;
	s2 =	sadd.s32 s3, s2  }
0x8d: {  	s2 =	sadd.s32 s2, s17  }
0x8e: {  	[smem:$0x3FBA] =	sst s2  }
0x8f: {  	_ = 	snop  }
0x90: {  	s18 =	sld [smem:$0x3FD0];
	(tm) =	ssettm $0x1  }
0x91: {  	s19 =	sld [smem:$0x3FFB];
	_ =	sdelay $0x3  }
0x92: {  	_ =	strace s19  }
0x93: {  	s2 =	sld [smem:$0x3FFC];
	_ =	sdelay $0x3  }
0x94: {  	_ =	strace s2  }
0x95: {  	s2 =	sld [smem:$0x3FFD];
	_ =	sdelay $0x3  }
0x96: {  	_ =	strace s2  }
0x97: {  	_ =	strace $0x8FFFFFFF  }
0x98: {  	s20 =	sld [smem:$0x3FDB];
	_ =	sdelay $0x1  }
0x99: {  	s4 =	simm.s32 $_scs_section_size  }
0x9a: {  	s5 =	simm.s32 $_size__tile_overlayer_lowered;
	s6 =	simm.s32 $_tile_overlayer_lowered  }
0x9b: {  	s7 =	simm.s32 $0x1BFF;
	s21 =	sshll.u32 s6, $0x1;
	s4 =	sadd.s32 s4, s20  }
0x9c: {  	s22 =	simm.s32 $0x0;
	s5 =	sshll.u32 s5, $0x1;
	s6 =	sadd.s32 s21, s4  }
0x9d: {  	[timem:s22], [sflag:s7] =	dma.local [hbm:s6], s5  }
0x9e: {  	_ =	swait.ge [sflag:s7], s5  }
0x9f: {  	s5 =	ssub.s32 $0x0, s5;
	[sflag:s7] =	ssyncset.done $0x0  }
0xa0: {  	[sflag:s7] =	ssyncadd.s32 s5;
	_ =	sdelay $0x1  }
0xa1: {  	s23 =	simm.s32 $0x1B8B  }
0xa2: {  	_ =	swait.ge [sflag:s23], $0x1  }
0xa3: {  	[sflag:s23] =	ssyncset.done $0x0  }
0xa4: {  	[sflag:s23] =	ssyncadd.s32 $0xFFFFFFFF  }
0xa5: {  	s5 =	sld [smem:$0x0]  }
0xa6: {  	s6 =	sand.u32 $0xFFFFFFFE, s1  }
0xa7: {  	p0 =	sne.s32 s1, s6  }
0xa8: {  	s6 =	sshll.u32 @p0 s6, $0xE  }
0xa9: {  	s6 =	sadd.s32 @p0 $0x11B8D, s6;
	s7 =	sshll.u32 @p0 s5, $0x11  }
0xaa: {  	s6 =	sor.u32 @p0 s7, s6  }
0xab: {  	[sflag:s6] =	ssyncadd.remote.s32 @p0 $0x1;
	_ =	sdelay $0x1  }
0xac: {  	s6 =	simm.s32 @p0 $0x1B8D  }
0xad: {  	_ =	swait.eq @p0 [sflag:s6], $0x1  }
0xae: {  	[sflag:s6] =	ssyncadd.s32 @p0 $0xFFFFFFFF  }
0xaf: {  	s7 =	sshll.u32 @!p0 s1, $0xE  }
0xb0: {  	s7 =	sor.u32 @!p0 $0x4000, s7;
	s6 =	simm.s32 @!p0 $0x1B8D  }
0xb1: {  	s5 =	sshll.u32 @!p0 s5, $0x11;
	s7 =	sadd.s32 @!p0 $0x11B8D, s7;
	_ =	swait.eq @!p0 [sflag:s6], $0x1  }
0xb2: {  	s5 =	sor.u32 @!p0 s5, s7;
	[sflag:s6] =	ssyncadd.s32 @!p0 $0xFFFFFFFF  }
0xb3: {  	s25 =	simm.s32 $0x1B8E;
	s24 =	sld [smem:$0x3FFE];
	[sflag:s5] =	ssyncadd.remote.s32 @!p0 $0x1  }
0xb4: {  	s26 =	simm.s32 $execute0_lowered;
	[smem:$0x3FD2] =	sst s25  }
0xb5: {  	s6 =	sshll.u32 s26, $0x1;
	_ =	strace $0x80000049;
	[dreg:$0x1] =	wrdreg $0xFFFFFFFF  }
0xb6: {  	s28 =	simm.s32 $_size_execute0_lowered;
	s4 =	sadd.s32 s4, s6;
	[dreg:$0x0] =	wrdreg $0x0  }
0xb7: {  	s6 =	sshll.u32 s28, $0x1;
	[dreg:$0x2] =	wrdreg s4  }
0xb8: {  	[dreg:$0x3] =	wrdreg s6  }
0xb9: {  	[dreg:$0x4] =	wrdreg $0xC0  }
0xba: {  	_ =	task [dreg:s22], $0x5FFFF  }
0xbb: {  	[dreg:$0x1] =	wrdreg $0xFFFFFFFF  }
0xbc: {  	[dreg:$0x0] =	wrdreg $0x60  }
0xbd: {  	[dreg:$0x2] =	wrdreg s18  }
0xbe: {  	[dreg:$0x3] =	wrdreg s24  }
0xbf: {  	[dreg:$0x4] =	wrdreg $0x9  }
0xc0: {  	_ =	task.clear_ibuf [dreg:s22], $0x5FFFF;
	_ =	strace $0x90000049  }
0xc1: {  	s29 =	simm.s32 $0x9;
	_ =	strace $0x8000004B  }
0xc2: {  	_ =	swait.ge [sflag:s29], $0x1  }
0xc3: {  	[sflag:s29] =	ssyncadd.s32 $0xFFFFFFFF  }
0xc4: {  	_ =	strace $0x9000004B  }
0xc5: {  	_ =	sfence  }
0xc6: {  	s30 =	sld [smem:$0x0];
	_ =	sdelay $0x2  }
0xc7: {  	s31 =	sshll.u32 s1, $0xD;
	s1 =	sshrl.u32 s1, $0x2  }
0xc8: {  	s4 =	sand.u32 $0x4000, s31;
	s1 =	sadd.s32 s1, s30  }
0xc9: {  	s0 =	sor.u32 s4, s0;
	s1 =	sshll.u32 s1, $0x11  }
0xca: {  	s0 =	sor.u32 s1, s0  }
0xcb: {  	s0 =	sadd.s32 $0x8F2B, s0  }
0xcc: {  	[sflag:s0] =	ssyncadd.remote.s32 $0x1  }
0xcd: {  	_ =	sfence.sel $0xFFFF  }
0xce: {  	[dreg:$0x0] =	wrdreg $0xFFFFFFFF;
	(pc) =	sbr.abs _section_cstart, $3  }
0xcf: {  	[dreg:$0x1] =	wrdreg $0xFFFFFFFF  }
0xd0: {  	_ =	task.clear_ibuf [dreg:s22], $0x2FFFF;
	_ =	strace $0x9FFFFFFF  }
0xd1: {  	(tm) =	ssettm $0x7FFFFFFF  }
tec
execute0_lowered:
.L_overlay_start_1:
0x0: {  	(tag) =	ssettag $0x1  }
0x1: {  	s1 =	srdreg.scid;
	s2 =	rddreg [dreg:$0x0]  }
0x2: {  	s0 =	stileid.u32;
	s4 =	rddreg [dreg:$0x1]  }
0x3: {  	s19 =	simm.s32 $0x1;
	s20 =	simm.s32 $0x4;
	s21 =	simm.s32 $0x0  }
0x4: {  	s10 =	sand.u32 $0x1, s1;
	s11 =	sshll.u32 s0, $0x1;
	s16 =	smul.u32 $0x4E, s0  }
0x5: {  	s13 =	sadd.s32 $0x288000, s4;
	s1 =	sor.u32 s10, s11;
	s17 =	smul.u32 $0x27, s10  }
0x6: {  	p0 =	seq.s32 s0, $0x0;
	s7 =	ssub.s32 $0x2, s10;
	s3 =	smul.u32 $0x27, s1  }
0x7: {  	s12 =	smin.u32 s1, $0x2;
	s1 =	rddreg [dreg:$0x2];
	s8 =	sshrl.u32 s7, $0x1  }
0x8: {  	s14 =	ssub.s32 s7, s8;
	s18 =	ssub.s32 s12, s10;
	s29 =	sadd.s32 s17, s16  }
0x9: {  	s16 =	simm.s32 $0x1800;
	s17 =	simm.s32 $0x5800;
	s6 =	sadd.s32 s12, s3  }
0xa: {  	s3 =	simm.s32 $0x0;
	s10 =	smax.u32 s14, $0x1;
	s11 =	ssub.s32 s18, s11  }
0xb: {  	s12 =	sadd.s32 s12, s29;
	s14 =	simm.s32 $0x3;
	s18 =	simm.s32 $0x9800  }
0xc: {  	s5 =	sshll.u32 s6, $0x4;
	[smem:$0x7FF] =	sst s3;
	s26 =	sand.u32 $0x7, s6  }
0xd: {  	s15 =	sshll.u32 s6, $0xB;
	s11 =	sand.u32 $0x7, s11;
	s12 =	sshll.u32 s12, $0xB  }
0xe: {  	s5 =	sand.u32 $0xFF80, s5;
	_ =	strace $0x8000004A;
	s28 =	sadd.s32 $0x13800, s15  }
0xf: {  	s15 =	sadd.s32 $0x12000, s15;
	s31 =	sshll.u32 s11, $0x7;
	s12 =	sadd.s32 s12, s13  }
0x10: {  	s5 =	sadd.s32 s5, s4;
	s9 =	sand.u32 $0x1FFFF800, s28;
	s30 =	sand.u32 $0x1FFFF800, s15  }
0x11: {  	s15 =	simm.s32 $0x80;
	s4 =	sadd.s32 $0x3600, s5;
	s5 =	sshll.u32 s26, $0x7  }
0x12: {  	s9 =	sadd.s32 s13, s9;
	s11 =	sadd.s32 s13, s30;
	s13 =	sadd.s32 $0x280, s31  }
0x13: {  	s6 =	sadd.s32 $0x80, s5;
	s7 =	sadd.s32 $0x100, s5;
	s8 =	sadd.s32 $0x1380, s5  }
.LBB2_1:
0x14: {  	[tilespmem:s3], [sflag:$0x3] =	stream.linear.gather [hbm4b:s4+s3], $0x1800, $0x38;
	[tilespmem:$0x19800] =	vst v63  }
0x15: {  	_ =	swait.ge [sflag:s14], $0x1800  }
0x16: {  	[sflag:s14] =	ssyncset.done $0x0  }
0x17: {  	s22 =	sand.u32 $0x1, s3;
	[sflag:s14] =	ssyncadd.s32 $0xFFFFE800  }
0x18: {  	[tilespmem:s16], [sflag:$0x1] =	stream.indirect.gather [hbm4b:s2+s15], $0x80, s5, s15, $0xb8;
	[tilespmem:$0x19800] =	vst v63  }
0x19: {  	p1 =	seq.s32 s22, $0x1  }
0x1a: {  	[tilespmem:s17], [sflag:$0x1] =	stream.indirect.gather [hbm4b:s2+s15], $0x80, s6, s15, $0xb8;
	[tilespmem:$0x19800] =	vst v63  }
0x1b: {  	s22 =	simm.s32 @p1 $0x2  }
0x1c: {  	[tilespmem:s18], [sflag:$0x1] =	stream.indirect.gather [hbm4b:s2+s15], $0x80, s7, s15, $0xb8;
	[tilespmem:$0x19800] =	vst v63  }
0x1d: {  	_ =	swait.ge @p1 [sflag:s22], $0xC000  }
0x1e: {  	s23 =	simm.s32 @p1 $0x1800;
	[sflag:s22] =	ssyncset.done @p1 $0x0  }
0x1f: {  	s24 =	simm.s32 @p1 $0x80;
	[sflag:s22] =	ssyncadd.s32 @p1 $0xFFFF4000;
	s22 =	sadd.s32 @p1 $0xFFFFFF00, s13  }
0x20: {  	[tilespmem:s23], [sflag:$0x1] =	stream.indirect.gather @p1 [hbm4b:s2+s24], $0x80, s22, s24, $0xb8;
	[tilespmem:$0x19800] =	vst v63  }
0x21: {  	s22 =	sadd.s32 @p1 $0xFFFFFF80, s13;
	s23 =	simm.s32 @p1 $0x5800  }
0x22: {  	[tilespmem:s23], [sflag:$0x1] =	stream.indirect.gather @p1 [hbm4b:s2+s24], $0x80, s22, s24, $0xb8;
	[tilespmem:$0x19800] =	vst v63  }
0x23: {  	s22 =	simm.s32 @p1 $0x9800  }
0x24: {  	[tilespmem:s22], [sflag:$0x1] =	stream.indirect.gather @p1 [hbm4b:s2+s24], $0x80, s13, s24, $0xb8;
	[tilespmem:$0x19800] =	vst v63  }
0x25: {  	s23 =	simm.s32 @p1 $0xD800;
	s22 =	simm.s32 @p1 $0x0;
	s24 =	simm.s32 @!p1 $0x1  }
0x26: {  	[hbm4b:s12+s22] =	stream.linear.scatter @p1 [tilespmem:s23], [sflag:$0x3], $0xC000, $0x38;
	[tilespmem:$0x19800] =	vst v63  }
0x27: {  	_ =	swait.ge @!p1 [sflag:s24], $0xC000  }
0x28: {  	s25 =	simm.s32 @!p1 $0x80;
	[sflag:s24] =	ssyncset.done @!p1 $0x0  }
0x29: {  	s22 =	simm.s32 @!p1 $0xD800;
	s23 =	sadd.s32 @!p1 $0xFFFFFF00, s13;
	[sflag:s24] =	ssyncadd.s32 @!p1 $0xFFFF4000  }
0x2a: {  	[tilespmem:s22], [sflag:$0x2] =	stream.indirect.gather @!p1 [hbm4b:s2+s25], $0x80, s23, s25, $0xb8;
	[tilespmem:$0x19800] =	vst v63  }
0x2b: {  	s22 =	sadd.s32 @!p1 $0xFFFFFF80, s13;
	s23 =	simm.s32 @!p1 $0x11800  }
0x2c: {  	[tilespmem:s23], [sflag:$0x2] =	stream.indirect.gather @!p1 [hbm4b:s2+s25], $0x80, s22, s25, $0xb8;
	[tilespmem:$0x19800] =	vst v63  }
0x2d: {  	s31 =	simm.s32 $0x1;
	s24 =	simm.s32 @!p1 $0x4;
	s23 =	simm.s32 @!p1 $0x15800  }
0x2e: {  	[tilespmem:s23], [sflag:$0x2] =	stream.indirect.gather @!p1 [hbm4b:s2+s25], $0x80, s13, s25, $0xb8;
	[tilespmem:$0x19800] =	vst v63  }
0x2f: {  	s24 =	simm.s32 @p1 $0x3;
	s23 =	simm.s32 @!p1 $0x0;
	s25 =	simm.s32 @!p1 $0x1800  }
0x30: {  	[hbm4b:s12+s23] =	stream.linear.scatter @!p1 [tilespmem:s25], [sflag:$0x4], $0xC000, $0x38;
	[tilespmem:$0x19800] =	vst v63  }
0x31: {  	s26 =	sand.u32 $0x1, s31;
	s22 =	sadd.s32 $0x1800, s12;
	_ =	swait.ge [sflag:s24], $0xC000  }
0x32: {  	s25 =	simm.s32 $0x2;
	s23 =	sadd.s32 $0x180, s13;
	[sflag:s24] =	ssyncset.done $0x0  }
.LBB2_2:
0x33: {  	p2 =	seq.s32 s26, $0x1  }
0x34: {  	[sflag:s24] =	ssyncadd.s32 $0xFFFF4000;
	s26 =	smov.u32 s25;
	s25 =	sadd.s32 $0x1, s25  }
0x35: {  	p1 =	seq.s32 s25, $0xC;
	s28 =	simm.s32 @p2 $0x2;
	s24 =	simm.s32 @!p2 $0x4  }
0x36: {  	_ =	swait.ge @p2 [sflag:s28], $0xC000  }
0x37: {  	s29 =	simm.s32 @p2 $0x1800;
	[sflag:s28] =	ssyncset.done @p2 $0x0  }
0x38: {  	s30 =	simm.s32 @p2 $0x80;
	[sflag:s28] =	ssyncadd.s32 @p2 $0xFFFF4000;
	s28 =	sadd.s32 @p2 $0xFFFFFF00, s23  }
0x39: {  	[tilespmem:s29], [sflag:$0x1] =	stream.indirect.gather @p2 [hbm4b:s2+s30], $0x80, s28, s30, $0xb8;
	[tilespmem:$0x19800] =	vst v63  }
0x3a: {  	s28 =	sadd.s32 @p2 $0xFFFFFF80, s23;
	s29 =	simm.s32 @p2 $0x5800  }
0x3b: {  	[tilespmem:s29], [sflag:$0x1] =	stream.indirect.gather @p2 [hbm4b:s2+s30], $0x80, s28, s30, $0xb8;
	[tilespmem:$0x19800] =	vst v63  }
0x3c: {  	s28 =	simm.s32 @p2 $0x9800  }
0x3d: {  	[tilespmem:s28], [sflag:$0x1] =	stream.indirect.gather @p2 [hbm4b:s2+s30], $0x80, s23, s30, $0xb8;
	[tilespmem:$0x19800] =	vst v63  }
0x3e: {  	s29 =	simm.s32 @p2 $0xD800;
	s28 =	simm.s32 @p2 $0x0;
	s30 =	simm.s32 @!p2 $0x1  }
0x3f: {  	[hbm4b:s22+s28] =	stream.linear.scatter @p2 [tilespmem:s29], [sflag:$0x3], $0xC000, $0x38;
	[tilespmem:$0x19800] =	vst v63  }
0x40: {  	_ =	swait.ge @!p2 [sflag:s30], $0xC000  }
0x41: {  	s28 =	simm.s32 @!p2 $0xD800;
	[sflag:s30] =	ssyncset.done @!p2 $0x0  }
0x42: {  	s29 =	sadd.s32 @!p2 $0xFFFFFF00, s23;
	[sflag:s30] =	ssyncadd.s32 @!p2 $0xFFFF4000;
	s30 =	simm.s32 @!p2 $0x80  }
0x43: {  	[tilespmem:s28], [sflag:$0x2] =	stream.indirect.gather @!p2 [hbm4b:s2+s30], $0x80, s29, s30, $0xb8;
	[tilespmem:$0x19800] =	vst v63  }
0x44: {  	s28 =	sadd.s32 @!p2 $0xFFFFFF80, s23;
	s29 =	simm.s32 @!p2 $0x11800  }
0x45: {  	[tilespmem:s29], [sflag:$0x2] =	stream.indirect.gather @!p2 [hbm4b:s2+s30], $0x80, s28, s30, $0xb8;
	[tilespmem:$0x19800] =	vst v63  }
0x46: {  	s28 =	simm.s32 @!p2 $0x15800  }
0x47: {  	[tilespmem:s28], [sflag:$0x2] =	stream.indirect.gather @!p2 [hbm4b:s2+s30], $0x80, s23, s30, $0xb8;
	[tilespmem:$0x19800] =	vst v63  }
.Ltmp0:
0x48: {  	_ = 	snop;
	(pc) =	sbr.rel @!p1 .LBB2_2-.Ltmp0, $4  }
0x49: {  	s24 =	simm.s32 @p2 $0x3;
	s29 =	simm.s32 @!p2 $0x1800;
	s28 =	simm.s32 @!p2 $0x0  }
0x4a: {  	[hbm4b:s22+s28] =	stream.linear.scatter @!p2 [tilespmem:s29], [sflag:$0x4], $0xC000, $0x38;
	[tilespmem:$0x19800] =	vst v63  }
0x4b: {  	s23 =	sadd.s32 $0x180, s23;
	_ =	swait.ge [sflag:s24], $0xC000  }
0x4c: {  	s26 =	sand.u32 $0x1, s26;
	s22 =	sadd.s32 $0x1800, s22;
	[sflag:s24] =	ssyncset.done $0x0  }
0x4d: {  	p1 =	seq.s32 s26, $0x1  }
0x4e: {  	[sflag:s24] =	ssyncadd.s32 $0xFFFF4000;
	s24 =	simm.s32 @p1 $0x2  }
0x4f: {  	_ =	swait.ge @p1 [sflag:s24], $0xC000  }
0x50: {  	s25 =	simm.s32 @p1 $0x1800;
	[sflag:s24] =	ssyncset.done @p1 $0x0  }
0x51: {  	s26 =	simm.s32 @p1 $0x80;
	[sflag:s24] =	ssyncadd.s32 @p1 $0xFFFF4000;
	s24 =	sadd.s32 @p1 $0xFFFFFF00, s23  }
0x52: {  	[tilespmem:s25], [sflag:$0x1] =	stream.indirect.gather @p1 [hbm4b:s2+s26], $0x80, s24, s26, $0xb8;
	[tilespmem:$0x19800] =	vst v63  }
0x53: {  	s24 =	sadd.s32 @p1 $0xFFFFFF80, s23;
	s25 =	simm.s32 @p1 $0x5800  }
0x54: {  	[tilespmem:s25], [sflag:$0x1] =	stream.indirect.gather @p1 [hbm4b:s2+s26], $0x80, s24, s26, $0xb8;
	[tilespmem:$0x19800] =	vst v63  }
0x55: {  	s24 =	simm.s32 @p1 $0x9800  }
0x56: {  	[tilespmem:s24], [sflag:$0x1] =	stream.indirect.gather @p1 [hbm4b:s2+s26], $0x80, s23, s26, $0xb8;
	[tilespmem:$0x19800] =	vst v63  }
0x57: {  	s25 =	simm.s32 @p1 $0xD800;
	s24 =	simm.s32 @p1 $0x0;
	s26 =	simm.s32 @!p1 $0x1  }
0x58: {  	[hbm4b:s22+s24] =	stream.linear.scatter @p1 [tilespmem:s25], [sflag:$0x3], $0xC000, $0x38;
	[tilespmem:$0x19800] =	vst v63  }
0x59: {  	_ =	swait.ge @!p1 [sflag:s26], $0xC000  }
0x5a: {  	s24 =	simm.s32 @!p1 $0xD800;
	[sflag:s26] =	ssyncset.done @!p1 $0x0  }
0x5b: {  	s25 =	sadd.s32 @!p1 $0xFFFFFF00, s23;
	[sflag:s26] =	ssyncadd.s32 @!p1 $0xFFFF4000;
	s26 =	simm.s32 @!p1 $0x80  }
0x5c: {  	[tilespmem:s24], [sflag:$0x2] =	stream.indirect.gather @!p1 [hbm4b:s2+s26], $0x80, s25, s26, $0xb8;
	[tilespmem:$0x19800] =	vst v63  }
0x5d: {  	s24 =	sadd.s32 @!p1 $0xFFFFFF80, s23;
	s25 =	simm.s32 @!p1 $0x11800  }
0x5e: {  	[tilespmem:s25], [sflag:$0x2] =	stream.indirect.gather @!p1 [hbm4b:s2+s26], $0x80, s24, s26, $0xb8;
	[tilespmem:$0x19800] =	vst v63  }
0x5f: {  	s24 =	simm.s32 @!p1 $0x4;
	s25 =	simm.s32 @!p1 $0x15800  }
0x60: {  	[tilespmem:s25], [sflag:$0x2] =	stream.indirect.gather @!p1 [hbm4b:s2+s26], $0x80, s23, s26, $0xb8;
	[tilespmem:$0x19800] =	vst v63  }
0x61: {  	s24 =	simm.s32 @p1 $0x3;
	s23 =	simm.s32 @!p1 $0x0;
	s25 =	simm.s32 @!p1 $0x1800  }
0x62: {  	[hbm4b:s22+s23] =	stream.linear.scatter @!p1 [tilespmem:s25], [sflag:$0x4], $0xC000, $0x38;
	[tilespmem:$0x19800] =	vst v63  }
0x63: {  	_ =	swait.ge [sflag:s24], $0xC000  }
0x64: {  	[sflag:s24] =	ssyncset.done $0x0  }
0x65: {  	[sflag:s24] =	ssyncadd.s32 $0xFFFF4000  }
0x66: {  	_ =	swait.ge [sflag:s19], $0xC000  }
0x67: {  	[sflag:s19] =	ssyncset.done $0x0  }
0x68: {  	[sflag:s19] =	ssyncadd.s32 $0xFFFF4000  }
0x69: {  	[hbm4b:s11+s3] =	stream.linear.scatter [tilespmem:s16], [sflag:$0x4], $0xC000, $0x38;
	[tilespmem:$0x19800] =	vst v63  }
0x6a: {  	_ =	swait.ge [sflag:s20], $0xC000  }
0x6b: {  	[sflag:s20] =	ssyncset.done $0x0  }
0x6c: {  	s22 =	simm.s32 @p0 $0x80;
	s23 =	simm.s32 @p0 $0x1800;
	[sflag:s20] =	ssyncadd.s32 $0xFFFF4000  }
0x6d: {  	[tilespmem:s23], [sflag:$0x1] =	stream.indirect.gather @p0 [hbm4b:s2+s22], $0x80, s8, s22, $0xb8;
	[tilespmem:$0x19800] =	vst v63  }
0x6e: {  	s22 =	simm.s32 @p0 $0x1  }
0x6f: {  	_ =	swait.ge @p0 [sflag:s22], $0x4000  }
0x70: {  	s21 =	sadd.s32 $0x1, s21;
	[sflag:s22] =	ssyncset.done @p0 $0x0  }
0x71: {  	p1 =	sne.s32 s21, s10;
	[sflag:s22] =	ssyncadd.s32 @p0 $0xFFFFC000;
	s22 =	simm.s32 @p0 $0x0  }
0x72: {  	[hbm4b:s9+s22] =	stream.linear.scatter @p0 [tilespmem:s23], [sflag:$0x3], $0x4000, $0x38;
	[tilespmem:$0x19800] =	vst v63  }
.Ltmp1:
0x73: {  	_ = 	snop;
	(pc) =	sbr.rel @p1 .LBB2_1-.Ltmp1, $4  }
0x74: {  	s22 =	simm.s32 @p0 $0x3  }
0x75: {  	_ =	swait.ge @p0 [sflag:s22], $0x4000  }
0x76: {  	[sflag:s22] =	ssyncset.done @p0 $0x0  }
0x77: {  	[sflag:s22] =	ssyncadd.s32 @p0 $0xFFFFC000  }
0x78: {  	_ =	sfence.sel $0x180000  }
0x79: {  	[bflag:$0x0] =	sbarrier.arrive $0xFFFF  }
0x7a: {  	p0 =	sne.s32 s0, $0x0;
	_ =	strace $0x9000004A  }
0x7b: {  	s0 =	sadd.s32 @!p0 $0x100000, s1;
	[bflag:$0x2] =	sbarrier.arrive $0xFFFF  }
0x7c: {  	[sflag:s0] =	ssyncadd.tile.s32 @!p0 $0x1;
	_ =	shalt  }
.Lfunc_end2:
_tile_overlayer_lowered:
.L_overlay_start_2:
0x7d: {  	(tag) =	ssettag $0x2  }
0x7e: {  	s0 =	rddreg [dreg:$0x0];
	s2 =	stileid.u32  }
0x7f: {  	s1 =	rddreg [dreg:$0x1];
	p0 =	sne.s32 s2, $0x0  }
0x80: {  	s3 =	rddreg [dreg:$0x2];
	[bflag:$0x3] =	sbarrier.arrive $0xFFFF;
	s2 =	simm.s32 @!p0 $0x1C03  }
0x81: {  	[timem:s3], [sflag:s2] =	dma.local @!p0 [hbm:s0], s1  }
0x82: {  	s0 =	simm.s32 @!p0 $0x3  }
0x83: {  	_ =	swait.ge @!p0 [sflag:s0], s1  }
0x84: {  	s1 =	ssub.s32 @!p0 $0x0, s1;
	[sflag:s0] =	ssyncset.done @!p0 $0x0  }
0x85: {  	[sflag:s0] =	ssyncadd.s32 @!p0 s1  }
0x86: {  	[bflag:$0x3] =	sbarrier.arrive $0xFFFF  }
0x87: {  	_ =	shalt  }

// kernel: edge_gather_s1.3.cloned.1.call-start
scs
__scs_entry_jumppad:
0x0: {  	(pc) =	sbr.rel $0x88, $3  }
0x1: {  	(tag) =	ssettag $0x0;
	lr =	simm.s32 $0x1  }
0x2: {  	[smem:$0x3F93] =	sst lr;
	_ =	strace $0xD0000000  }
0x3: {  	_ = 	snop  }
0x4: {  	_ = 	snop  }
0x5: {  	_ = 	snop  }
0x6: {  	_ = 	snop  }
0x7: {  	_ = 	snop  }
__scs_overlays_trampoline_lowered:
0x8: {  	[smem:$0x3FA2] =	sst s0  }
0x9: {  	[smem:$0x3FA3] =	sst s1  }
0xa: {  	[smem:$0x3FA4] =	sst s2  }
0xb: {  	[smem:$0x3FA5] =	sst s3  }
0xc: {  	[smem:$0x3FA6] =	sst s4  }
0xd: {  	[smem:$0x3FA7] =	sst s5  }
0xe: {  	[smem:$0x3FA8] =	sst s6  }
0xf: {  	[smem:$0x3FA9] =	sst s7  }
0x10: {  	[smem:$0x3FAA] =	sst s8  }
0x11: {  	[smem:$0x3FAB] =	sst s9;
	s0 =	simm.s32 @!p0 $0x0  }
0x12: {  	s1 =	sld [smem:$0x3F91];
	s0 =	simm.s32 @p0 $0x1  }
0x13: {  	[smem:$0x3FAC] =	sst s0;
	s0 =	simm.s32 @!p1 $0x0  }
0x14: {  	s2 =	sld [smem:$0x3F90];
	s0 =	simm.s32 @p1 $0x1  }
0x15: {  	[smem:$0x3FAD] =	sst s0;
	s0 =	simm.s32 @!p2 $0x0  }
0x16: {  	s3 =	sld [smem:$0x3FDB];
	s0 =	simm.s32 @p2 $0x1  }
0x17: {  	s4 =	simm.s32 $0x1BF5;
	[smem:$0x3FAF] =	sst s0  }
0x18: {  	s0 =	sld [smem:$0x3F92];
	_ =	swait.ge [sflag:s4], $0x0  }
0x19: {  	s7 =	sld [smem:$0x3F93]  }
0x1a: {  	s8 =	sadd.s32 $0xFFFFE003, lr  }
0x1b: {  	s9 =	sadd.s32 $0xFFFFFEF7, lr;
	s5 =	simm.s32 $0xFFFFFFFF;
	p2 =	slt.u32 s8, $0xFFFFF086  }
0x1c: {  	p1 =	slt.u32 s9, $0xF7A;
	s5 =	simm.s32 @!p2 $0x0  }
0x1d: {  	s5 =	simm.s32 @p1 $0x1;
	p0 =	seq.s32 s7, s2  }
0x1e: {  	s7 =	smul.u32 @!p0 $0xF7A, s2;
	p2 =	seq.s32 @!p0 s5, $0x0  }
0x1f: {  	s9 =	smul.u32 $0xF7A, s1;
	s8 =	simm.s32 @!p0 $0x1BF5;
	p2 =	por !p2, p0  }
0x20: {  	[sflag:s8] =	ssyncset.s32 @!p0 $0xFFFFF086;
	s6 =	sadd.s32 @!p0 s3, s7;
	s7 =	simm.s32 @!p0 $0x108  }
0x21: {  	s3 =	sadd.s32 s3, s9;
	s6 =	sadd.s32 @!p0 $0x88, s6;
	s7 =	simm.s32 @p2 $0x1082  }
0x22: {  	[simem:s7], [sflag:s8] =	dma.local @!p0 [hbm:s6], $0xF7A  }
0x23: {  	s9 =	sor.u32 $0xD0000000, s2;
	s6 =	simm.s32 $0x108;
	_ =	swait.ge @!p0 [sflag:s8], $0x0  }
0x24: {  	s3 =	sadd.s32 $0x88, s3;
	s6 =	simm.s32 @!p1 $0x1082;
	[sflag:s4] =	ssyncset.s32 $0xFFFFF086  }
0x25: {  	[simem:s6], [sflag:s4] =	dma.local [hbm:s3], $0xF7A  }
0x26: {  	[smem:$0x3F93] =	sst s1;
	(tag) =	ssettag s2;
	_ =	strace s9  }
0x27: {  	s1 =	sld [smem:$0x3FA3]  }
0x28: {  	s2 =	sld [smem:$0x3FA4]  }
0x29: {  	s4 =	sld [smem:$0x3FA6]  }
0x2a: {  	p0 =	seq.s32 s5, $0x0;
	s5 =	sld [smem:$0x3FA7]  }
0x2b: {  	s6 =	sld [smem:$0x3FA8]  }
0x2c: {  	s7 =	sld [smem:$0x3FA9]  }
0x2d: {  	s3 =	simm.s32 $0x108;
	s8 =	sld [smem:$0x3FAA]  }
0x2e: {  	s3 =	simm.s32 @!p0 $0x1082;
	s9 =	sld [smem:$0x3FAB]  }
0x2f: {  	lr =	sadd.s32 s0, s3;
	s0 =	sld [smem:$0x3FA2]  }
0x30: {  	s3 =	sld [smem:$0x3FA5]  }
0x31: {  	[smem:$0x3FAE] =	sst s10  }
0x32: {  	s10 =	sld [smem:$0x3FAC];
	_ =	sdelay $0x3  }
0x33: {  	p0 =	seq.s32 s10, $0x1;
	s10 =	sld [smem:$0x3FAE];
	_ =	sdelay $0x3  }
0x34: {  	[smem:$0x3FAE] =	sst s10  }
0x35: {  	s10 =	sld [smem:$0x3FAD];
	_ =	sdelay $0x3  }
0x36: {  	p1 =	seq.s32 s10, $0x1;
	s10 =	sld [smem:$0x3FAE];
	_ =	sdelay $0x3  }
0x37: {  	[smem:$0x3FAE] =	sst s10  }
0x38: {  	s10 =	sld [smem:$0x3FAF]  }
0x39: {  	_ = 	snop;
	(pc) =	sbr.ind lr, $3  }
0x3a: {  	_ = 	snop  }
0x3b: {  	_ = 	snop  }
0x3c: {  	p2 =	seq.s32 s10, $0x1;
	s10 =	sld [smem:$0x3FAE]  }
0x3d: {  	_ =	shalt  }
0x3e: {  	_ =	shalt  }
0x3f: {  	_ =	shalt  }
0x40: {  	_ =	shalt  }
0x41: {  	_ =	shalt  }
0x42: {  	_ =	shalt  }
0x43: {  	_ =	shalt  }
0x44: {  	_ =	shalt  }
0x45: {  	_ =	shalt  }
0x46: {  	_ =	shalt  }
0x47: {  	_ =	shalt  }
0x48: {  	_ =	shalt  }
0x49: {  	_ =	shalt  }
0x4a: {  	_ =	shalt  }
0x4b: {  	_ =	shalt  }
0x4c: {  	_ =	shalt  }
0x4d: {  	_ =	shalt  }
0x4e: {  	_ =	shalt  }
0x4f: {  	_ =	shalt  }
0x50: {  	_ =	shalt  }
0x51: {  	_ =	shalt  }
0x52: {  	_ =	shalt  }
0x53: {  	_ =	shalt  }
0x54: {  	_ =	shalt  }
0x55: {  	_ =	shalt  }
0x56: {  	_ =	shalt  }
0x57: {  	_ =	shalt  }
0x58: {  	_ =	shalt  }
0x59: {  	_ =	shalt  }
0x5a: {  	_ =	shalt  }
0x5b: {  	_ =	shalt  }
0x5c: {  	_ =	shalt  }
0x5d: {  	_ =	shalt  }
0x5e: {  	_ =	shalt  }
0x5f: {  	_ =	shalt  }
0x60: {  	_ =	shalt  }
0x61: {  	_ =	shalt  }
0x62: {  	_ =	shalt  }
0x63: {  	_ =	shalt  }
0x64: {  	_ =	shalt  }
0x65: {  	_ =	shalt  }
0x66: {  	_ =	shalt  }
0x67: {  	_ =	shalt  }
0x68: {  	_ =	shalt  }
0x69: {  	_ =	shalt  }
0x6a: {  	_ =	shalt  }
0x6b: {  	_ =	shalt  }
0x6c: {  	_ =	shalt  }
0x6d: {  	_ =	shalt  }
0x6e: {  	_ =	shalt  }
0x6f: {  	_ =	shalt  }
0x70: {  	_ =	shalt  }
0x71: {  	_ =	shalt  }
0x72: {  	_ =	shalt  }
0x73: {  	_ =	shalt  }
0x74: {  	_ =	shalt  }
0x75: {  	_ =	shalt  }
0x76: {  	_ =	shalt  }
0x77: {  	_ =	shalt  }
0x78: {  	_ =	shalt  }
0x79: {  	_ =	shalt  }
0x7a: {  	_ =	shalt  }
0x7b: {  	_ =	shalt  }
0x7c: {  	_ =	shalt  }
0x7d: {  	_ =	shalt  }
0x7e: {  	_ =	shalt  }
0x7f: {  	_ =	shalt  }
0x80: {  	_ =	shalt  }
0x81: {  	_ =	shalt  }
0x82: {  	_ =	shalt  }
0x83: {  	_ =	shalt  }
0x84: {  	_ =	shalt  }
0x85: {  	_ =	shalt  }
0x86: {  	_ =	shalt  }
0x87: {  	_ =	shalt  }
.Lfunc_end0:
.L_simem_size_0:
called_computation.2_lowered:
.L_overlay_start_0:
0x88: {  	s2 =	sld [smem:$0x3FD9]  }
0x89: {  	s3 =	sld [smem:$0x3FFE];
	_ =	sdelay $0x1  }
0x8a: {  	s1 =	srdreg.scid  }
0x8b: {  	s0 =	sand.u32 $0x1, s1  }
0x8c: {  	s17 =	sshll.u32 s0, $0xA;
	s2 =	sadd.s32 s3, s2  }
0x8d: {  	s2 =	sadd.s32 s2, s17  }
0x8e: {  	[smem:$0x3FBA] =	sst s2  }
0x8f: {  	_ = 	snop  }
0x90: {  	s2 =	sld [smem:$0x3FD0];
	(tm) =	ssettm $0x1  }
0x91: {  	s18 =	sld [smem:$0x3FFB];
	_ =	sdelay $0x3  }
0x92: {  	_ =	strace s18  }
0x93: {  	s3 =	sld [smem:$0x3FFC];
	_ =	sdelay $0x3  }
0x94: {  	_ =	strace s3  }
0x95: {  	s3 =	sld [smem:$0x3FFD];
	_ =	sdelay $0x3  }
0x96: {  	_ =	strace s3  }
0x97: {  	_ =	strace $0x8FFFFFFF  }
0x98: {  	s19 =	sld [smem:$0x3FDB];
	_ =	sdelay $0x1  }
0x99: {  	s4 =	simm.s32 $_scs_section_size  }
0x9a: {  	s5 =	simm.s32 $_size__tile_overlayer_lowered;
	s6 =	simm.s32 $_tile_overlayer_lowered  }
0x9b: {  	s22 =	simm.s32 $0x1BFF;
	s21 =	sshll.u32 s6, $0x1;
	s3 =	sadd.s32 s4, s19  }
0x9c: {  	s7 =	simm.s32 $0x0;
	s20 =	sshll.u32 s5, $0x1;
	s5 =	sadd.s32 s21, s3  }
0x9d: {  	[timem:s7], [sflag:s22] =	dma.local [hbm:s5], s20  }
0x9e: {  	_ =	swait.ge [sflag:s22], s20  }
0x9f: {  	s4 =	ssub.s32 $0x0, s20;
	[sflag:s22] =	ssyncset.done $0x0  }
0xa0: {  	[sflag:s22] =	ssyncadd.s32 s4;
	_ =	sdelay $0x1  }
0xa1: {  	s23 =	simm.s32 $0x1B8B  }
0xa2: {  	_ =	swait.ge [sflag:s23], $0x1  }
0xa3: {  	[sflag:s23] =	ssyncset.done $0x0  }
0xa4: {  	s25 =	simm.s32 $0x1B8E;
	s24 =	sld [smem:$0x3FFE];
	[sflag:s23] =	ssyncadd.s32 $0xFFFFFFFF  }
0xa5: {  	s26 =	simm.s32 $execute0_lowered;
	[smem:$0x3FD2] =	sst s25  }
0xa6: {  	s5 =	sshll.u32 s26, $0x1;
	_ =	strace $0x80000046;
	[dreg:$0x1] =	wrdreg $0xFFFFFFFF  }
0xa7: {  	s28 =	simm.s32 $_size_execute0_lowered;
	s3 =	sadd.s32 s3, s5;
	[dreg:$0x0] =	wrdreg $0x0  }
0xa8: {  	s5 =	sshll.u32 s28, $0x1;
	[dreg:$0x2] =	wrdreg s3  }
0xa9: {  	[dreg:$0x3] =	wrdreg s5  }
0xaa: {  	[dreg:$0x4] =	wrdreg $0xC0  }
0xab: {  	_ =	task [dreg:s7], $0x5FFFF  }
0xac: {  	[dreg:$0x1] =	wrdreg $0xFFFFFFFF  }
0xad: {  	[dreg:$0x0] =	wrdreg $0x60  }
0xae: {  	[dreg:$0x2] =	wrdreg s2  }
0xaf: {  	[dreg:$0x3] =	wrdreg s24  }
0xb0: {  	[dreg:$0x4] =	wrdreg $0xA  }
0xb1: {  	_ =	task.clear_ibuf [dreg:s7], $0x5FFFF;
	_ =	strace $0x90000046  }
0xb2: {  	s29 =	simm.s32 $0xA;
	_ =	strace $0x80000048  }
0xb3: {  	_ =	swait.ge [sflag:s29], $0x1  }
0xb4: {  	[sflag:s29] =	ssyncadd.s32 $0xFFFFFFFF  }
0xb5: {  	_ =	strace $0x90000048  }
0xb6: {  	_ =	sfence  }
0xb7: {  	s30 =	sld [smem:$0x0];
	_ =	sdelay $0x2  }
0xb8: {  	s31 =	sshll.u32 s1, $0xD;
	s1 =	sshrl.u32 s1, $0x2  }
0xb9: {  	s3 =	sand.u32 $0x4000, s31;
	s1 =	sadd.s32 s1, s30  }
0xba: {  	s0 =	sor.u32 s3, s0;
	s1 =	sshll.u32 s1, $0x11  }
0xbb: {  	s0 =	sor.u32 s1, s0  }
0xbc: {  	s0 =	sadd.s32 $0x8F2B, s0  }
0xbd: {  	[sflag:s0] =	ssyncadd.remote.s32 $0x1  }
0xbe: {  	_ =	sfence.sel $0xFFFF  }
0xbf: {  	[dreg:$0x0] =	wrdreg $0xFFFFFFFF;
	(pc) =	sbr.abs _section_cstart, $3  }
0xc0: {  	[dreg:$0x1] =	wrdreg $0xFFFFFFFF  }
0xc1: {  	_ =	task.clear_ibuf [dreg:s7], $0x2FFFF;
	_ =	strace $0x9FFFFFFF  }
0xc2: {  	(tm) =	ssettm $0x7FFFFFFF  }
0xc3: {  	_ =	shalt  }
tec
execute0_lowered:
.L_overlay_start_1:
0x0: {  	(tag) =	ssettag $0x1  }
0x1: {  	s1 =	srdreg.scid  }
0x2: {  	s0 =	stileid.u32;
	s2 =	rddreg [dreg:$0x0]  }
0x3: {  	s4 =	rddreg [dreg:$0x1];
	s18 =	simm.s32 $0x9800;
	s19 =	simm.s32 $0x1  }
0x4: {  	s20 =	simm.s32 $0x4;
	s21 =	simm.s32 $0x0;
	s8 =	sand.u32 $0x1, s1  }
0x5: {  	s10 =	sshll.u32 s0, $0x1;
	s13 =	sadd.s32 $0x17000, s4;
	s15 =	smul.u32 $0x4E, s0  }
0x6: {  	s1 =	sor.u32 s8, s10;
	s9 =	ssub.s32 $0x2, s8;
	s16 =	smul.u32 $0x27, s8  }
0x7: {  	p0 =	seq.s32 s0, $0x0;
	s3 =	smul.u32 $0x27, s1;
	s12 =	sshrl.u32 s9, $0x1  }
0x8: {  	s11 =	smin.u32 s1, $0x2;
	s1 =	rddreg [dreg:$0x2];
	s12 =	ssub.s32 s9, s12  }
0x9: {  	s17 =	ssub.s32 s11, s8;
	s26 =	sadd.s32 s16, s15;
	s15 =	simm.s32 $0x80  }
0xa: {  	s16 =	simm.s32 $0x1800;
	s7 =	sadd.s32 s11, s3;
	s3 =	simm.s32 $0x0  }
0xb: {  	s17 =	ssub.s32 s17, s10;
	s10 =	smax.u32 s12, $0x1;
	s11 =	sadd.s32 s11, s26  }
0xc: {  	s5 =	sadd.s32 $0x4E2, s7;
	[smem:$0x7FF] =	sst s3;
	s14 =	sshll.u32 s7, $0xB  }
0xd: {  	s28 =	sadd.s32 $0x2, s17;
	s30 =	sshll.u32 s11, $0xB;
	s17 =	simm.s32 $0x5800  }
0xe: {  	s6 =	sshll.u32 s5, $0x4;
	_ =	strace $0x80000047;
	s5 =	sand.u32 $0x7, s5  }
0xf: {  	s25 =	sadd.s32 $0x13800, s14;
	s14 =	sadd.s32 $0x12000, s14;
	s29 =	sand.u32 $0x7, s28  }
0x10: {  	s12 =	sadd.s32 s30, s13;
	s6 =	sand.u32 $0x7FFFFF80, s6;
	s9 =	sand.u32 $0x1FFFF800, s25  }
0x11: {  	s14 =	sand.u32 $0x1FFFF800, s14;
	s31 =	sshll.u32 s29, $0x7;
	s6 =	sadd.s32 s6, s4  }
0x12: {  	s4 =	sshll.u32 s5, $0x7;
	s9 =	sadd.s32 s13, s9;
	s11 =	sadd.s32 s13, s14  }
0x13: {  	s13 =	sadd.s32 $0x280, s31;
	s14 =	simm.s32 $0x3;
	s5 =	sadd.s32 $0x3600, s6  }
0x14: {  	s6 =	sadd.s32 $0x80, s4;
	s7 =	sadd.s32 $0x100, s4;
	s8 =	sadd.s32 $0x1380, s4  }
.LBB2_1:
0x15: {  	[tilespmem:s3], [sflag:$0x3] =	stream.linear.gather [hbm4b:s5+s3], $0x1800, $0x38;
	[tilespmem:$0x19800] =	vst v63  }
0x16: {  	_ =	swait.ge [sflag:s14], $0x1800  }
0x17: {  	[sflag:s14] =	ssyncset.done $0x0  }
0x18: {  	s22 =	sand.u32 $0x1, s3;
	[sflag:s14] =	ssyncadd.s32 $0xFFFFE800  }
0x19: {  	[tilespmem:s16], [sflag:$0x1] =	stream.indirect.gather [hbm4b:s2+s15], $0x80, s4, s15, $0xb8;
	[tilespmem:$0x19800] =	vst v63  }
0x1a: {  	p1 =	seq.s32 s22, $0x1  }
0x1b: {  	[tilespmem:s17], [sflag:$0x1] =	stream.indirect.gather [hbm4b:s2+s15], $0x80, s6, s15, $0xb8;
	[tilespmem:$0x19800] =	vst v63  }
0x1c: {  	s22 =	simm.s32 @p1 $0x2  }
0x1d: {  	[tilespmem:s18], [sflag:$0x1] =	stream.indirect.gather [hbm4b:s2+s15], $0x80, s7, s15, $0xb8;
	[tilespmem:$0x19800] =	vst v63  }
0x1e: {  	_ =	swait.ge @p1 [sflag:s22], $0xC000  }
0x1f: {  	s23 =	simm.s32 @p1 $0x1800;
	[sflag:s22] =	ssyncset.done @p1 $0x0  }
0x20: {  	s24 =	simm.s32 @p1 $0x80;
	[sflag:s22] =	ssyncadd.s32 @p1 $0xFFFF4000;
	s22 =	sadd.s32 @p1 $0xFFFFFF00, s13  }
0x21: {  	[tilespmem:s23], [sflag:$0x1] =	stream.indirect.gather @p1 [hbm4b:s2+s24], $0x80, s22, s24, $0xb8;
	[tilespmem:$0x19800] =	vst v63  }
0x22: {  	s22 =	sadd.s32 @p1 $0xFFFFFF80, s13;
	s23 =	simm.s32 @p1 $0x5800  }
0x23: {  	[tilespmem:s23], [sflag:$0x1] =	stream.indirect.gather @p1 [hbm4b:s2+s24], $0x80, s22, s24, $0xb8;
	[tilespmem:$0x19800] =	vst v63  }
0x24: {  	s22 =	simm.s32 @p1 $0x9800  }
0x25: {  	[tilespmem:s22], [sflag:$0x1] =	stream.indirect.gather @p1 [hbm4b:s2+s24], $0x80, s13, s24, $0xb8;
	[tilespmem:$0x19800] =	vst v63  }
0x26: {  	s23 =	simm.s32 @p1 $0xD800;
	s22 =	simm.s32 @p1 $0x0;
	s24 =	simm.s32 @!p1 $0x1  }
0x27: {  	[hbm4b:s12+s22] =	stream.linear.scatter @p1 [tilespmem:s23], [sflag:$0x3], $0xC000, $0x38;
	[tilespmem:$0x19800] =	vst v63  }
0x28: {  	_ =	swait.ge @!p1 [sflag:s24], $0xC000  }
0x29: {  	s25 =	simm.s32 @!p1 $0x80;
	[sflag:s24] =	ssyncset.done @!p1 $0x0  }
0x2a: {  	s22 =	simm.s32 @!p1 $0xD800;
	s23 =	sadd.s32 @!p1 $0xFFFFFF00, s13;
	[sflag:s24] =	ssyncadd.s32 @!p1 $0xFFFF4000  }
0x2b: {  	[tilespmem:s22], [sflag:$0x2] =	stream.indirect.gather @!p1 [hbm4b:s2+s25], $0x80, s23, s25, $0xb8;
	[tilespmem:$0x19800] =	vst v63  }
0x2c: {  	s22 =	sadd.s32 @!p1 $0xFFFFFF80, s13;
	s23 =	simm.s32 @!p1 $0x11800  }
0x2d: {  	[tilespmem:s23], [sflag:$0x2] =	stream.indirect.gather @!p1 [hbm4b:s2+s25], $0x80, s22, s25, $0xb8;
	[tilespmem:$0x19800] =	vst v63  }
0x2e: {  	s31 =	simm.s32 $0x1;
	s24 =	simm.s32 @!p1 $0x4;
	s23 =	simm.s32 @!p1 $0x15800  }
0x2f: {  	[tilespmem:s23], [sflag:$0x2] =	stream.indirect.gather @!p1 [hbm4b:s2+s25], $0x80, s13, s25, $0xb8;
	[tilespmem:$0x19800] =	vst v63  }
0x30: {  	s24 =	simm.s32 @p1 $0x3;
	s23 =	simm.s32 @!p1 $0x0;
	s25 =	simm.s32 @!p1 $0x1800  }
0x31: {  	[hbm4b:s12+s23] =	stream.linear.scatter @!p1 [tilespmem:s25], [sflag:$0x4], $0xC000, $0x38;
	[tilespmem:$0x19800] =	vst v63  }
0x32: {  	s26 =	sand.u32 $0x1, s31;
	s22 =	sadd.s32 $0x1800, s12;
	_ =	swait.ge [sflag:s24], $0xC000  }
0x33: {  	s25 =	simm.s32 $0x2;
	s23 =	sadd.s32 $0x180, s13;
	[sflag:s24] =	ssyncset.done $0x0  }
.LBB2_2:
0x34: {  	p2 =	seq.s32 s26, $0x1  }
0x35: {  	[sflag:s24] =	ssyncadd.s32 $0xFFFF4000;
	s26 =	smov.u32 s25;
	s25 =	sadd.s32 $0x1, s25  }
0x36: {  	p1 =	seq.s32 s25, $0xC;
	s28 =	simm.s32 @p2 $0x2;
	s24 =	simm.s32 @!p2 $0x4  }
0x37: {  	_ =	swait.ge @p2 [sflag:s28], $0xC000  }
0x38: {  	s29 =	simm.s32 @p2 $0x1800;
	[sflag:s28] =	ssyncset.done @p2 $0x0  }
0x39: {  	s30 =	simm.s32 @p2 $0x80;
	[sflag:s28] =	ssyncadd.s32 @p2 $0xFFFF4000;
	s28 =	sadd.s32 @p2 $0xFFFFFF00, s23  }
0x3a: {  	[tilespmem:s29], [sflag:$0x1] =	stream.indirect.gather @p2 [hbm4b:s2+s30], $0x80, s28, s30, $0xb8;
	[tilespmem:$0x19800] =	vst v63  }
0x3b: {  	s28 =	sadd.s32 @p2 $0xFFFFFF80, s23;
	s29 =	simm.s32 @p2 $0x5800  }
0x3c: {  	[tilespmem:s29], [sflag:$0x1] =	stream.indirect.gather @p2 [hbm4b:s2+s30], $0x80, s28, s30, $0xb8;
	[tilespmem:$0x19800] =	vst v63  }
0x3d: {  	s28 =	simm.s32 @p2 $0x9800  }
0x3e: {  	[tilespmem:s28], [sflag:$0x1] =	stream.indirect.gather @p2 [hbm4b:s2+s30], $0x80, s23, s30, $0xb8;
	[tilespmem:$0x19800] =	vst v63  }
0x3f: {  	s29 =	simm.s32 @p2 $0xD800;
	s28 =	simm.s32 @p2 $0x0;
	s30 =	simm.s32 @!p2 $0x1  }
0x40: {  	[hbm4b:s22+s28] =	stream.linear.scatter @p2 [tilespmem:s29], [sflag:$0x3], $0xC000, $0x38;
	[tilespmem:$0x19800] =	vst v63  }
0x41: {  	_ =	swait.ge @!p2 [sflag:s30], $0xC000  }
0x42: {  	s28 =	simm.s32 @!p2 $0xD800;
	[sflag:s30] =	ssyncset.done @!p2 $0x0  }
0x43: {  	s29 =	sadd.s32 @!p2 $0xFFFFFF00, s23;
	[sflag:s30] =	ssyncadd.s32 @!p2 $0xFFFF4000;
	s30 =	simm.s32 @!p2 $0x80  }
0x44: {  	[tilespmem:s28], [sflag:$0x2] =	stream.indirect.gather @!p2 [hbm4b:s2+s30], $0x80, s29, s30, $0xb8;
	[tilespmem:$0x19800] =	vst v63  }
0x45: {  	s28 =	sadd.s32 @!p2 $0xFFFFFF80, s23;
	s29 =	simm.s32 @!p2 $0x11800  }
0x46: {  	[tilespmem:s29], [sflag:$0x2] =	stream.indirect.gather @!p2 [hbm4b:s2+s30], $0x80, s28, s30, $0xb8;
	[tilespmem:$0x19800] =	vst v63  }
0x47: {  	s28 =	simm.s32 @!p2 $0x15800  }
0x48: {  	[tilespmem:s28], [sflag:$0x2] =	stream.indirect.gather @!p2 [hbm4b:s2+s30], $0x80, s23, s30, $0xb8;
	[tilespmem:$0x19800] =	vst v63  }
.Ltmp0:
0x49: {  	_ = 	snop;
	(pc) =	sbr.rel @!p1 .LBB2_2-.Ltmp0, $4  }
0x4a: {  	s24 =	simm.s32 @p2 $0x3;
	s29 =	simm.s32 @!p2 $0x1800;
	s28 =	simm.s32 @!p2 $0x0  }
0x4b: {  	[hbm4b:s22+s28] =	stream.linear.scatter @!p2 [tilespmem:s29], [sflag:$0x4], $0xC000, $0x38;
	[tilespmem:$0x19800] =	vst v63  }
0x4c: {  	s23 =	sadd.s32 $0x180, s23;
	_ =	swait.ge [sflag:s24], $0xC000  }
0x4d: {  	s26 =	sand.u32 $0x1, s26;
	s22 =	sadd.s32 $0x1800, s22;
	[sflag:s24] =	ssyncset.done $0x0  }
0x4e: {  	p1 =	seq.s32 s26, $0x1  }
0x4f: {  	[sflag:s24] =	ssyncadd.s32 $0xFFFF4000;
	s24 =	simm.s32 @p1 $0x2  }
0x50: {  	_ =	swait.ge @p1 [sflag:s24], $0xC000  }
0x51: {  	s25 =	simm.s32 @p1 $0x1800;
	[sflag:s24] =	ssyncset.done @p1 $0x0  }
0x52: {  	s26 =	simm.s32 @p1 $0x80;
	[sflag:s24] =	ssyncadd.s32 @p1 $0xFFFF4000;
	s24 =	sadd.s32 @p1 $0xFFFFFF00, s23  }
0x53: {  	[tilespmem:s25], [sflag:$0x1] =	stream.indirect.gather @p1 [hbm4b:s2+s26], $0x80, s24, s26, $0xb8;
	[tilespmem:$0x19800] =	vst v63  }
0x54: {  	s24 =	sadd.s32 @p1 $0xFFFFFF80, s23;
	s25 =	simm.s32 @p1 $0x5800  }
0x55: {  	[tilespmem:s25], [sflag:$0x1] =	stream.indirect.gather @p1 [hbm4b:s2+s26], $0x80, s24, s26, $0xb8;
	[tilespmem:$0x19800] =	vst v63  }
0x56: {  	s24 =	simm.s32 @p1 $0x9800  }
0x57: {  	[tilespmem:s24], [sflag:$0x1] =	stream.indirect.gather @p1 [hbm4b:s2+s26], $0x80, s23, s26, $0xb8;
	[tilespmem:$0x19800] =	vst v63  }
0x58: {  	s25 =	simm.s32 @p1 $0xD800;
	s24 =	simm.s32 @p1 $0x0;
	s26 =	simm.s32 @!p1 $0x1  }
0x59: {  	[hbm4b:s22+s24] =	stream.linear.scatter @p1 [tilespmem:s25], [sflag:$0x3], $0xC000, $0x38;
	[tilespmem:$0x19800] =	vst v63  }
0x5a: {  	_ =	swait.ge @!p1 [sflag:s26], $0xC000  }
0x5b: {  	s24 =	simm.s32 @!p1 $0xD800;
	[sflag:s26] =	ssyncset.done @!p1 $0x0  }
0x5c: {  	s25 =	sadd.s32 @!p1 $0xFFFFFF00, s23;
	[sflag:s26] =	ssyncadd.s32 @!p1 $0xFFFF4000;
	s26 =	simm.s32 @!p1 $0x80  }
0x5d: {  	[tilespmem:s24], [sflag:$0x2] =	stream.indirect.gather @!p1 [hbm4b:s2+s26], $0x80, s25, s26, $0xb8;
	[tilespmem:$0x19800] =	vst v63  }
0x5e: {  	s24 =	sadd.s32 @!p1 $0xFFFFFF80, s23;
	s25 =	simm.s32 @!p1 $0x11800  }
0x5f: {  	[tilespmem:s25], [sflag:$0x2] =	stream.indirect.gather @!p1 [hbm4b:s2+s26], $0x80, s24, s26, $0xb8;
	[tilespmem:$0x19800] =	vst v63  }
0x60: {  	s24 =	simm.s32 @!p1 $0x4;
	s25 =	simm.s32 @!p1 $0x15800  }
0x61: {  	[tilespmem:s25], [sflag:$0x2] =	stream.indirect.gather @!p1 [hbm4b:s2+s26], $0x80, s23, s26, $0xb8;
	[tilespmem:$0x19800] =	vst v63  }
0x62: {  	s24 =	simm.s32 @p1 $0x3;
	s23 =	simm.s32 @!p1 $0x0;
	s25 =	simm.s32 @!p1 $0x1800  }
0x63: {  	[hbm4b:s22+s23] =	stream.linear.scatter @!p1 [tilespmem:s25], [sflag:$0x4], $0xC000, $0x38;
	[tilespmem:$0x19800] =	vst v63  }
0x64: {  	_ =	swait.ge [sflag:s24], $0xC000  }
0x65: {  	[sflag:s24] =	ssyncset.done $0x0  }
0x66: {  	[sflag:s24] =	ssyncadd.s32 $0xFFFF4000  }
0x67: {  	_ =	swait.ge [sflag:s19], $0xC000  }
0x68: {  	[sflag:s19] =	ssyncset.done $0x0  }
0x69: {  	[sflag:s19] =	ssyncadd.s32 $0xFFFF4000  }
0x6a: {  	[hbm4b:s11+s3] =	stream.linear.scatter [tilespmem:s16], [sflag:$0x4], $0xC000, $0x38;
	[tilespmem:$0x19800] =	vst v63  }
0x6b: {  	_ =	swait.ge [sflag:s20], $0xC000  }
0x6c: {  	[sflag:s20] =	ssyncset.done $0x0  }
0x6d: {  	s22 =	simm.s32 @p0 $0x80;
	s23 =	simm.s32 @p0 $0x1800;
	[sflag:s20] =	ssyncadd.s32 $0xFFFF4000  }
0x6e: {  	[tilespmem:s23], [sflag:$0x1] =	stream.indirect.gather @p0 [hbm4b:s2+s22], $0x80, s8, s22, $0xb8;
	[tilespmem:$0x19800] =	vst v63  }
0x6f: {  	s22 =	simm.s32 @p0 $0x1  }
0x70: {  	_ =	swait.ge @p0 [sflag:s22], $0x4000  }
0x71: {  	s21 =	sadd.s32 $0x1, s21;
	[sflag:s22] =	ssyncset.done @p0 $0x0  }
0x72: {  	p1 =	sne.s32 s21, s10;
	[sflag:s22] =	ssyncadd.s32 @p0 $0xFFFFC000;
	s22 =	simm.s32 @p0 $0x0  }
0x73: {  	[hbm4b:s9+s22] =	stream.linear.scatter @p0 [tilespmem:s23], [sflag:$0x3], $0x4000, $0x38;
	[tilespmem:$0x19800] =	vst v63  }
.Ltmp1:
0x74: {  	_ = 	snop;
	(pc) =	sbr.rel @p1 .LBB2_1-.Ltmp1, $4  }
0x75: {  	s22 =	simm.s32 @p0 $0x3  }
0x76: {  	_ =	swait.ge @p0 [sflag:s22], $0x4000  }
0x77: {  	[sflag:s22] =	ssyncset.done @p0 $0x0  }
0x78: {  	[sflag:s22] =	ssyncadd.s32 @p0 $0xFFFFC000  }
0x79: {  	_ =	sfence.sel $0x180000  }
0x7a: {  	[bflag:$0x0] =	sbarrier.arrive $0xFFFF  }
0x7b: {  	p0 =	sne.s32 s0, $0x0;
	_ =	strace $0x90000047  }
0x7c: {  	s0 =	sadd.s32 @!p0 $0x100000, s1;
	[bflag:$0x2] =	sbarrier.arrive $0xFFFF  }
0x7d: {  	[sflag:s0] =	ssyncadd.tile.s32 @!p0 $0x1;
	_ =	shalt  }
.Lfunc_end2:
_tile_overlayer_lowered:
.L_overlay_start_2:
0x7e: {  	(tag) =	ssettag $0x2  }
0x7f: {  	s0 =	rddreg [dreg:$0x0];
	s2 =	stileid.u32  }
0x80: {  	s1 =	rddreg [dreg:$0x1];
	p0 =	sne.s32 s2, $0x0  }
0x81: {  	s3 =	rddreg [dreg:$0x2];
	[bflag:$0x3] =	sbarrier.arrive $0xFFFF;
	s2 =	simm.s32 @!p0 $0x1C03  }
0x82: {  	[timem:s3], [sflag:s2] =	dma.local @!p0 [hbm:s0], s1  }
0x83: {  	s0 =	simm.s32 @!p0 $0x3  }
0x84: {  	_ =	swait.ge @!p0 [sflag:s0], s1  }
0x85: {  	s1 =	ssub.s32 @!p0 $0x0, s1;
	[sflag:s0] =	ssyncset.done @!p0 $0x0  }
0x86: {  	[sflag:s0] =	ssyncadd.s32 @!p0 s1  }
0x87: {  	[bflag:$0x3] =	sbarrier.arrive $0xFFFF  }
0x88: {  	_ =	shalt  }

// kernel: edge_scatter_s0.3.cloned.1.call-start
scs
__scs_entry_jumppad:
0x0: {  	(pc) =	sbr.rel $0x88, $3  }
0x1: {  	(tag) =	ssettag $0x0;
	lr =	simm.s32 $0x1  }
0x2: {  	[smem:$0x3F93] =	sst lr;
	_ =	strace $0xD0000000  }
0x3: {  	_ = 	snop  }
0x4: {  	_ = 	snop  }
0x5: {  	_ = 	snop  }
0x6: {  	_ = 	snop  }
0x7: {  	_ = 	snop  }
__scs_overlays_trampoline_lowered:
0x8: {  	[smem:$0x3FA2] =	sst s0  }
0x9: {  	[smem:$0x3FA3] =	sst s1  }
0xa: {  	[smem:$0x3FA4] =	sst s2  }
0xb: {  	[smem:$0x3FA5] =	sst s3  }
0xc: {  	[smem:$0x3FA6] =	sst s4  }
0xd: {  	[smem:$0x3FA7] =	sst s5  }
0xe: {  	[smem:$0x3FA8] =	sst s6  }
0xf: {  	[smem:$0x3FA9] =	sst s7  }
0x10: {  	[smem:$0x3FAA] =	sst s8  }
0x11: {  	[smem:$0x3FAB] =	sst s9;
	s0 =	simm.s32 @!p0 $0x0  }
0x12: {  	s1 =	sld [smem:$0x3F91];
	s0 =	simm.s32 @p0 $0x1  }
0x13: {  	[smem:$0x3FAC] =	sst s0;
	s0 =	simm.s32 @!p1 $0x0  }
0x14: {  	s2 =	sld [smem:$0x3F90];
	s0 =	simm.s32 @p1 $0x1  }
0x15: {  	[smem:$0x3FAD] =	sst s0;
	s0 =	simm.s32 @!p2 $0x0  }
0x16: {  	s3 =	sld [smem:$0x3FDB];
	s0 =	simm.s32 @p2 $0x1  }
0x17: {  	s4 =	simm.s32 $0x1BF5;
	[smem:$0x3FAF] =	sst s0  }
0x18: {  	s0 =	sld [smem:$0x3F92];
	_ =	swait.ge [sflag:s4], $0x0  }
0x19: {  	s7 =	sld [smem:$0x3F93]  }
0x1a: {  	s8 =	sadd.s32 $0xFFFFE003, lr  }
0x1b: {  	s9 =	sadd.s32 $0xFFFFFEF7, lr;
	s5 =	simm.s32 $0xFFFFFFFF;
	p2 =	slt.u32 s8, $0xFFFFF086  }
0x1c: {  	p1 =	slt.u32 s9, $0xF7A;
	s5 =	simm.s32 @!p2 $0x0  }
0x1d: {  	s5 =	simm.s32 @p1 $0x1;
	p0 =	seq.s32 s7, s2  }
0x1e: {  	s7 =	smul.u32 @!p0 $0xF7A, s2;
	p2 =	seq.s32 @!p0 s5, $0x0  }
0x1f: {  	s9 =	smul.u32 $0xF7A, s1;
	s8 =	simm.s32 @!p0 $0x1BF5;
	p2 =	por !p2, p0  }
0x20: {  	[sflag:s8] =	ssyncset.s32 @!p0 $0xFFFFF086;
	s6 =	sadd.s32 @!p0 s3, s7;
	s7 =	simm.s32 @!p0 $0x108  }
0x21: {  	s3 =	sadd.s32 s3, s9;
	s6 =	sadd.s32 @!p0 $0x88, s6;
	s7 =	simm.s32 @p2 $0x1082  }
0x22: {  	[simem:s7], [sflag:s8] =	dma.local @!p0 [hbm:s6], $0xF7A  }
0x23: {  	s9 =	sor.u32 $0xD0000000, s2;
	s6 =	simm.s32 $0x108;
	_ =	swait.ge @!p0 [sflag:s8], $0x0  }
0x24: {  	s3 =	sadd.s32 $0x88, s3;
	s6 =	simm.s32 @!p1 $0x1082;
	[sflag:s4] =	ssyncset.s32 $0xFFFFF086  }
0x25: {  	[simem:s6], [sflag:s4] =	dma.local [hbm:s3], $0xF7A  }
0x26: {  	[smem:$0x3F93] =	sst s1;
	(tag) =	ssettag s2;
	_ =	strace s9  }
0x27: {  	s1 =	sld [smem:$0x3FA3]  }
0x28: {  	s2 =	sld [smem:$0x3FA4]  }
0x29: {  	s4 =	sld [smem:$0x3FA6]  }
0x2a: {  	p0 =	seq.s32 s5, $0x0;
	s5 =	sld [smem:$0x3FA7]  }
0x2b: {  	s6 =	sld [smem:$0x3FA8]  }
0x2c: {  	s7 =	sld [smem:$0x3FA9]  }
0x2d: {  	s3 =	simm.s32 $0x108;
	s8 =	sld [smem:$0x3FAA]  }
0x2e: {  	s3 =	simm.s32 @!p0 $0x1082;
	s9 =	sld [smem:$0x3FAB]  }
0x2f: {  	lr =	sadd.s32 s0, s3;
	s0 =	sld [smem:$0x3FA2]  }
0x30: {  	s3 =	sld [smem:$0x3FA5]  }
0x31: {  	[smem:$0x3FAE] =	sst s10  }
0x32: {  	s10 =	sld [smem:$0x3FAC];
	_ =	sdelay $0x3  }
0x33: {  	p0 =	seq.s32 s10, $0x1;
	s10 =	sld [smem:$0x3FAE];
	_ =	sdelay $0x3  }
0x34: {  	[smem:$0x3FAE] =	sst s10  }
0x35: {  	s10 =	sld [smem:$0x3FAD];
	_ =	sdelay $0x3  }
0x36: {  	p1 =	seq.s32 s10, $0x1;
	s10 =	sld [smem:$0x3FAE];
	_ =	sdelay $0x3  }
0x37: {  	[smem:$0x3FAE] =	sst s10  }
0x38: {  	s10 =	sld [smem:$0x3FAF]  }
0x39: {  	_ = 	snop;
	(pc) =	sbr.ind lr, $3  }
0x3a: {  	_ = 	snop  }
0x3b: {  	_ = 	snop  }
0x3c: {  	p2 =	seq.s32 s10, $0x1;
	s10 =	sld [smem:$0x3FAE]  }
0x3d: {  	_ =	shalt  }
0x3e: {  	_ =	shalt  }
0x3f: {  	_ =	shalt  }
0x40: {  	_ =	shalt  }
0x41: {  	_ =	shalt  }
0x42: {  	_ =	shalt  }
0x43: {  	_ =	shalt  }
0x44: {  	_ =	shalt  }
0x45: {  	_ =	shalt  }
0x46: {  	_ =	shalt  }
0x47: {  	_ =	shalt  }
0x48: {  	_ =	shalt  }
0x49: {  	_ =	shalt  }
0x4a: {  	_ =	shalt  }
0x4b: {  	_ =	shalt  }
0x4c: {  	_ =	shalt  }
0x4d: {  	_ =	shalt  }
0x4e: {  	_ =	shalt  }
0x4f: {  	_ =	shalt  }
0x50: {  	_ =	shalt  }
0x51: {  	_ =	shalt  }
0x52: {  	_ =	shalt  }
0x53: {  	_ =	shalt  }
0x54: {  	_ =	shalt  }
0x55: {  	_ =	shalt  }
0x56: {  	_ =	shalt  }
0x57: {  	_ =	shalt  }
0x58: {  	_ =	shalt  }
0x59: {  	_ =	shalt  }
0x5a: {  	_ =	shalt  }
0x5b: {  	_ =	shalt  }
0x5c: {  	_ =	shalt  }
0x5d: {  	_ =	shalt  }
0x5e: {  	_ =	shalt  }
0x5f: {  	_ =	shalt  }
0x60: {  	_ =	shalt  }
0x61: {  	_ =	shalt  }
0x62: {  	_ =	shalt  }
0x63: {  	_ =	shalt  }
0x64: {  	_ =	shalt  }
0x65: {  	_ =	shalt  }
0x66: {  	_ =	shalt  }
0x67: {  	_ =	shalt  }
0x68: {  	_ =	shalt  }
0x69: {  	_ =	shalt  }
0x6a: {  	_ =	shalt  }
0x6b: {  	_ =	shalt  }
0x6c: {  	_ =	shalt  }
0x6d: {  	_ =	shalt  }
0x6e: {  	_ =	shalt  }
0x6f: {  	_ =	shalt  }
0x70: {  	_ =	shalt  }
0x71: {  	_ =	shalt  }
0x72: {  	_ =	shalt  }
0x73: {  	_ =	shalt  }
0x74: {  	_ =	shalt  }
0x75: {  	_ =	shalt  }
0x76: {  	_ =	shalt  }
0x77: {  	_ =	shalt  }
0x78: {  	_ =	shalt  }
0x79: {  	_ =	shalt  }
0x7a: {  	_ =	shalt  }
0x7b: {  	_ =	shalt  }
0x7c: {  	_ =	shalt  }
0x7d: {  	_ =	shalt  }
0x7e: {  	_ =	shalt  }
0x7f: {  	_ =	shalt  }
0x80: {  	_ =	shalt  }
0x81: {  	_ =	shalt  }
0x82: {  	_ =	shalt  }
0x83: {  	_ =	shalt  }
0x84: {  	_ =	shalt  }
0x85: {  	_ =	shalt  }
0x86: {  	_ =	shalt  }
0x87: {  	_ =	shalt  }
.Lfunc_end0:
.L_simem_size_0:
called_computation.1_lowered:
.L_overlay_start_0:
0x88: {  	s2 =	sld [smem:$0x3FD9]  }
0x89: {  	s3 =	sld [smem:$0x3FFE];
	_ =	sdelay $0x1  }
0x8a: {  	s1 =	srdreg.scid  }
0x8b: {  	s0 =	sand.u32 $0x1, s1  }
0x8c: {  	s17 =	sshll.u32 s0, $0xA;
	s2 =	sadd.s32 s3, s2  }
0x8d: {  	s2 =	sadd.s32 s2, s17  }
0x8e: {  	[smem:$0x3FBA] =	sst s2  }
0x8f: {  	_ = 	snop  }
0x90: {  	(tm) =	ssettm $0x1  }
0x91: {  	s18 =	sld [smem:$0x3FFB];
	_ =	sdelay $0x3  }
0x92: {  	_ =	strace s18  }
0x93: {  	s2 =	sld [smem:$0x3FFC];
	_ =	sdelay $0x3  }
0x94: {  	_ =	strace s2  }
0x95: {  	s2 =	sld [smem:$0x3FFD];
	_ =	sdelay $0x3  }
0x96: {  	_ =	strace s2  }
0x97: {  	_ =	strace $0x8FFFFFFF  }
0x98: {  	s19 =	sld [smem:$0x3FDB];
	_ =	sdelay $0x1  }
0x99: {  	s20 =	simm.s32 $_scs_section_size  }
0x9a: {  	s4 =	simm.s32 $_size__tile_overlayer_lowered;
	s5 =	simm.s32 $_tile_overlayer_lowered  }
0x9b: {  	s6 =	simm.s32 $0x1BFF;
	s21 =	sshll.u32 s5, $0x1;
	s3 =	sadd.s32 s20, s19  }
0x9c: {  	s22 =	simm.s32 $0x0;
	s4 =	sshll.u32 s4, $0x1;
	s5 =	sadd.s32 s21, s3  }
0x9d: {  	[timem:s22], [sflag:s6] =	dma.local [hbm:s5], s4  }
0x9e: {  	_ =	swait.ge [sflag:s6], s4  }
0x9f: {  	s4 =	ssub.s32 $0x0, s4;
	[sflag:s6] =	ssyncset.done $0x0  }
0xa0: {  	[sflag:s6] =	ssyncadd.s32 s4;
	_ =	sdelay $0x1  }
0xa1: {  	s23 =	simm.s32 $0x1B8B  }
0xa2: {  	_ =	swait.ge [sflag:s23], $0x1  }
0xa3: {  	[sflag:s23] =	ssyncset.done $0x0  }
0xa4: {  	[sflag:s23] =	ssyncadd.s32 $0xFFFFFFFF  }
0xa5: {  	s4 =	sld [smem:$0x0]  }
0xa6: {  	s5 =	sand.u32 $0xFFFFFFFE, s1  }
0xa7: {  	p0 =	sne.s32 s1, s5  }
0xa8: {  	s5 =	sshll.u32 @p0 s5, $0xE  }
0xa9: {  	s5 =	sadd.s32 @p0 $0x11B8D, s5;
	s6 =	sshll.u32 @p0 s4, $0x11  }
0xaa: {  	s5 =	sor.u32 @p0 s6, s5  }
0xab: {  	[sflag:s5] =	ssyncadd.remote.s32 @p0 $0x1;
	_ =	sdelay $0x1  }
0xac: {  	s5 =	simm.s32 @p0 $0x1B8D  }
0xad: {  	_ =	swait.eq @p0 [sflag:s5], $0x1  }
0xae: {  	[sflag:s5] =	ssyncadd.s32 @p0 $0xFFFFFFFF  }
0xaf: {  	s6 =	sshll.u32 @!p0 s1, $0xE  }
0xb0: {  	s6 =	sor.u32 @!p0 $0x4000, s6;
	s5 =	simm.s32 @!p0 $0x1B8D  }
0xb1: {  	s4 =	sshll.u32 @!p0 s4, $0x11;
	s6 =	sadd.s32 @!p0 $0x11B8D, s6;
	_ =	swait.eq @!p0 [sflag:s5], $0x1  }
0xb2: {  	s4 =	sor.u32 @!p0 s4, s6;
	[sflag:s5] =	ssyncadd.s32 @!p0 $0xFFFFFFFF  }
0xb3: {  	s25 =	simm.s32 $0x1B8E;
	s24 =	sld [smem:$0x3FFE];
	[sflag:s4] =	ssyncadd.remote.s32 @!p0 $0x1  }
0xb4: {  	s26 =	simm.s32 $execute0_lowered;
	[smem:$0x3FD2] =	sst s25  }
0xb5: {  	s5 =	sshll.u32 s26, $0x1;
	_ =	strace $0x8000004F;
	[dreg:$0x1] =	wrdreg $0xFFFFFFFF  }
0xb6: {  	s28 =	simm.s32 $_size_execute0_lowered;
	s3 =	sadd.s32 s3, s5;
	[dreg:$0x0] =	wrdreg $0x0  }
0xb7: {  	s5 =	sshll.u32 s28, $0x1;
	[dreg:$0x2] =	wrdreg s3  }
0xb8: {  	[dreg:$0x3] =	wrdreg s5  }
0xb9: {  	[dreg:$0x4] =	wrdreg $0xC0  }
0xba: {  	_ =	task [dreg:s22], $0x5FFFF  }
0xbb: {  	[dreg:$0x1] =	wrdreg $0xFFFFFFFF  }
0xbc: {  	[dreg:$0x0] =	wrdreg $0x60  }
0xbd: {  	[dreg:$0x2] =	wrdreg s24  }
0xbe: {  	[dreg:$0x3] =	wrdreg $0x98000  }
0xbf: {  	[dreg:$0x4] =	wrdreg $0x9  }
0xc0: {  	_ =	task.clear_ibuf [dreg:s22], $0x5FFFF;
	_ =	strace $0x9000004F  }
0xc1: {  	s29 =	simm.s32 $0x9;
	_ =	strace $0x80000051  }
0xc2: {  	_ =	swait.ge [sflag:s29], $0x1  }
0xc3: {  	[sflag:s29] =	ssyncadd.s32 $0xFFFFFFFF  }
0xc4: {  	_ =	strace $0x90000051  }
0xc5: {  	_ =	sfence  }
0xc6: {  	s30 =	sld [smem:$0x0];
	_ =	sdelay $0x2  }
0xc7: {  	s31 =	sshll.u32 s1, $0xD;
	s1 =	sshrl.u32 s1, $0x2  }
0xc8: {  	s4 =	sand.u32 $0x4000, s31;
	s1 =	sadd.s32 s1, s30  }
0xc9: {  	s0 =	sor.u32 s4, s0;
	s1 =	sshll.u32 s1, $0x11  }
0xca: {  	s0 =	sor.u32 s1, s0  }
0xcb: {  	s0 =	sadd.s32 $0x8F2B, s0  }
0xcc: {  	[sflag:s0] =	ssyncadd.remote.s32 $0x1  }
0xcd: {  	_ =	sfence.sel $0xFFFF  }
0xce: {  	[dreg:$0x0] =	wrdreg $0xFFFFFFFF;
	(pc) =	sbr.abs _section_cstart, $3  }
0xcf: {  	[dreg:$0x1] =	wrdreg $0xFFFFFFFF  }
0xd0: {  	_ =	task.clear_ibuf [dreg:s22], $0x2FFFF;
	_ =	strace $0x9FFFFFFF  }
0xd1: {  	(tm) =	ssettm $0x7FFFFFFF  }
tec
execute0_lowered:
.L_overlay_start_1:
0x0: {  	(tag) =	ssettag $0x1  }
0x1: {  	s1 =	srdreg.scid  }
0x2: {  	s0 =	stileid.u32;
	s7 =	rddreg [dreg:$0x0]  }
0x3: {  	s2 =	rddreg [dreg:$0x1];
	s3 =	simm.s32 $0x0;
	s15 =	simm.s32 $0x27  }
0x4: {  	s18 =	simm.s32 $0x1800;
	s19 =	simm.s32 $0x3;
	s6 =	sand.u32 $0x1, s1  }
0x5: {  	s29 =	sshll.u32 s0, $0x1;
	[smem:$0x7FF] =	sst s3;
	s10 =	smul.u32 $0x14000, s0  }
0x6: {  	s12 =	smul.u32 $0x50000, s0;
	p0 =	seq.s32 s0, $0x0;
	s1 =	sor.u32 s6, s29  }
0x7: {  	s8 =	smul.u32 $0x140000, s6;
	s6 =	ssub.s32 $0x2, s6;
	s15 =	simm.s32 @!p0 $0x26  }
0x8: {  	s4 =	smul.u32 $0x27, s1;
	s5 =	smin.u32 s1, $0x2;
	s1 =	rddreg [dreg:$0x2]  }
0x9: {  	_ =	strace $0x80000050;
	s30 =	sshrl.u32 s6, $0x1;
	s31 =	sshrl.u32 s12, $0x2  }
0xa: {  	s8 =	sadd.s32 s10, s8;
	s16 =	ssub.s32 s6, s30;
	s4 =	sadd.s32 s5, s4  }
0xb: {  	s6 =	sadd.s32 s31, s2;
	s5 =	sadd.s32 $0x76A000, s7;
	s11 =	sadd.s32 $0x9C4, s4  }
0xc: {  	s8 =	sshrl.u32 s8, $0x3;
	s10 =	sadd.s32 $0x10000, s6;
	s9 =	sshll.u32 s11, $0x4  }
0xd: {  	s16 =	smax.u32 s16, $0x1;
	s14 =	sadd.s32 s8, s7;
	s9 =	sand.u32 $0x7FFFFF80, s9  }
0xe: {  	s8 =	sadd.s32 $0x8000, s6;
	s17 =	sshll.u32 s4, $0xB;
	s13 =	sadd.s32 s9, s7  }
0xf: {  	s12 =	sadd.s32 $0x3600, s13;
	s13 =	sadd.s32 s5, s17;
	s17 =	sadd.s32 $0x13800, s17  }
0x10: {  	s11 =	sand.u32 $0x7, s11;
	s14 =	sadd.s32 $0x67000, s14;
	s17 =	sand.u32 $0x1FFFF800, s17  }
0x11: {  	v0 =	vimm.f32 $0.0e+00;
	s7 =	sadd.s32 $0x4000, s6;
	s9 =	sadd.s32 $0xC000, s6;
	s17 =	sadd.s32 s5, s17  }
.LBB2_1:
0x12: {  	s20 =	simm.s32 $0x0;
	s21 =	simm.s32 $0x200  }
.LBB2_2:
0x13: {  	p0 =	sne.s32 s21, $0xFE00;
	[tilespmem:s20+$0x1870] =	vst v0  }
0x14: {  	[tilespmem:s20+$0x1800] =	vst v0  }
0x15: {  	[tilespmem:s20+$0x1810] =	vst v0  }
.Ltmp0:
0x16: {  	[tilespmem:s20+$0x1820] =	vst v0;
	(pc) =	sbr.rel @p0 .LBB2_2-.Ltmp0, $4  }
0x17: {  	[tilespmem:s20+$0x1830] =	vst v0  }
0x18: {  	[tilespmem:s20+$0x1840] =	vst v0  }
0x19: {  	[tilespmem:s20+$0x1850] =	vst v0  }
0x1a: {  	[tilespmem:s20+$0x1860] =	vst v0;
	s20 =	sshra.s32 s21, $0x2;
	s21 =	sadd.s32 $0x200, s21  }
0x1b: {  	[tilespmem:s20+$0x1870] =	vst v0  }
0x1c: {  	[tilespmem:s20+$0x1800] =	vst v0  }
0x1d: {  	[tilespmem:s20+$0x1810] =	vst v0  }
0x1e: {  	[tilespmem:s20+$0x1820] =	vst v0  }
0x1f: {  	[tilespmem:s20+$0x1830] =	vst v0  }
0x20: {  	[tilespmem:s20+$0x1840] =	vst v0  }
0x21: {  	[tilespmem:s20+$0x1850] =	vst v0  }
0x22: {  	[tilespmem:s20+$0x1860] =	vst v0  }
0x23: {  	[spmem:s6] =	stream.linear.scatter [tilespmem:s18], [sflag:$0x3], $0x4000, $0x38;
	[tilespmem:$0x1D800] =	vst v63  }
0x24: {  	_ =	swait.ge [sflag:s19], $0x4000  }
0x25: {  	[sflag:s19] =	ssyncset.done $0x0  }
0x26: {  	[sflag:s19] =	ssyncadd.s32 $0xFFFFC000  }
0x27: {  	[spmem:s7] =	stream.linear.scatter [tilespmem:s18], [sflag:$0x3], $0x4000, $0x38;
	[tilespmem:$0x1D800] =	vst v63  }
0x28: {  	_ =	swait.ge [sflag:s19], $0x4000  }
0x29: {  	[sflag:s19] =	ssyncset.done $0x0  }
0x2a: {  	[sflag:s19] =	ssyncadd.s32 $0xFFFFC000  }
0x2b: {  	[spmem:s8] =	stream.linear.scatter [tilespmem:s18], [sflag:$0x3], $0x4000, $0x38;
	[tilespmem:$0x1D800] =	vst v63  }
0x2c: {  	_ =	swait.ge [sflag:s19], $0x4000  }
0x2d: {  	[sflag:s19] =	ssyncset.done $0x0  }
0x2e: {  	[sflag:s19] =	ssyncadd.s32 $0xFFFFC000  }
0x2f: {  	[spmem:s9] =	stream.linear.scatter [tilespmem:s18], [sflag:$0x3], $0x4000, $0x38;
	[tilespmem:$0x1D800] =	vst v63  }
0x30: {  	_ =	swait.ge [sflag:s19], $0x4000  }
0x31: {  	[sflag:s19] =	ssyncset.done $0x0  }
0x32: {  	[sflag:s19] =	ssyncadd.s32 $0xFFFFC000  }
0x33: {  	[spmem:s10] =	stream.linear.scatter [tilespmem:s18], [sflag:$0x3], $0x4000, $0x38;
	[tilespmem:$0x1D800] =	vst v63  }
0x34: {  	_ =	swait.ge [sflag:s19], $0x4000  }
0x35: {  	[sflag:s19] =	ssyncset.done $0x0  }
0x36: {  	[sflag:s19] =	ssyncadd.s32 $0xFFFFC000  }
0x37: {  	s20 =	simm.s32 $0x0;
	[bflag:$0x0] =	sbarrier.arrive $0xFFFF  }
0x38: {  	[tilespmem:s20], [sflag:$0x3] =	stream.linear.gather [hbm4b:s12+s20], $0x1800, $0x38;
	[tilespmem:$0x1D800] =	vst v63  }
0x39: {  	_ =	swait.ge [sflag:s19], $0x1800  }
0x3a: {  	[sflag:s19] =	ssyncset.done $0x0  }
0x3b: {  	[sflag:s19] =	ssyncadd.s32 $0xFFFFE800  }
0x3c: {  	[tilespmem:s18], [sflag:$0x1] =	stream.linear.gather [hbm4b:s13+s20], $0x4000, $0x38;
	[tilespmem:$0x1D800] =	vst v63  }
.LBB2_4:
0x3d: {  	s21 =	sand.u32 $0x1, s20  }
0x3e: {  	p0 =	seq.s32 s21, $0x1  }
0x3f: {  	s21 =	simm.s32 @p0 $0x2;
	s22 =	sadd.s32 @p0 $0x1, s20  }
0x40: {  	_ =	swait.ge @p0 [sflag:s21], $0x4000;
	s23 =	sadd.s32 @p0 s4, s22  }
0x41: {  	[sflag:s21] =	ssyncset.done @p0 $0x0;
	s23 =	sshll.u32 @p0 s23, $0xB  }
0x42: {  	s24 =	sadd.s32 s11, s20;
	[sflag:s21] =	ssyncadd.s32 @p0 $0xFFFFC000;
	s21 =	sand.u32 @p0 $0x1FFFF800, s23  }
0x43: {  	s25 =	simm.s32 @p0 $0x1800;
	s23 =	simm.s32 @p0 $0x0;
	s21 =	sadd.s32 @p0 s5, s21  }
0x44: {  	[tilespmem:s25], [sflag:$0x1] =	stream.linear.gather @p0 [hbm4b:s21+s23], $0x4000, $0x38;
	[tilespmem:$0x1D800] =	vst v63  }
0x45: {  	s21 =	sshll.u32 @p0 s24, $0x9  }
0x46: {  	s23 =	simm.s32 @p0 $0x80;
	s25 =	simm.s32 @p0 $0x5800;
	s21 =	sshra.s32 @p0 s21, $0x2  }
0x47: {  	[spmem:s2] =	stream.indirect.scatter.add.f32 @p0 [tilespmem:s25], [sflag:$0x3], $0x80, s21, s23, $0xb8;
	[tilespmem:$0x1D800] =	vst v63  }
0x48: {  	s21 =	simm.s32 @p0 $0x3  }
0x49: {  	_ =	swait.ge @p0 [sflag:s21], $0x4000  }
0x4a: {  	[sflag:s21] =	ssyncset.done @p0 $0x0  }
0x4b: {  	s20 =	sor.u32 @!p0 $0x1, s20;
	[sflag:s21] =	ssyncadd.s32 @p0 $0xFFFFC000;
	s21 =	simm.s32 @!p0 $0x1  }
0x4c: {  	s23 =	sadd.s32 @!p0 s4, s20;
	_ =	swait.ge @!p0 [sflag:s21], $0x4000  }
0x4d: {  	s23 =	sshll.u32 @!p0 s23, $0xB;
	[sflag:s21] =	ssyncset.done @!p0 $0x0  }
0x4e: {  	s25 =	simm.s32 @!p0 $0x5800;
	[sflag:s21] =	ssyncadd.s32 @!p0 $0xFFFFC000;
	s21 =	sand.u32 @!p0 $0x1FFFF800, s23  }
0x4f: {  	s20 =	smov.u32 @p0 s22;
	s23 =	simm.s32 @!p0 $0x0;
	s21 =	sadd.s32 @!p0 s5, s21  }
0x50: {  	[tilespmem:s25], [sflag:$0x2] =	stream.linear.gather @!p0 [hbm4b:s21+s23], $0x4000, $0x38;
	[tilespmem:$0x1D800] =	vst v63  }
0x51: {  	p1 =	sne.s32 s20, s15;
	s21 =	sshll.u32 @!p0 s24, $0x9  }
0x52: {  	s23 =	simm.s32 @!p0 $0x80;
	s24 =	simm.s32 @!p0 $0x1800;
	s21 =	sshra.s32 @!p0 s21, $0x2  }
0x53: {  	[spmem:s2] =	stream.indirect.scatter.add.f32 @!p0 [tilespmem:s24], [sflag:$0x4], $0x80, s21, s23, $0xb8;
	[tilespmem:$0x1D800] =	vst v63  }
.Ltmp1:
0x54: {  	_ = 	snop;
	(pc) =	sbr.rel @p1 .LBB2_4-.Ltmp1, $4  }
0x55: {  	s21 =	simm.s32 @!p0 $0x4  }
0x56: {  	_ =	swait.ge @!p0 [sflag:s21], $0x4000  }
0x57: {  	[sflag:s21] =	ssyncset.done @!p0 $0x0  }
0x58: {  	[sflag:s21] =	ssyncadd.s32 @!p0 $0xFFFFC000  }
0x59: {  	s21 =	sand.u32 $0x1, s20  }
0x5a: {  	p0 =	seq.s32 s21, $0x0  }
0x5b: {  	s21 =	simm.s32 @p0 $0x1  }
0x5c: {  	p1 =	sne.s32 @p0 s0, $0x0;
	_ =	swait.ge @p0 [sflag:s21], $0x4000  }
0x5d: {  	p1 =	por p1, !p0;
	[sflag:s21] =	ssyncset.done @p0 $0x0  }
0x5e: {  	s22 =	simm.s32 @!p1 $0x5800;
	[sflag:s21] =	ssyncadd.s32 @p0 $0xFFFFC000;
	s21 =	simm.s32 @!p1 $0x0  }
0x5f: {  	[tilespmem:s22], [sflag:$0x2] =	stream.linear.gather @!p1 [hbm4b:s17+s21], $0x4000, $0x38;
	[tilespmem:$0x1D800] =	vst v63  }
0x60: {  	s21 =	sadd.s32 @p0 s11, s20  }
0x61: {  	s21 =	sshll.u32 @p0 s21, $0x9  }
0x62: {  	s23 =	simm.s32 @p0 $0x1800;
	s22 =	simm.s32 @p0 $0x80;
	s21 =	sshra.s32 @p0 s21, $0x2  }
0x63: {  	[spmem:s2] =	stream.indirect.scatter.add.f32 @p0 [tilespmem:s23], [sflag:$0x4], $0x80, s21, s22, $0xb8;
	[tilespmem:$0x1D800] =	vst v63  }
0x64: {  	s21 =	simm.s32 @!p0 $0x2  }
0x65: {  	p1 =	sge.u32 @!p0 s20, s15;
	s20 =	sadd.s32 @!p0 s11, s20;
	_ =	swait.ge @!p0 [sflag:s21], $0x4000  }
0x66: {  	p1 =	por p1, p0;
	s20 =	sshll.u32 @!p0 s20, $0x9;
	[sflag:s21] =	ssyncset.done @!p0 $0x0  }
0x67: {  	s22 =	simm.s32 @!p1 $0x1800;
	[sflag:s21] =	ssyncadd.s32 @!p0 $0xFFFFC000;
	s21 =	simm.s32 @!p1 $0x0  }
0x68: {  	[tilespmem:s22], [sflag:$0x1] =	stream.linear.gather @!p1 [hbm4b:s17+s21], $0x4000, $0x38;
	[tilespmem:$0x1D800] =	vst v63  }
0x69: {  	s20 =	sshra.s32 @!p0 s20, $0x2;
	s21 =	simm.s32 @!p0 $0x80;
	s22 =	simm.s32 @!p0 $0x5800  }
0x6a: {  	[spmem:s2] =	stream.indirect.scatter.add.f32 @!p0 [tilespmem:s22], [sflag:$0x3], $0x80, s20, s21, $0xb8;
	[tilespmem:$0x1D800] =	vst v63  }
0x6b: {  	s20 =	simm.s32 @!p0 $0x3  }
0x6c: {  	s20 =	simm.s32 @p0 $0x4  }
0x6d: {  	_ =	swait.ge [sflag:s20], $0x4000  }
0x6e: {  	s30 =	sshll.u32 s0, $0x6;
	s3 =	sadd.s32 $0x1, s3;
	[sflag:s20] =	ssyncset.done $0x0  }
0x6f: {  	s31 =	sshrl.u32 s6, $0x3;
	p0 =	sne.s32 s3, s16;
	[sflag:s20] =	ssyncadd.s32 $0xFFFFC000  }
.Ltmp2:
0x70: {  	s20 =	sor.u32 $0x1C03, s30;
	[bflag:$0x0] =	sbarrier.arrive $0xFFFF;
	(pc) =	sbr.rel @p0 .LBB2_1-.Ltmp2, $4  }
0x71: {  	[hbm:s14], [sflag:s20] =	dma.local [spmem:s31], $0x2800  }
0x72: {  	_ =	swait.ge [sflag:s19], $0x2800  }
0x73: {  	[sflag:s19] =	ssyncset.done $0x0  }
0x74: {  	[sflag:s19] =	ssyncadd.s32 $0xFFFFD800  }
0x75: {  	_ =	sfence.sel $0x180000  }
0x76: {  	[bflag:$0x0] =	sbarrier.arrive $0xFFFF  }
0x77: {  	p0 =	sne.s32 s0, $0x0;
	_ =	strace $0x90000050  }
0x78: {  	s0 =	sadd.s32 @!p0 $0x100000, s1;
	[bflag:$0x2] =	sbarrier.arrive $0xFFFF  }
0x79: {  	[sflag:s0] =	ssyncadd.tile.s32 @!p0 $0x1;
	_ =	shalt  }
.Lfunc_end2:
_tile_overlayer_lowered:
.L_overlay_start_2:
0x7a: {  	(tag) =	ssettag $0x2  }
0x7b: {  	s0 =	rddreg [dreg:$0x0];
	s2 =	stileid.u32  }
0x7c: {  	s1 =	rddreg [dreg:$0x1];
	p0 =	sne.s32 s2, $0x0  }
0x7d: {  	s3 =	rddreg [dreg:$0x2];
	[bflag:$0x3] =	sbarrier.arrive $0xFFFF;
	s2 =	simm.s32 @!p0 $0x1C03  }
0x7e: {  	[timem:s3], [sflag:s2] =	dma.local @!p0 [hbm:s0], s1  }
0x7f: {  	s0 =	simm.s32 @!p0 $0x3  }
0x80: {  	_ =	swait.ge @!p0 [sflag:s0], s1  }
0x81: {  	s1 =	ssub.s32 @!p0 $0x0, s1;
	[sflag:s0] =	ssyncset.done @!p0 $0x0  }
0x82: {  	[sflag:s0] =	ssyncadd.s32 @!p0 s1  }
0x83: {  	[bflag:$0x3] =	sbarrier.arrive $0xFFFF  }
0x84: {  	_ =	shalt  }

// kernel: edge_scatter_s1.3.cloned.1.call-start
scs
__scs_entry_jumppad:
0x0: {  	(pc) =	sbr.rel $0x88, $3  }
0x1: {  	(tag) =	ssettag $0x0;
	lr =	simm.s32 $0x1  }
0x2: {  	[smem:$0x3F93] =	sst lr;
	_ =	strace $0xD0000000  }
0x3: {  	_ = 	snop  }
0x4: {  	_ = 	snop  }
0x5: {  	_ = 	snop  }
0x6: {  	_ = 	snop  }
0x7: {  	_ = 	snop  }
__scs_overlays_trampoline_lowered:
0x8: {  	[smem:$0x3FA2] =	sst s0  }
0x9: {  	[smem:$0x3FA3] =	sst s1  }
0xa: {  	[smem:$0x3FA4] =	sst s2  }
0xb: {  	[smem:$0x3FA5] =	sst s3  }
0xc: {  	[smem:$0x3FA6] =	sst s4  }
0xd: {  	[smem:$0x3FA7] =	sst s5  }
0xe: {  	[smem:$0x3FA8] =	sst s6  }
0xf: {  	[smem:$0x3FA9] =	sst s7  }
0x10: {  	[smem:$0x3FAA] =	sst s8  }
0x11: {  	[smem:$0x3FAB] =	sst s9;
	s0 =	simm.s32 @!p0 $0x0  }
0x12: {  	s1 =	sld [smem:$0x3F91];
	s0 =	simm.s32 @p0 $0x1  }
0x13: {  	[smem:$0x3FAC] =	sst s0;
	s0 =	simm.s32 @!p1 $0x0  }
0x14: {  	s2 =	sld [smem:$0x3F90];
	s0 =	simm.s32 @p1 $0x1  }
0x15: {  	[smem:$0x3FAD] =	sst s0;
	s0 =	simm.s32 @!p2 $0x0  }
0x16: {  	s3 =	sld [smem:$0x3FDB];
	s0 =	simm.s32 @p2 $0x1  }
0x17: {  	s4 =	simm.s32 $0x1BF5;
	[smem:$0x3FAF] =	sst s0  }
0x18: {  	s0 =	sld [smem:$0x3F92];
	_ =	swait.ge [sflag:s4], $0x0  }
0x19: {  	s7 =	sld [smem:$0x3F93]  }
0x1a: {  	s8 =	sadd.s32 $0xFFFFE003, lr  }
0x1b: {  	s9 =	sadd.s32 $0xFFFFFEF7, lr;
	s5 =	simm.s32 $0xFFFFFFFF;
	p2 =	slt.u32 s8, $0xFFFFF086  }
0x1c: {  	p1 =	slt.u32 s9, $0xF7A;
	s5 =	simm.s32 @!p2 $0x0  }
0x1d: {  	s5 =	simm.s32 @p1 $0x1;
	p0 =	seq.s32 s7, s2  }
0x1e: {  	s7 =	smul.u32 @!p0 $0xF7A, s2;
	p2 =	seq.s32 @!p0 s5, $0x0  }
0x1f: {  	s9 =	smul.u32 $0xF7A, s1;
	s8 =	simm.s32 @!p0 $0x1BF5;
	p2 =	por !p2, p0  }
0x20: {  	[sflag:s8] =	ssyncset.s32 @!p0 $0xFFFFF086;
	s6 =	sadd.s32 @!p0 s3, s7;
	s7 =	simm.s32 @!p0 $0x108  }
0x21: {  	s3 =	sadd.s32 s3, s9;
	s6 =	sadd.s32 @!p0 $0x88, s6;
	s7 =	simm.s32 @p2 $0x1082  }
0x22: {  	[simem:s7], [sflag:s8] =	dma.local @!p0 [hbm:s6], $0xF7A  }
0x23: {  	s9 =	sor.u32 $0xD0000000, s2;
	s6 =	simm.s32 $0x108;
	_ =	swait.ge @!p0 [sflag:s8], $0x0  }
0x24: {  	s3 =	sadd.s32 $0x88, s3;
	s6 =	simm.s32 @!p1 $0x1082;
	[sflag:s4] =	ssyncset.s32 $0xFFFFF086  }
0x25: {  	[simem:s6], [sflag:s4] =	dma.local [hbm:s3], $0xF7A  }
0x26: {  	[smem:$0x3F93] =	sst s1;
	(tag) =	ssettag s2;
	_ =	strace s9  }
0x27: {  	s1 =	sld [smem:$0x3FA3]  }
0x28: {  	s2 =	sld [smem:$0x3FA4]  }
0x29: {  	s4 =	sld [smem:$0x3FA6]  }
0x2a: {  	p0 =	seq.s32 s5, $0x0;
	s5 =	sld [smem:$0x3FA7]  }
0x2b: {  	s6 =	sld [smem:$0x3FA8]  }
0x2c: {  	s7 =	sld [smem:$0x3FA9]  }
0x2d: {  	s3 =	simm.s32 $0x108;
	s8 =	sld [smem:$0x3FAA]  }
0x2e: {  	s3 =	simm.s32 @!p0 $0x1082;
	s9 =	sld [smem:$0x3FAB]  }
0x2f: {  	lr =	sadd.s32 s0, s3;
	s0 =	sld [smem:$0x3FA2]  }
0x30: {  	s3 =	sld [smem:$0x3FA5]  }
0x31: {  	[smem:$0x3FAE] =	sst s10  }
0x32: {  	s10 =	sld [smem:$0x3FAC];
	_ =	sdelay $0x3  }
0x33: {  	p0 =	seq.s32 s10, $0x1;
	s10 =	sld [smem:$0x3FAE];
	_ =	sdelay $0x3  }
0x34: {  	[smem:$0x3FAE] =	sst s10  }
0x35: {  	s10 =	sld [smem:$0x3FAD];
	_ =	sdelay $0x3  }
0x36: {  	p1 =	seq.s32 s10, $0x1;
	s10 =	sld [smem:$0x3FAE];
	_ =	sdelay $0x3  }
0x37: {  	[smem:$0x3FAE] =	sst s10  }
0x38: {  	s10 =	sld [smem:$0x3FAF]  }
0x39: {  	_ = 	snop;
	(pc) =	sbr.ind lr, $3  }
0x3a: {  	_ = 	snop  }
0x3b: {  	_ = 	snop  }
0x3c: {  	p2 =	seq.s32 s10, $0x1;
	s10 =	sld [smem:$0x3FAE]  }
0x3d: {  	_ =	shalt  }
0x3e: {  	_ =	shalt  }
0x3f: {  	_ =	shalt  }
0x40: {  	_ =	shalt  }
0x41: {  	_ =	shalt  }
0x42: {  	_ =	shalt  }
0x43: {  	_ =	shalt  }
0x44: {  	_ =	shalt  }
0x45: {  	_ =	shalt  }
0x46: {  	_ =	shalt  }
0x47: {  	_ =	shalt  }
0x48: {  	_ =	shalt  }
0x49: {  	_ =	shalt  }
0x4a: {  	_ =	shalt  }
0x4b: {  	_ =	shalt  }
0x4c: {  	_ =	shalt  }
0x4d: {  	_ =	shalt  }
0x4e: {  	_ =	shalt  }
0x4f: {  	_ =	shalt  }
0x50: {  	_ =	shalt  }
0x51: {  	_ =	shalt  }
0x52: {  	_ =	shalt  }
0x53: {  	_ =	shalt  }
0x54: {  	_ =	shalt  }
0x55: {  	_ =	shalt  }
0x56: {  	_ =	shalt  }
0x57: {  	_ =	shalt  }
0x58: {  	_ =	shalt  }
0x59: {  	_ =	shalt  }
0x5a: {  	_ =	shalt  }
0x5b: {  	_ =	shalt  }
0x5c: {  	_ =	shalt  }
0x5d: {  	_ =	shalt  }
0x5e: {  	_ =	shalt  }
0x5f: {  	_ =	shalt  }
0x60: {  	_ =	shalt  }
0x61: {  	_ =	shalt  }
0x62: {  	_ =	shalt  }
0x63: {  	_ =	shalt  }
0x64: {  	_ =	shalt  }
0x65: {  	_ =	shalt  }
0x66: {  	_ =	shalt  }
0x67: {  	_ =	shalt  }
0x68: {  	_ =	shalt  }
0x69: {  	_ =	shalt  }
0x6a: {  	_ =	shalt  }
0x6b: {  	_ =	shalt  }
0x6c: {  	_ =	shalt  }
0x6d: {  	_ =	shalt  }
0x6e: {  	_ =	shalt  }
0x6f: {  	_ =	shalt  }
0x70: {  	_ =	shalt  }
0x71: {  	_ =	shalt  }
0x72: {  	_ =	shalt  }
0x73: {  	_ =	shalt  }
0x74: {  	_ =	shalt  }
0x75: {  	_ =	shalt  }
0x76: {  	_ =	shalt  }
0x77: {  	_ =	shalt  }
0x78: {  	_ =	shalt  }
0x79: {  	_ =	shalt  }
0x7a: {  	_ =	shalt  }
0x7b: {  	_ =	shalt  }
0x7c: {  	_ =	shalt  }
0x7d: {  	_ =	shalt  }
0x7e: {  	_ =	shalt  }
0x7f: {  	_ =	shalt  }
0x80: {  	_ =	shalt  }
0x81: {  	_ =	shalt  }
0x82: {  	_ =	shalt  }
0x83: {  	_ =	shalt  }
0x84: {  	_ =	shalt  }
0x85: {  	_ =	shalt  }
0x86: {  	_ =	shalt  }
0x87: {  	_ =	shalt  }
.Lfunc_end0:
.L_simem_size_0:
called_computation.3_lowered:
.L_overlay_start_0:
0x88: {  	s2 =	sld [smem:$0x3FD9]  }
0x89: {  	s3 =	sld [smem:$0x3FFE];
	_ =	sdelay $0x1  }
0x8a: {  	s1 =	srdreg.scid  }
0x8b: {  	s0 =	sand.u32 $0x1, s1  }
0x8c: {  	s17 =	sshll.u32 s0, $0xA;
	s2 =	sadd.s32 s3, s2  }
0x8d: {  	s2 =	sadd.s32 s2, s17  }
0x8e: {  	[smem:$0x3FBA] =	sst s2  }
0x8f: {  	_ = 	snop  }
0x90: {  	(tm) =	ssettm $0x1  }
0x91: {  	s18 =	sld [smem:$0x3FFB];
	_ =	sdelay $0x3  }
0x92: {  	_ =	strace s18  }
0x93: {  	s2 =	sld [smem:$0x3FFC];
	_ =	sdelay $0x3  }
0x94: {  	_ =	strace s2  }
0x95: {  	s2 =	sld [smem:$0x3FFD];
	_ =	sdelay $0x3  }
0x96: {  	_ =	strace s2  }
0x97: {  	_ =	strace $0x8FFFFFFF  }
0x98: {  	s19 =	sld [smem:$0x3FDB];
	_ =	sdelay $0x1  }
0x99: {  	s20 =	simm.s32 $_scs_section_size  }
0x9a: {  	s4 =	simm.s32 $_size__tile_overlayer_lowered;
	s5 =	simm.s32 $_tile_overlayer_lowered  }
0x9b: {  	s6 =	simm.s32 $0x1BFF;
	s21 =	sshll.u32 s5, $0x1;
	s3 =	sadd.s32 s20, s19  }
0x9c: {  	s22 =	simm.s32 $0x0;
	s4 =	sshll.u32 s4, $0x1;
	s5 =	sadd.s32 s21, s3  }
0x9d: {  	[timem:s22], [sflag:s6] =	dma.local [hbm:s5], s4  }
0x9e: {  	_ =	swait.ge [sflag:s6], s4  }
0x9f: {  	s4 =	ssub.s32 $0x0, s4;
	[sflag:s6] =	ssyncset.done $0x0  }
0xa0: {  	[sflag:s6] =	ssyncadd.s32 s4;
	_ =	sdelay $0x1  }
0xa1: {  	s23 =	simm.s32 $0x1B8B  }
0xa2: {  	_ =	swait.ge [sflag:s23], $0x1  }
0xa3: {  	[sflag:s23] =	ssyncset.done $0x0  }
0xa4: {  	[sflag:s23] =	ssyncadd.s32 $0xFFFFFFFF  }
0xa5: {  	s4 =	sld [smem:$0x0]  }
0xa6: {  	s5 =	sand.u32 $0xFFFFFFFE, s1  }
0xa7: {  	p0 =	sne.s32 s1, s5  }
0xa8: {  	s5 =	sshll.u32 @p0 s5, $0xE  }
0xa9: {  	s5 =	sadd.s32 @p0 $0x11B8D, s5;
	s6 =	sshll.u32 @p0 s4, $0x11  }
0xaa: {  	s5 =	sor.u32 @p0 s6, s5  }
0xab: {  	[sflag:s5] =	ssyncadd.remote.s32 @p0 $0x1;
	_ =	sdelay $0x1  }
0xac: {  	s5 =	simm.s32 @p0 $0x1B8D  }
0xad: {  	_ =	swait.eq @p0 [sflag:s5], $0x1  }
0xae: {  	[sflag:s5] =	ssyncadd.s32 @p0 $0xFFFFFFFF  }
0xaf: {  	s6 =	sshll.u32 @!p0 s1, $0xE  }
0xb0: {  	s6 =	sor.u32 @!p0 $0x4000, s6;
	s5 =	simm.s32 @!p0 $0x1B8D  }
0xb1: {  	s4 =	sshll.u32 @!p0 s4, $0x11;
	s6 =	sadd.s32 @!p0 $0x11B8D, s6;
	_ =	swait.eq @!p0 [sflag:s5], $0x1  }
0xb2: {  	s4 =	sor.u32 @!p0 s4, s6;
	[sflag:s5] =	ssyncadd.s32 @!p0 $0xFFFFFFFF  }
0xb3: {  	s25 =	simm.s32 $0x1B8E;
	s24 =	sld [smem:$0x3FFE];
	[sflag:s4] =	ssyncadd.remote.s32 @!p0 $0x1  }
0xb4: {  	s26 =	simm.s32 $execute0_lowered;
	[smem:$0x3FD2] =	sst s25  }
0xb5: {  	s5 =	sshll.u32 s26, $0x1;
	_ =	strace $0x8000004C;
	[dreg:$0x1] =	wrdreg $0xFFFFFFFF  }
0xb6: {  	s28 =	simm.s32 $_size_execute0_lowered;
	s3 =	sadd.s32 s3, s5;
	[dreg:$0x0] =	wrdreg $0x0  }
0xb7: {  	s5 =	sshll.u32 s28, $0x1;
	[dreg:$0x2] =	wrdreg s3  }
0xb8: {  	[dreg:$0x3] =	wrdreg s5  }
0xb9: {  	[dreg:$0x4] =	wrdreg $0xC0  }
0xba: {  	_ =	task [dreg:s22], $0x5FFFF  }
0xbb: {  	[dreg:$0x1] =	wrdreg $0xFFFFFFFF  }
0xbc: {  	[dreg:$0x0] =	wrdreg $0x60  }
0xbd: {  	[dreg:$0x2] =	wrdreg s24  }
0xbe: {  	[dreg:$0x3] =	wrdreg $0x98000  }
0xbf: {  	[dreg:$0x4] =	wrdreg $0xA  }
0xc0: {  	_ =	task.clear_ibuf [dreg:s22], $0x5FFFF;
	_ =	strace $0x9000004C  }
0xc1: {  	s29 =	simm.s32 $0xA;
	_ =	strace $0x8000004E  }
0xc2: {  	_ =	swait.ge [sflag:s29], $0x1  }
0xc3: {  	[sflag:s29] =	ssyncadd.s32 $0xFFFFFFFF  }
0xc4: {  	_ =	strace $0x9000004E  }
0xc5: {  	_ =	sfence  }
0xc6: {  	s30 =	sld [smem:$0x0];
	_ =	sdelay $0x2  }
0xc7: {  	s31 =	sshll.u32 s1, $0xD;
	s1 =	sshrl.u32 s1, $0x2  }
0xc8: {  	s4 =	sand.u32 $0x4000, s31;
	s1 =	sadd.s32 s1, s30  }
0xc9: {  	s0 =	sor.u32 s4, s0;
	s1 =	sshll.u32 s1, $0x11  }
0xca: {  	s0 =	sor.u32 s1, s0  }
0xcb: {  	s0 =	sadd.s32 $0x8F2B, s0  }
0xcc: {  	[sflag:s0] =	ssyncadd.remote.s32 $0x1  }
0xcd: {  	_ =	sfence.sel $0xFFFF  }
0xce: {  	[dreg:$0x0] =	wrdreg $0xFFFFFFFF;
	(pc) =	sbr.abs _section_cstart, $3  }
0xcf: {  	[dreg:$0x1] =	wrdreg $0xFFFFFFFF  }
0xd0: {  	_ =	task.clear_ibuf [dreg:s22], $0x2FFFF;
	_ =	strace $0x9FFFFFFF  }
0xd1: {  	(tm) =	ssettm $0x7FFFFFFF  }
tec
execute0_lowered:
.L_overlay_start_1:
0x0: {  	(tag) =	ssettag $0x1  }
0x1: {  	s1 =	srdreg.scid;
	s7 =	rddreg [dreg:$0x0]  }
0x2: {  	s0 =	stileid.u32;
	s2 =	rddreg [dreg:$0x1]  }
0x3: {  	s4 =	simm.s32 $0x0;
	s18 =	simm.s32 $0x1800;
	s19 =	simm.s32 $0x3  }
0x4: {  	s6 =	sand.u32 $0x1, s1;
	s29 =	sshll.u32 s0, $0x1;
	s9 =	smul.u32 $0x14000, s0  }
0x5: {  	[smem:$0x7FF] =	sst s4;
	s13 =	smul.u32 $0x50000, s0;
	p0 =	seq.s32 s0, $0x0  }
0x6: {  	s1 =	sor.u32 s6, s29;
	s8 =	smul.u32 $0x140000, s6;
	s6 =	ssub.s32 $0x2, s6  }
0x7: {  	s3 =	smul.u32 $0x27, s1;
	s1 =	smin.u32 s1, $0x2;
	s30 =	sshrl.u32 s6, $0x1  }
0x8: {  	s31 =	sshrl.u32 s13, $0x2;
	s8 =	sadd.s32 s9, s8;
	s16 =	ssub.s32 s6, s30  }
0x9: {  	s6 =	sadd.s32 s31, s2;
	s3 =	sadd.s32 s1, s3;
	s1 =	rddreg [dreg:$0x2]  }
0xa: {  	_ =	strace $0x8000004D;
	s8 =	sshrl.u32 s8, $0x3;
	s11 =	sadd.s32 $0xEA6, s3  }
0xb: {  	s9 =	sadd.s32 $0xC000, s6;
	s16 =	smax.u32 s16, $0x1;
	s5 =	sand.u32 $0x1FF8, s11  }
0xc: {  	s15 =	sadd.s32 s8, s7;
	s8 =	sadd.s32 $0x8000, s6;
	s12 =	smin.u32 s5, $0x1358  }
0xd: {  	s17 =	sshll.u32 s3, $0xB;
	s5 =	sadd.s32 $0x4F9000, s7;
	s10 =	sshll.u32 s12, $0x4  }
0xe: {  	s11 =	ssub.s32 s11, s12;
	s13 =	sadd.s32 s5, s17;
	s17 =	sadd.s32 $0x13800, s17  }
0xf: {  	s14 =	sadd.s32 s10, s7;
	s7 =	sadd.s32 $0x4000, s6;
	s17 =	sand.u32 $0x1FFFF800, s17  }
0x10: {  	s12 =	sadd.s32 $0x3600, s14;
	s14 =	sadd.s32 $0x17000, s15;
	s15 =	simm.s32 $0x27  }
0x11: {  	v0 =	vimm.f32 $0.0e+00;
	s10 =	sadd.s32 $0x10000, s6;
	s17 =	sadd.s32 s5, s17;
	s15 =	simm.s32 @!p0 $0x26  }
.LBB2_1:
0x12: {  	s20 =	simm.s32 $0x0;
	s21 =	simm.s32 $0x200  }
.LBB2_2:
0x13: {  	p0 =	sne.s32 s21, $0xFE00;
	[tilespmem:s20+$0x1870] =	vst v0  }
0x14: {  	[tilespmem:s20+$0x1800] =	vst v0  }
0x15: {  	[tilespmem:s20+$0x1810] =	vst v0  }
.Ltmp0:
0x16: {  	[tilespmem:s20+$0x1820] =	vst v0;
	(pc) =	sbr.rel @p0 .LBB2_2-.Ltmp0, $4  }
0x17: {  	[tilespmem:s20+$0x1830] =	vst v0  }
0x18: {  	[tilespmem:s20+$0x1840] =	vst v0  }
0x19: {  	[tilespmem:s20+$0x1850] =	vst v0  }
0x1a: {  	[tilespmem:s20+$0x1860] =	vst v0;
	s20 =	sshra.s32 s21, $0x2;
	s21 =	sadd.s32 $0x200, s21  }
0x1b: {  	[tilespmem:s20+$0x1870] =	vst v0  }
0x1c: {  	[tilespmem:s20+$0x1800] =	vst v0  }
0x1d: {  	[tilespmem:s20+$0x1810] =	vst v0  }
0x1e: {  	[tilespmem:s20+$0x1820] =	vst v0  }
0x1f: {  	[tilespmem:s20+$0x1830] =	vst v0  }
0x20: {  	[tilespmem:s20+$0x1840] =	vst v0  }
0x21: {  	[tilespmem:s20+$0x1850] =	vst v0  }
0x22: {  	[tilespmem:s20+$0x1860] =	vst v0  }
0x23: {  	[spmem:s6] =	stream.linear.scatter [tilespmem:s18], [sflag:$0x3], $0x4000, $0x38;
	[tilespmem:$0x1D800] =	vst v63  }
0x24: {  	_ =	swait.ge [sflag:s19], $0x4000  }
0x25: {  	[sflag:s19] =	ssyncset.done $0x0  }
0x26: {  	[sflag:s19] =	ssyncadd.s32 $0xFFFFC000  }
0x27: {  	[spmem:s7] =	stream.linear.scatter [tilespmem:s18], [sflag:$0x3], $0x4000, $0x38;
	[tilespmem:$0x1D800] =	vst v63  }
0x28: {  	_ =	swait.ge [sflag:s19], $0x4000  }
0x29: {  	[sflag:s19] =	ssyncset.done $0x0  }
0x2a: {  	[sflag:s19] =	ssyncadd.s32 $0xFFFFC000  }
0x2b: {  	[spmem:s8] =	stream.linear.scatter [tilespmem:s18], [sflag:$0x3], $0x4000, $0x38;
	[tilespmem:$0x1D800] =	vst v63  }
0x2c: {  	_ =	swait.ge [sflag:s19], $0x4000  }
0x2d: {  	[sflag:s19] =	ssyncset.done $0x0  }
0x2e: {  	[sflag:s19] =	ssyncadd.s32 $0xFFFFC000  }
0x2f: {  	[spmem:s9] =	stream.linear.scatter [tilespmem:s18], [sflag:$0x3], $0x4000, $0x38;
	[tilespmem:$0x1D800] =	vst v63  }
0x30: {  	_ =	swait.ge [sflag:s19], $0x4000  }
0x31: {  	[sflag:s19] =	ssyncset.done $0x0  }
0x32: {  	[sflag:s19] =	ssyncadd.s32 $0xFFFFC000  }
0x33: {  	[spmem:s10] =	stream.linear.scatter [tilespmem:s18], [sflag:$0x3], $0x4000, $0x38;
	[tilespmem:$0x1D800] =	vst v63  }
0x34: {  	_ =	swait.ge [sflag:s19], $0x4000  }
0x35: {  	[sflag:s19] =	ssyncset.done $0x0  }
0x36: {  	[sflag:s19] =	ssyncadd.s32 $0xFFFFC000  }
0x37: {  	s20 =	simm.s32 $0x0;
	[bflag:$0x0] =	sbarrier.arrive $0xFFFF  }
0x38: {  	[tilespmem:s20], [sflag:$0x3] =	stream.linear.gather [hbm4b:s12+s20], $0x1800, $0x38;
	[tilespmem:$0x1D800] =	vst v63  }
0x39: {  	_ =	swait.ge [sflag:s19], $0x1800  }
0x3a: {  	[sflag:s19] =	ssyncset.done $0x0  }
0x3b: {  	[sflag:s19] =	ssyncadd.s32 $0xFFFFE800  }
0x3c: {  	[tilespmem:s18], [sflag:$0x1] =	stream.linear.gather [hbm4b:s13+s20], $0x4000, $0x38;
	[tilespmem:$0x1D800] =	vst v63  }
.LBB2_4:
0x3d: {  	s21 =	sand.u32 $0x1, s20  }
0x3e: {  	p0 =	seq.s32 s21, $0x1  }
0x3f: {  	s21 =	simm.s32 @p0 $0x2;
	s22 =	sadd.s32 @p0 $0x1, s20  }
0x40: {  	_ =	swait.ge @p0 [sflag:s21], $0x4000;
	s23 =	sadd.s32 @p0 s3, s22  }
0x41: {  	[sflag:s21] =	ssyncset.done @p0 $0x0;
	s23 =	sshll.u32 @p0 s23, $0xB  }
0x42: {  	s24 =	sadd.s32 s11, s20;
	[sflag:s21] =	ssyncadd.s32 @p0 $0xFFFFC000;
	s21 =	sand.u32 @p0 $0x1FFFF800, s23  }
0x43: {  	s25 =	simm.s32 @p0 $0x1800;
	s23 =	simm.s32 @p0 $0x0;
	s21 =	sadd.s32 @p0 s5, s21  }
0x44: {  	[tilespmem:s25], [sflag:$0x1] =	stream.linear.gather @p0 [hbm4b:s21+s23], $0x4000, $0x38;
	[tilespmem:$0x1D800] =	vst v63  }
0x45: {  	s21 =	sshll.u32 @p0 s24, $0x9  }
0x46: {  	s23 =	simm.s32 @p0 $0x80;
	s25 =	simm.s32 @p0 $0x5800;
	s21 =	sshra.s32 @p0 s21, $0x2  }
0x47: {  	[spmem:s2] =	stream.indirect.scatter.add.f32 @p0 [tilespmem:s25], [sflag:$0x3], $0x80, s21, s23, $0xb8;
	[tilespmem:$0x1D800] =	vst v63  }
0x48: {  	s21 =	simm.s32 @p0 $0x3  }
0x49: {  	_ =	swait.ge @p0 [sflag:s21], $0x4000  }
0x4a: {  	[sflag:s21] =	ssyncset.done @p0 $0x0  }
0x4b: {  	s20 =	sor.u32 @!p0 $0x1, s20;
	[sflag:s21] =	ssyncadd.s32 @p0 $0xFFFFC000;
	s21 =	simm.s32 @!p0 $0x1  }
0x4c: {  	s23 =	sadd.s32 @!p0 s3, s20;
	_ =	swait.ge @!p0 [sflag:s21], $0x4000  }
0x4d: {  	s23 =	sshll.u32 @!p0 s23, $0xB;
	[sflag:s21] =	ssyncset.done @!p0 $0x0  }
0x4e: {  	s25 =	simm.s32 @!p0 $0x5800;
	[sflag:s21] =	ssyncadd.s32 @!p0 $0xFFFFC000;
	s21 =	sand.u32 @!p0 $0x1FFFF800, s23  }
0x4f: {  	s20 =	smov.u32 @p0 s22;
	s23 =	simm.s32 @!p0 $0x0;
	s21 =	sadd.s32 @!p0 s5, s21  }
0x50: {  	[tilespmem:s25], [sflag:$0x2] =	stream.linear.gather @!p0 [hbm4b:s21+s23], $0x4000, $0x38;
	[tilespmem:$0x1D800] =	vst v63  }
0x51: {  	p1 =	sne.s32 s20, s15;
	s21 =	sshll.u32 @!p0 s24, $0x9  }
0x52: {  	s23 =	simm.s32 @!p0 $0x80;
	s24 =	simm.s32 @!p0 $0x1800;
	s21 =	sshra.s32 @!p0 s21, $0x2  }
0x53: {  	[spmem:s2] =	stream.indirect.scatter.add.f32 @!p0 [tilespmem:s24], [sflag:$0x4], $0x80, s21, s23, $0xb8;
	[tilespmem:$0x1D800] =	vst v63  }
.Ltmp1:
0x54: {  	_ = 	snop;
	(pc) =	sbr.rel @p1 .LBB2_4-.Ltmp1, $4  }
0x55: {  	s21 =	simm.s32 @!p0 $0x4  }
0x56: {  	_ =	swait.ge @!p0 [sflag:s21], $0x4000  }
0x57: {  	[sflag:s21] =	ssyncset.done @!p0 $0x0  }
0x58: {  	[sflag:s21] =	ssyncadd.s32 @!p0 $0xFFFFC000  }
0x59: {  	s21 =	sand.u32 $0x1, s20  }
0x5a: {  	p0 =	seq.s32 s21, $0x0  }
0x5b: {  	s21 =	simm.s32 @p0 $0x1  }
0x5c: {  	p1 =	sne.s32 @p0 s0, $0x0;
	_ =	swait.ge @p0 [sflag:s21], $0x4000  }
0x5d: {  	p1 =	por p1, !p0;
	[sflag:s21] =	ssyncset.done @p0 $0x0  }
0x5e: {  	s22 =	simm.s32 @!p1 $0x5800;
	[sflag:s21] =	ssyncadd.s32 @p0 $0xFFFFC000;
	s21 =	simm.s32 @!p1 $0x0  }
0x5f: {  	[tilespmem:s22], [sflag:$0x2] =	stream.linear.gather @!p1 [hbm4b:s17+s21], $0x4000, $0x38;
	[tilespmem:$0x1D800] =	vst v63  }
0x60: {  	s21 =	sadd.s32 @p0 s11, s20  }
0x61: {  	s21 =	sshll.u32 @p0 s21, $0x9  }
0x62: {  	s23 =	simm.s32 @p0 $0x1800;
	s22 =	simm.s32 @p0 $0x80;
	s21 =	sshra.s32 @p0 s21, $0x2  }
0x63: {  	[spmem:s2] =	stream.indirect.scatter.add.f32 @p0 [tilespmem:s23], [sflag:$0x4], $0x80, s21, s22, $0xb8;
	[tilespmem:$0x1D800] =	vst v63  }
0x64: {  	s21 =	simm.s32 @!p0 $0x2  }
0x65: {  	p1 =	sge.u32 @!p0 s20, s15;
	s20 =	sadd.s32 @!p0 s11, s20;
	_ =	swait.ge @!p0 [sflag:s21], $0x4000  }
0x66: {  	p1 =	por p1, p0;
	s20 =	sshll.u32 @!p0 s20, $0x9;
	[sflag:s21] =	ssyncset.done @!p0 $0x0  }
0x67: {  	s22 =	simm.s32 @!p1 $0x1800;
	[sflag:s21] =	ssyncadd.s32 @!p0 $0xFFFFC000;
	s21 =	simm.s32 @!p1 $0x0  }
0x68: {  	[tilespmem:s22], [sflag:$0x1] =	stream.linear.gather @!p1 [hbm4b:s17+s21], $0x4000, $0x38;
	[tilespmem:$0x1D800] =	vst v63  }
0x69: {  	s20 =	sshra.s32 @!p0 s20, $0x2;
	s21 =	simm.s32 @!p0 $0x80;
	s22 =	simm.s32 @!p0 $0x5800  }
0x6a: {  	[spmem:s2] =	stream.indirect.scatter.add.f32 @!p0 [tilespmem:s22], [sflag:$0x3], $0x80, s20, s21, $0xb8;
	[tilespmem:$0x1D800] =	vst v63  }
0x6b: {  	s20 =	simm.s32 @!p0 $0x3  }
0x6c: {  	s20 =	simm.s32 @p0 $0x4  }
0x6d: {  	_ =	swait.ge [sflag:s20], $0x4000  }
0x6e: {  	s30 =	sshll.u32 s0, $0x6;
	s4 =	sadd.s32 $0x1, s4;
	[sflag:s20] =	ssyncset.done $0x0  }
0x6f: {  	s31 =	sshrl.u32 s6, $0x3;
	p0 =	sne.s32 s4, s16;
	[sflag:s20] =	ssyncadd.s32 $0xFFFFC000  }
.Ltmp2:
0x70: {  	s20 =	sor.u32 $0x1C03, s30;
	[bflag:$0x0] =	sbarrier.arrive $0xFFFF;
	(pc) =	sbr.rel @p0 .LBB2_1-.Ltmp2, $4  }
0x71: {  	[hbm:s14], [sflag:s20] =	dma.local [spmem:s31], $0x2800  }
0x72: {  	_ =	swait.ge [sflag:s19], $0x2800  }
0x73: {  	[sflag:s19] =	ssyncset.done $0x0  }
0x74: {  	[sflag:s19] =	ssyncadd.s32 $0xFFFFD800  }
0x75: {  	_ =	sfence.sel $0x180000  }
0x76: {  	[bflag:$0x0] =	sbarrier.arrive $0xFFFF  }
0x77: {  	p0 =	sne.s32 s0, $0x0;
	_ =	strace $0x9000004D  }
0x78: {  	s0 =	sadd.s32 @!p0 $0x100000, s1;
	[bflag:$0x2] =	sbarrier.arrive $0xFFFF  }
0x79: {  	[sflag:s0] =	ssyncadd.tile.s32 @!p0 $0x1;
	_ =	shalt  }
.Lfunc_end2:
_tile_overlayer_lowered:
.L_overlay_start_2:
0x7a: {  	(tag) =	ssettag $0x2  }
0x7b: {  	s0 =	rddreg [dreg:$0x0];
	s2 =	stileid.u32  }
0x7c: {  	s1 =	rddreg [dreg:$0x1];
	p0 =	sne.s32 s2, $0x0  }
0x7d: {  	s3 =	rddreg [dreg:$0x2];
	[bflag:$0x3] =	sbarrier.arrive $0xFFFF;
	s2 =	simm.s32 @!p0 $0x1C03  }
0x7e: {  	[timem:s3], [sflag:s2] =	dma.local @!p0 [hbm:s0], s1  }
0x7f: {  	s0 =	simm.s32 @!p0 $0x3  }
0x80: {  	_ =	swait.ge @!p0 [sflag:s0], s1  }
0x81: {  	s1 =	ssub.s32 @!p0 $0x0, s1;
	[sflag:s0] =	ssyncset.done @!p0 $0x0  }
0x82: {  	[sflag:s0] =	ssyncadd.s32 @!p0 s1  }
0x83: {  	[bflag:$0x3] =	sbarrier.arrive $0xFFFF  }
0x84: {  	_ =	shalt  }

</sc_bundles>
